<compile_context>
chip_gen: v7x
topology: tpu7x:2x2x1
jax: 0.10.2.dev20260603
libtpu: 0.0.44.dev20260713+nightly
codegen_flags: <defaults>
</compile_context>

<pallas_src>
import functools

import jax
import jax.numpy as jnp
from jax import lax
from jax.experimental import pallas as pl
from jax.experimental.pallas import tpu as pltpu
from jax.experimental.pallas import tpu_sc as plsc

N_NODES = 10000
D = 128
EPS = 1e-5

NC = 2
NS = 16
L = 16
NW = NC * NS

CHUNK = 128
FAST_CORE = 1
NF_CHUNKS = 80
NS_CHUNKS = 80
N_PAD = 10240
ROWS_PER_TILE = N_PAD // NS
DEG_W = 8


def _zero_vmem_rows(ref, nrows, ncols):
    z = jnp.zeros((L,), jnp.float32)

    def body(r, carry):
        for k in range(ncols // L):
            ref[r, pl.ds(k * L, L)] = z
        return carry

    lax.fori_loop(0, nrows, body, 0)


def _fill_ones_rows(ref, nrows, ncols):
    o = jnp.ones((L,), jnp.float32)

    def body(r, carry):
        for k in range(ncols // L):
            ref[r, pl.ds(k * L, L)] = o
        return carry

    lax.fori_loop(0, nrows, body, 0)


def _sc_degree(dst_idx):
    nchunks = dst_idx.shape[1]
    mesh = plsc.VectorSubcoreMesh(core_axis_name="c", subcore_axis_name="s")

    @functools.partial(
        pl.kernel,
        out_type=jax.ShapeDtypeStruct((NC, N_PAD, DEG_W), jnp.float32),
        mesh=mesh,
        scratch_types=[
            pltpu.VMEM((nchunks, CHUNK), jnp.int32),
            pltpu.VMEM((CHUNK, DEG_W), jnp.float32),
            pltpu.VMEM((CHUNK, DEG_W), jnp.float32),
            pltpu.VMEM_SHARED((N_PAD, DEG_W), jnp.float32),
        ],
    )
    def k(dst_hbm, out_hbm, dst_v, ones_v, buf_v, cnt_sh):
        c = lax.axis_index("c")
        s = lax.axis_index("s")
        wid = s * NC + c
        base = s * ROWS_PER_TILE

        _fill_ones_rows(ones_v, CHUNK, DEG_W)
        _zero_vmem_rows(buf_v, CHUNK, DEG_W)
        for b in range(ROWS_PER_TILE // CHUNK):
            pltpu.sync_copy(buf_v, cnt_sh.at[pl.ds(base + b * CHUNK, CHUNK)])
        plsc.subcore_barrier()

        pltpu.sync_copy(dst_hbm.at[wid], dst_v)

        def body(j, carry):
            pltpu.sync_copy(ones_v, cnt_sh.at[dst_v.at[j]], add=True)
            return carry

        lax.fori_loop(0, nchunks, body, 0)
        plsc.subcore_barrier()

        out_c = out_hbm.at[c]
        for b in range(ROWS_PER_TILE // CHUNK):
            r = base + b * CHUNK
            pltpu.sync_copy(cnt_sh.at[pl.ds(r, CHUNK)], buf_v)
            pltpu.sync_copy(buf_v, out_c.at[pl.ds(r, CHUNK)])

    return k(dst_idx)


def _sc_edge_scatter(g, src_idx, dst_idx):
    nchunks = src_idx.shape[1]
    assert nchunks == NF_CHUNKS >= NS_CHUNKS
    mesh = plsc.VectorSubcoreMesh(core_axis_name="c", subcore_axis_name="s")

    @functools.partial(
        pl.kernel,
        out_type=jax.ShapeDtypeStruct((NC, N_PAD, D), jnp.float32),
        mesh=mesh,
        scratch_types=[
            pltpu.VMEM((nchunks, CHUNK), jnp.int32),
            pltpu.VMEM((nchunks, CHUNK), jnp.int32),
            pltpu.VMEM((CHUNK, D), jnp.float32),
            pltpu.VMEM_SHARED((N_PAD, D), jnp.float32),
            pltpu.SemaphoreType.DMA,
        ],
    )
    def k(g_hbm, src_hbm, dst_hbm, out_hbm, src_v, dst_v, rows_v, acc_sh,
          sem):
        c = lax.axis_index("c")
        s = lax.axis_index("s")
        wid = s * NC + c
        base = s * ROWS_PER_TILE

        _zero_vmem_rows(rows_v, CHUNK, D)
        for b in range(ROWS_PER_TILE // CHUNK):
            pltpu.sync_copy(rows_v,
                            acc_sh.at[pl.ds(base + b * CHUNK, CHUNK)])
        plsc.subcore_barrier()

        pltpu.sync_copy(src_hbm.at[wid], src_v)
        pltpu.sync_copy(dst_hbm.at[wid], dst_v)

        def body(j, carry):
            pltpu.async_copy(g_hbm.at[src_v.at[j]], rows_v, sem).wait()
            pltpu.sync_copy(rows_v, acc_sh.at[dst_v.at[j]], add=True)
            return carry

        lax.fori_loop(0, nchunks, body, 0)
        plsc.subcore_barrier()

        out_c = out_hbm.at[c]
        for b in range(ROWS_PER_TILE // CHUNK):
            r = base + b * CHUNK
            pltpu.sync_copy(acc_sh.at[pl.ds(r, CHUNK)], rows_v)
            pltpu.sync_copy(rows_v, out_c.at[pl.ds(r, CHUNK)])

    return k(g, src_idx, dst_idx)


BR = 2000
NB = N_NODES // BR


def _bn_apply(y, stats, gamma, beta):
    mean = stats[0:1, :] * (1.0 / N_NODES)
    var = stats[1:2, :] * (1.0 / N_NODES) - mean * mean
    return (y - mean) * lax.rsqrt(var + EPS) * gamma + beta


def _dinv_from_deg(deg_blk):
    d = deg_blk[0, :, 0:1] + deg_blk[1, :, 0:1] + 1.0
    return lax.rsqrt(d)


def _mm(a, b):
    return jnp.dot(a, b, precision=lax.Precision.HIGHEST,
                   preferred_element_type=jnp.float32)


def _accum_stats(stats_ref, y):
    st = jnp.concatenate(
        [jnp.sum(y, axis=0, keepdims=True),
         jnp.sum(y * y, axis=0, keepdims=True),
         jnp.zeros((6, D), jnp.float32)], axis=0)
    i = pl.program_id(0)

    @pl.when(i == 0)
    def _():
        stats_ref[...] = st

    @pl.when(i != 0)
    def _():
        stats_ref[...] += st


_row_spec = pl.BlockSpec((BR, D), lambda i: (i, 0))
_full_spec = pl.BlockSpec((1, D), lambda i: (0, 0))
_stats_spec = pl.BlockSpec((8, D), lambda i: (0, 0))
_deg_spec = pl.BlockSpec((2, BR, DEG_W), lambda i: (0, i, 0))
_acc_spec = pl.BlockSpec((2, BR, D), lambda i: (0, i, 0))
_w_spec = pl.BlockSpec((D, D), lambda i: (0, 0))

_mat = jax.ShapeDtypeStruct((N_NODES, D), jnp.float32)
_stats_t = jax.ShapeDtypeStruct((8, D), jnp.float32)


def _tc_fc_stats(x, fc_W, fc_b):
    def body(x_ref, w_ref, b_ref, y_ref, stats_ref):
        y = _mm(x_ref[...], w_ref[...]) + b_ref[...]
        y_ref[...] = y
        _accum_stats(stats_ref, y)

    return pl.pallas_call(
        body,
        grid=(NB,),
        in_specs=[_row_spec, _w_spec, _full_spec],
        out_specs=(_row_spec, _stats_spec),
        out_shape=(_mat, _stats_t),
    )(x, fc_W, fc_b)


def _tc_pre_stats(accs, g_cur, conv_b, deg2):
    def body(acc_ref, g_ref, cb_ref, deg_ref, pre_ref, stats_ref):
        dinv = _dinv_from_deg(deg_ref[...])
        acc = acc_ref[0] + acc_ref[1]
        pre = dinv * (acc + g_ref[...]) + cb_ref[...]
        pre_ref[...] = pre
        _accum_stats(stats_ref, pre)

    return pl.pallas_call(
        body,
        grid=(NB,),
        in_specs=[_acc_spec, _row_spec, _full_spec, _deg_spec],
        out_specs=(_row_spec, _stats_spec),
        out_shape=(_mat, _stats_t),
    )(accs, g_cur, conv_b, deg2)


def _tc_bn_mm(y, stats, bn_g, bn_b, next_W, deg2, h_res=None):
    def body(*refs):
        if h_res is None:
            (y_ref, st_ref, bg_ref, bb_ref, w_ref, deg_ref,
             h_ref, gn_ref) = refs
            res = 0.0
        else:
            (y_ref, st_ref, bg_ref, bb_ref, w_ref, deg_ref, res_ref,
             h_ref, gn_ref) = refs
            res = res_ref[...]
        h = jnp.maximum(
            _bn_apply(y_ref[...], st_ref[...], bg_ref[...], bb_ref[...]), 0.0
        ) + res
        dinv = _dinv_from_deg(deg_ref[...])
        h_ref[...] = h
        gn_ref[...] = _mm(h, w_ref[...]) * dinv

    in_specs = [_row_spec, _stats_spec, _full_spec, _full_spec, _w_spec,
                _deg_spec]
    args = [y, stats, bn_g, bn_b, next_W, deg2]
    if h_res is not None:
        in_specs.append(_row_spec)
        args.append(h_res)
    return pl.pallas_call(
        body,
        grid=(NB,),
        in_specs=in_specs,
        out_specs=(_row_spec, _row_spec),
        out_shape=(_mat, _mat),
    )(*args)


def _tc_bn_res(y, stats, bn_g, bn_b, h_res):
    def body(y_ref, st_ref, bg_ref, bb_ref, res_ref, out_ref):
        out_ref[...] = jnp.maximum(
            _bn_apply(y_ref[...], st_ref[...], bg_ref[...], bb_ref[...]), 0.0
        ) + res_ref[...]

    return pl.pallas_call(
        body,
        grid=(NB,),
        in_specs=[_row_spec, _stats_spec, _full_spec, _full_spec, _row_spec],
        out_specs=_row_spec,
        out_shape=_mat,
    )(y, stats, bn_g, bn_b, h_res)


def kernel(x, edge_index, fc_W, fc_b, bn0_g, bn0_b, conv_W1, conv_b1,
           bn1_g, bn1_b, conv_W2, conv_b2, bn2_g, bn2_b):
    E = edge_index.shape[1]
    src = edge_index[0]
    dst = edge_index[1]

    nchunks_d = -(-E // (NW * CHUNK))
    pad_d = NW * nchunks_d * CHUNK - E
    dst_idx_d = jnp.concatenate(
        [dst, jnp.full((pad_d,), N_NODES, jnp.int32)]
    ).reshape(NW, nchunks_d, CHUNK)

    cap = NS * (NF_CHUNKS + NS_CHUNKS) * CHUNK
    assert cap >= E
    pad = cap - E
    src_p = jnp.concatenate([src, jnp.zeros((pad,), jnp.int32)])
    dst_p = jnp.concatenate([dst, jnp.full((pad,), N_NODES, jnp.int32)])
    nfe = NS * NF_CHUNKS * CHUNK

    def interleave(arr_p, fill):
        fastpart = arr_p[:nfe].reshape(NS, NF_CHUNKS, CHUNK)
        slowpart = arr_p[nfe:].reshape(NS, NS_CHUNKS, CHUNK)
        slow_pad = jnp.concatenate(
            [slowpart,
             jnp.full((NS, NF_CHUNKS - NS_CHUNKS, CHUNK), fill, jnp.int32)],
            axis=1)
        pair = [slow_pad, fastpart] if FAST_CORE == 1 else [fastpart, slow_pad]
        return jnp.stack(pair, axis=1).reshape(NW, NF_CHUNKS, CHUNK)

    src_idx = interleave(src_p, 0)
    dst_idx = interleave(dst_p, N_NODES)

    deg2 = _sc_degree(dst_idx_d)[:, :N_NODES, :]

    fc_b2 = fc_b.reshape(1, D)
    bn0_g2, bn0_b2 = bn0_g.reshape(1, D), bn0_b.reshape(1, D)
    bn1_g2, bn1_b2 = bn1_g.reshape(1, D), bn1_b.reshape(1, D)
    bn2_g2, bn2_b2 = bn2_g.reshape(1, D), bn2_b.reshape(1, D)
    b1_2, b2_2 = conv_b1.reshape(1, D), conv_b2.reshape(1, D)

    y0, st0 = _tc_fc_stats(x, fc_W, fc_b2)
    h0, g1 = _tc_bn_mm(y0, st0, bn0_g2, bn0_b2, conv_W1, deg2)
    accs1 = _sc_edge_scatter(g1, src_idx, dst_idx)
    pre1, st1 = _tc_pre_stats(accs1, g1, b1_2, deg2)
    h1, g2 = _tc_bn_mm(pre1, st1, bn1_g2, bn1_b2, conv_W2, deg2, h_res=h0)
    accs2 = _sc_edge_scatter(g2, src_idx, dst_idx)
    pre2, st2 = _tc_pre_stats(accs2, g2, b2_2, deg2)
    return _tc_bn_res(pre2, st2, bn2_g2, bn2_b2, h1)

# --- scband reference (transcript-rebuilt; emitter-appended) ---
"""Pipeline reference for scband-graph-module-1949915152399 (READ-ONLY COPY).

The authoritative reference and input builder live on the scoring server;
editing this copy changes nothing except your own understanding.
"""

import jax, jax.numpy as jnp
import numpy as np

N = 10000
E = 320000
D = 128
EPS = 1e-5


def setup_inputs(seed: int = 0) -> dict:
    key = jax.random.key(seed)
    ks = jax.random.split(key, 10)
    inp = {
        "x": jax.random.normal(ks[0], (N, D), dtype=jnp.float32),
        "edge_index": jax.random.randint(ks[1], (2, E), 0, N, dtype=jnp.int32),
        "fc_W": jax.random.normal(ks[2], (D, D), dtype=jnp.float32) * 0.05,
        "fc_b": jnp.zeros((D,), dtype=jnp.float32),
        "bn0_g": jnp.ones((D,), dtype=jnp.float32),
        "bn0_b": jnp.zeros((D,), dtype=jnp.float32),
        "conv_W1": jax.random.normal(ks[3], (D, D), dtype=jnp.float32) * 0.05,
        "conv_b1": jnp.zeros((D,), dtype=jnp.float32),
        "bn1_g": jnp.ones((D,), dtype=jnp.float32),
        "bn1_b": jnp.zeros((D,), dtype=jnp.float32),
        "conv_W2": jax.random.normal(ks[4], (D, D), dtype=jnp.float32) * 0.05,
        "conv_b2": jnp.zeros((D,), dtype=jnp.float32),
        "bn2_g": jnp.ones((D,), dtype=jnp.float32),
        "bn2_b": jnp.zeros((D,), dtype=jnp.float32),
    }
    return inp


def _batchnorm(x, gamma, beta):
    # training-mode BatchNorm1d: batch statistics (biased variance), eps=1e-5
    mean = jnp.mean(x, axis=0)
    var = jnp.mean((x - mean) ** 2, axis=0)
    return (x - mean) / jnp.sqrt(var + EPS) * gamma + beta


def _gcn_conv(x, src, dst, W, b, num_nodes):
    # PyG GCNConv: x' = D^{-1/2}(A+I)D^{-1/2} (x W) + b
    h = x @ W
    loop = jnp.arange(num_nodes, dtype=src.dtype)
    src_sl = jnp.concatenate([src, loop])
    dst_sl = jnp.concatenate([dst, loop])
    deg = jnp.zeros((num_nodes,), dtype=h.dtype).at[dst_sl].add(1.0)
    deg_inv_sqrt = jnp.where(deg > 0, 1.0 / jnp.sqrt(deg), 0.0)
    norm = deg_inv_sqrt[src_sl] * deg_inv_sqrt[dst_sl]
    msgs = h[src_sl] * norm[:, None]
    out = jax.ops.segment_sum(msgs, dst_sl, num_segments=num_nodes)
    return out + b


def reference(x, edge_index, fc_W, fc_b, bn0_g, bn0_b, conv_W1, conv_b1, bn1_g, bn1_b, conv_W2, conv_b2, bn2_g, bn2_b):
    src = edge_index[0]
    dst = edge_index[1]
    num_nodes = x.shape[0]
    h = x @ fc_W + fc_b
    h = _batchnorm(h, bn0_g, bn0_b)
    h = jax.nn.relu(h)
    # dropout: identity (eval / deterministic)
    last = h
    # block 1
    h = _gcn_conv(h, src, dst, conv_W1, conv_b1, num_nodes)
    h = _batchnorm(h, bn1_g, bn1_b)
    h = jax.nn.relu(h)
    h = h + last
    last = h
    # block 2
    h = _gcn_conv(h, src, dst, conv_W2, conv_b2, num_nodes)
    h = _batchnorm(h, bn2_g, bn2_b)
    h = jax.nn.relu(h)
    h = h + last
    return h

if __name__ == "__main__":
    import jax
    _d = setup_inputs()
    print(jax.jit(kernel)(*tuple(_d.values())))

</pallas_src>

<mosaic_0001>
#map = affine_map<(d0, d1) -> (0, 0)>
#map1 = affine_map<(d0, d1) -> (0, 0, 0)>
module attributes {stable_mosaic.version = 14 : i64} {
  func.func @k(%arg0: i32, %arg1: i32, %arg2: memref<10000x128xf32, #tpu.memory_space<hbm>>, %arg3: memref<32x80x128xi32, #tpu.memory_space<hbm>>, %arg4: memref<32x80x128xi32, #tpu.memory_space<hbm>>, %arg5: memref<2x10240x128xf32, #tpu.memory_space<hbm>>, %arg6: memref<80x128xi32, #tpu.memory_space<vmem>>, %arg7: memref<80x128xi32, #tpu.memory_space<vmem>>, %arg8: memref<128x128xf32, #tpu.memory_space<vmem>>, %arg9: memref<10240x128xf32, #tpu.memory_space<vmem_shared>>, %arg10: memref<!tpu.dma_semaphore, #tpu.memory_space<semaphore_mem>>) attributes {dimension_semantics = [#tpu.dimension_semantics<core_parallel>, #tpu.dimension_semantics<subcore_parallel>], iteration_bounds = array<i64: 2, 16>, scalar_prefetch = 0 : i64, scratch_operands = 5 : i64, tpu.core_type = #tpu.core_type<sc_vector_subcore>, window_params = [{transform_indices = #map}, {transform_indices = #map1}, {transform_indices = #map1}, {transform_indices = #map1}]} {
    %mul3A = arith.constant 2 : i32
    %mul3A_0 = arith.muli %arg1, %mul3A : i32
    %add3A = arith.addi %mul3A_0, %arg0 : i32
    %mul3A_1 = arith.constant 640 : i32
    %mul3A_2 = arith.muli %arg1, %mul3A_1 : i32
    %broadcast_in_dim3A = arith.constant 0.000000e+00 : f32
    %broadcast_in_dim3A_3 = vector.broadcast %broadcast_in_dim3A : f32 to vector<16xf32>
    %scan3A = arith.constant 0 : i32
    %scan3A_4 = arith.constant 0 : i32
    %scan3A_5 = arith.constant 128 : i32
    %scan3A_6 = arith.addi %scan3A_4, %scan3A_5 : i32
    %scan3A_7 = arith.constant 1 : i32
    scf.for %scan3A_36 = %scan3A_4 to %scan3A_6 step %scan3A_7  : i32 {
      %swap3A = arith.index_cast %scan3A_36 : i32 to index
      %swap3A_37 = arith.constant 0 : index
      %swap3A_38 = tpu.vector_load %arg8[%swap3A, %swap3A_37] {strides = array<i32>} : memref<128x128xf32, #tpu.memory_space<vmem>>, vector<1x16xf32>,
      %swap3A_39 = vector.shape_cast %swap3A_38 : vector<1x16xf32> to vector<16xf32>
      %swap3A_40 = vector.shape_cast %broadcast_in_dim3A_3 : vector<16xf32> to vector<1x16xf32>
      tpu.vector_store %arg8[%swap3A, %swap3A_37], %swap3A_40 {strides = array<i32>} : memref<128x128xf32, #tpu.memory_space<vmem>>, vector<1x16xf32>,
      %swap3A_41 = arith.index_cast %scan3A_36 : i32 to index
      %swap3A_42 = arith.constant 16 : index
      %swap3A_43 = tpu.vector_load %arg8[%swap3A_41, %swap3A_42] {strides = array<i32>} : memref<128x128xf32, #tpu.memory_space<vmem>>, vector<1x16xf32>,
      %swap3A_44 = vector.shape_cast %swap3A_43 : vector<1x16xf32> to vector<16xf32>
      %swap3A_45 = vector.shape_cast %broadcast_in_dim3A_3 : vector<16xf32> to vector<1x16xf32>
      tpu.vector_store %arg8[%swap3A_41, %swap3A_42], %swap3A_45 {strides = array<i32>} : memref<128x128xf32, #tpu.memory_space<vmem>>, vector<1x16xf32>,
      %swap3A_46 = arith.index_cast %scan3A_36 : i32 to index
      %swap3A_47 = arith.constant 32 : index
      %swap3A_48 = tpu.vector_load %arg8[%swap3A_46, %swap3A_47] {strides = array<i32>} : memref<128x128xf32, #tpu.memory_space<vmem>>, vector<1x16xf32>,
      %swap3A_49 = vector.shape_cast %swap3A_48 : vector<1x16xf32> to vector<16xf32>
      %swap3A_50 = vector.shape_cast %broadcast_in_dim3A_3 : vector<16xf32> to vector<1x16xf32>
      tpu.vector_store %arg8[%swap3A_46, %swap3A_47], %swap3A_50 {strides = array<i32>} : memref<128x128xf32, #tpu.memory_space<vmem>>, vector<1x16xf32>,
      %swap3A_51 = arith.index_cast %scan3A_36 : i32 to index
      %swap3A_52 = arith.constant 48 : index
      %swap3A_53 = tpu.vector_load %arg8[%swap3A_51, %swap3A_52] {strides = array<i32>} : memref<128x128xf32, #tpu.memory_space<vmem>>, vector<1x16xf32>,
      %swap3A_54 = vector.shape_cast %swap3A_53 : vector<1x16xf32> to vector<16xf32>
      %swap3A_55 = vector.shape_cast %broadcast_in_dim3A_3 : vector<16xf32> to vector<1x16xf32>
      tpu.vector_store %arg8[%swap3A_51, %swap3A_52], %swap3A_55 {strides = array<i32>} : memref<128x128xf32, #tpu.memory_space<vmem>>, vector<1x16xf32>,
      %swap3A_56 = arith.index_cast %scan3A_36 : i32 to index
      %swap3A_57 = arith.constant 64 : index
      %swap3A_58 = tpu.vector_load %arg8[%swap3A_56, %swap3A_57] {strides = array<i32>} : memref<128x128xf32, #tpu.memory_space<vmem>>, vector<1x16xf32>,
      %swap3A_59 = vector.shape_cast %swap3A_58 : vector<1x16xf32> to vector<16xf32>
      %swap3A_60 = vector.shape_cast %broadcast_in_dim3A_3 : vector<16xf32> to vector<1x16xf32>
      tpu.vector_store %arg8[%swap3A_56, %swap3A_57], %swap3A_60 {strides = array<i32>} : memref<128x128xf32, #tpu.memory_space<vmem>>, vector<1x16xf32>,
      %swap3A_61 = arith.index_cast %scan3A_36 : i32 to index
      %swap3A_62 = arith.constant 80 : index
      %swap3A_63 = tpu.vector_load %arg8[%swap3A_61, %swap3A_62] {strides = array<i32>} : memref<128x128xf32, #tpu.memory_space<vmem>>, vector<1x16xf32>,
      %swap3A_64 = vector.shape_cast %swap3A_63 : vector<1x16xf32> to vector<16xf32>
      %swap3A_65 = vector.shape_cast %broadcast_in_dim3A_3 : vector<16xf32> to vector<1x16xf32>
      tpu.vector_store %arg8[%swap3A_61, %swap3A_62], %swap3A_65 {strides = array<i32>} : memref<128x128xf32, #tpu.memory_space<vmem>>, vector<1x16xf32>,
      %swap3A_66 = arith.index_cast %scan3A_36 : i32 to index
      %swap3A_67 = arith.constant 96 : index
      %swap3A_68 = tpu.vector_load %arg8[%swap3A_66, %swap3A_67] {strides = array<i32>} : memref<128x128xf32, #tpu.memory_space<vmem>>, vector<1x16xf32>,
      %swap3A_69 = vector.shape_cast %swap3A_68 : vector<1x16xf32> to vector<16xf32>
      %swap3A_70 = vector.shape_cast %broadcast_in_dim3A_3 : vector<16xf32> to vector<1x16xf32>
      tpu.vector_store %arg8[%swap3A_66, %swap3A_67], %swap3A_70 {strides = array<i32>} : memref<128x128xf32, #tpu.memory_space<vmem>>, vector<1x16xf32>,
      %swap3A_71 = arith.index_cast %scan3A_36 : i32 to index
      %swap3A_72 = arith.constant 112 : index
      %swap3A_73 = tpu.vector_load %arg8[%swap3A_71, %swap3A_72] {strides = array<i32>} : memref<128x128xf32, #tpu.memory_space<vmem>>, vector<1x16xf32>,
      %swap3A_74 = vector.shape_cast %swap3A_73 : vector<1x16xf32> to vector<16xf32>
      %swap3A_75 = vector.shape_cast %broadcast_in_dim3A_3 : vector<16xf32> to vector<1x16xf32>
      tpu.vector_store %arg8[%swap3A_71, %swap3A_72], %swap3A_75 {strides = array<i32>} : memref<128x128xf32, #tpu.memory_space<vmem>>, vector<1x16xf32>,
    }
    %scan3A_8 = arith.constant 128 : i32
    %add3A_9 = arith.constant 0 : i32
    %add3A_10 = arith.addi %mul3A_2, %add3A_9 : i32
    "tpu.region"() ({
      %run_scoped3A = tpu.sem_alloc : memref<!tpu.dma_semaphore, #tpu.memory_space<semaphore_mem>>
      %dma_start3A = arith.constant 0 : i32
      %dma_start3A_36 = tpu.memref_slice %arg9[%add3A_10, %dma_start3A] : memref<10240x128xf32, #tpu.memory_space<vmem_shared>> -> memref<128x128xf32, #tpu.memory_space<vmem_shared>>
      %dma_start3A_37 = arith.constant 0 : i32
      %dma_start3A_38 = tpu.memref_slice %arg9[%add3A_10, %dma_start3A_37] : memref<10240x128xf32, #tpu.memory_space<vmem_shared>> -> memref<128x128xf32, #tpu.memory_space<vmem_shared>>
      tpu.enqueue_dma source(%arg8 : memref<128x128xf32, #tpu.memory_space<vmem>>) target(%dma_start3A_38 : memref<128x128xf32, #tpu.memory_space<vmem_shared>>) target_semaphore(%run_scoped3A : memref<!tpu.dma_semaphore, #tpu.memory_space<semaphore_mem>>)
      %dma_wait3A = arith.constant 0 : i32
      %dma_wait3A_39 = tpu.memref_slice %arg9[%add3A_10, %dma_wait3A] : memref<10240x128xf32, #tpu.memory_space<vmem_shared>> -> memref<128x128xf32, #tpu.memory_space<vmem_shared>>
      %dma_wait3A_40 = arith.constant 0 : i32
      %dma_wait3A_41 = tpu.memref_slice %arg9[%add3A_10, %dma_wait3A_40] : memref<10240x128xf32, #tpu.memory_space<vmem_shared>> -> memref<128x128xf32, #tpu.memory_space<vmem_shared>>
      tpu.wait_dma2 semaphore(%run_scoped3A : memref<!tpu.dma_semaphore, #tpu.memory_space<semaphore_mem>>) src(%arg8 : memref<128x128xf32, #tpu.memory_space<vmem>>) dst(%dma_wait3A_41 : memref<128x128xf32, #tpu.memory_space<vmem_shared>>)
      tpu.yield
    }) : () -> ()
    %add3A_11 = arith.constant 128 : i32
    %add3A_12 = arith.addi %mul3A_2, %add3A_11 : i32
    "tpu.region"() ({
      %run_scoped3A = tpu.sem_alloc : memref<!tpu.dma_semaphore, #tpu.memory_space<semaphore_mem>>
      %dma_start3A = arith.constant 0 : i32
      %dma_start3A_36 = tpu.memref_slice %arg9[%add3A_12, %dma_start3A] : memref<10240x128xf32, #tpu.memory_space<vmem_shared>> -> memref<128x128xf32, #tpu.memory_space<vmem_shared>>
      %dma_start3A_37 = arith.constant 0 : i32
      %dma_start3A_38 = tpu.memref_slice %arg9[%add3A_12, %dma_start3A_37] : memref<10240x128xf32, #tpu.memory_space<vmem_shared>> -> memref<128x128xf32, #tpu.memory_space<vmem_shared>>
      tpu.enqueue_dma source(%arg8 : memref<128x128xf32, #tpu.memory_space<vmem>>) target(%dma_start3A_38 : memref<128x128xf32, #tpu.memory_space<vmem_shared>>) target_semaphore(%run_scoped3A : memref<!tpu.dma_semaphore, #tpu.memory_space<semaphore_mem>>)
      %dma_wait3A = arith.constant 0 : i32
      %dma_wait3A_39 = tpu.memref_slice %arg9[%add3A_12, %dma_wait3A] : memref<10240x128xf32, #tpu.memory_space<vmem_shared>> -> memref<128x128xf32, #tpu.memory_space<vmem_shared>>
      %dma_wait3A_40 = arith.constant 0 : i32
      %dma_wait3A_41 = tpu.memref_slice %arg9[%add3A_12, %dma_wait3A_40] : memref<10240x128xf32, #tpu.memory_space<vmem_shared>> -> memref<128x128xf32, #tpu.memory_space<vmem_shared>>
      tpu.wait_dma2 semaphore(%run_scoped3A : memref<!tpu.dma_semaphore, #tpu.memory_space<semaphore_mem>>) src(%arg8 : memref<128x128xf32, #tpu.memory_space<vmem>>) dst(%dma_wait3A_41 : memref<128x128xf32, #tpu.memory_space<vmem_shared>>)
      tpu.yield
    }) : () -> ()
    %add3A_13 = arith.constant 256 : i32
    %add3A_14 = arith.addi %mul3A_2, %add3A_13 : i32
    "tpu.region"() ({
      %run_scoped3A = tpu.sem_alloc : memref<!tpu.dma_semaphore, #tpu.memory_space<semaphore_mem>>
      %dma_start3A = arith.constant 0 : i32
      %dma_start3A_36 = tpu.memref_slice %arg9[%add3A_14, %dma_start3A] : memref<10240x128xf32, #tpu.memory_space<vmem_shared>> -> memref<128x128xf32, #tpu.memory_space<vmem_shared>>
      %dma_start3A_37 = arith.constant 0 : i32
      %dma_start3A_38 = tpu.memref_slice %arg9[%add3A_14, %dma_start3A_37] : memref<10240x128xf32, #tpu.memory_space<vmem_shared>> -> memref<128x128xf32, #tpu.memory_space<vmem_shared>>
      tpu.enqueue_dma source(%arg8 : memref<128x128xf32, #tpu.memory_space<vmem>>) target(%dma_start3A_38 : memref<128x128xf32, #tpu.memory_space<vmem_shared>>) target_semaphore(%run_scoped3A : memref<!tpu.dma_semaphore, #tpu.memory_space<semaphore_mem>>)
      %dma_wait3A = arith.constant 0 : i32
      %dma_wait3A_39 = tpu.memref_slice %arg9[%add3A_14, %dma_wait3A] : memref<10240x128xf32, #tpu.memory_space<vmem_shared>> -> memref<128x128xf32, #tpu.memory_space<vmem_shared>>
      %dma_wait3A_40 = arith.constant 0 : i32
      %dma_wait3A_41 = tpu.memref_slice %arg9[%add3A_14, %dma_wait3A_40] : memref<10240x128xf32, #tpu.memory_space<vmem_shared>> -> memref<128x128xf32, #tpu.memory_space<vmem_shared>>
      tpu.wait_dma2 semaphore(%run_scoped3A : memref<!tpu.dma_semaphore, #tpu.memory_space<semaphore_mem>>) src(%arg8 : memref<128x128xf32, #tpu.memory_space<vmem>>) dst(%dma_wait3A_41 : memref<128x128xf32, #tpu.memory_space<vmem_shared>>)
      tpu.yield
    }) : () -> ()
    %add3A_15 = arith.constant 384 : i32
    %add3A_16 = arith.addi %mul3A_2, %add3A_15 : i32
    "tpu.region"() ({
      %run_scoped3A = tpu.sem_alloc : memref<!tpu.dma_semaphore, #tpu.memory_space<semaphore_mem>>
      %dma_start3A = arith.constant 0 : i32
      %dma_start3A_36 = tpu.memref_slice %arg9[%add3A_16, %dma_start3A] : memref<10240x128xf32, #tpu.memory_space<vmem_shared>> -> memref<128x128xf32, #tpu.memory_space<vmem_shared>>
      %dma_start3A_37 = arith.constant 0 : i32
      %dma_start3A_38 = tpu.memref_slice %arg9[%add3A_16, %dma_start3A_37] : memref<10240x128xf32, #tpu.memory_space<vmem_shared>> -> memref<128x128xf32, #tpu.memory_space<vmem_shared>>
      tpu.enqueue_dma source(%arg8 : memref<128x128xf32, #tpu.memory_space<vmem>>) target(%dma_start3A_38 : memref<128x128xf32, #tpu.memory_space<vmem_shared>>) target_semaphore(%run_scoped3A : memref<!tpu.dma_semaphore, #tpu.memory_space<semaphore_mem>>)
      %dma_wait3A = arith.constant 0 : i32
      %dma_wait3A_39 = tpu.memref_slice %arg9[%add3A_16, %dma_wait3A] : memref<10240x128xf32, #tpu.memory_space<vmem_shared>> -> memref<128x128xf32, #tpu.memory_space<vmem_shared>>
      %dma_wait3A_40 = arith.constant 0 : i32
      %dma_wait3A_41 = tpu.memref_slice %arg9[%add3A_16, %dma_wait3A_40] : memref<10240x128xf32, #tpu.memory_space<vmem_shared>> -> memref<128x128xf32, #tpu.memory_space<vmem_shared>>
      tpu.wait_dma2 semaphore(%run_scoped3A : memref<!tpu.dma_semaphore, #tpu.memory_space<semaphore_mem>>) src(%arg8 : memref<128x128xf32, #tpu.memory_space<vmem>>) dst(%dma_wait3A_41 : memref<128x128xf32, #tpu.memory_space<vmem_shared>>)
      tpu.yield
    }) : () -> ()
    %add3A_17 = arith.constant 512 : i32
    %add3A_18 = arith.addi %mul3A_2, %add3A_17 : i32
    "tpu.region"() ({
      %run_scoped3A = tpu.sem_alloc : memref<!tpu.dma_semaphore, #tpu.memory_space<semaphore_mem>>
      %dma_start3A = arith.constant 0 : i32
      %dma_start3A_36 = tpu.memref_slice %arg9[%add3A_18, %dma_start3A] : memref<10240x128xf32, #tpu.memory_space<vmem_shared>> -> memref<128x128xf32, #tpu.memory_space<vmem_shared>>
      %dma_start3A_37 = arith.constant 0 : i32
      %dma_start3A_38 = tpu.memref_slice %arg9[%add3A_18, %dma_start3A_37] : memref<10240x128xf32, #tpu.memory_space<vmem_shared>> -> memref<128x128xf32, #tpu.memory_space<vmem_shared>>
      tpu.enqueue_dma source(%arg8 : memref<128x128xf32, #tpu.memory_space<vmem>>) target(%dma_start3A_38 : memref<128x128xf32, #tpu.memory_space<vmem_shared>>) target_semaphore(%run_scoped3A : memref<!tpu.dma_semaphore, #tpu.memory_space<semaphore_mem>>)
      %dma_wait3A = arith.constant 0 : i32
      %dma_wait3A_39 = tpu.memref_slice %arg9[%add3A_18, %dma_wait3A] : memref<10240x128xf32, #tpu.memory_space<vmem_shared>> -> memref<128x128xf32, #tpu.memory_space<vmem_shared>>
      %dma_wait3A_40 = arith.constant 0 : i32
      %dma_wait3A_41 = tpu.memref_slice %arg9[%add3A_18, %dma_wait3A_40] : memref<10240x128xf32, #tpu.memory_space<vmem_shared>> -> memref<128x128xf32, #tpu.memory_space<vmem_shared>>
      tpu.wait_dma2 semaphore(%run_scoped3A : memref<!tpu.dma_semaphore, #tpu.memory_space<semaphore_mem>>) src(%arg8 : memref<128x128xf32, #tpu.memory_space<vmem>>) dst(%dma_wait3A_41 : memref<128x128xf32, #tpu.memory_space<vmem_shared>>)
      tpu.yield
    }) : () -> ()
    %barrier3A = arith.constant 0 : index
    tpu.barrier barrier_id(%barrier3A)
    "tpu.region"() ({
      %run_scoped3A = tpu.sem_alloc : memref<!tpu.dma_semaphore, #tpu.memory_space<semaphore_mem>>
      %dma_start3A = arith.constant 0 : i32
      %dma_start3A_36 = arith.constant 0 : i32
      %dma_start3A_37 = tpu.memref_slice %arg3[%add3A, %dma_start3A, %dma_start3A_36] : memref<32x80x128xi32, #tpu.memory_space<hbm>> -> memref<1x80x128xi32, #tpu.memory_space<hbm>>
      %dma_start3A_38 = tpu.memref_squeeze %dma_start3A_37 : memref<1x80x128xi32, #tpu.memory_space<hbm>> -> memref<80x128xi32, #tpu.memory_space<hbm>>
      %dma_start3A_39 = arith.constant 0 : i32
      %dma_start3A_40 = arith.constant 0 : i32
      %dma_start3A_41 = tpu.memref_slice %arg3[%add3A, %dma_start3A_39, %dma_start3A_40] : memref<32x80x128xi32, #tpu.memory_space<hbm>> -> memref<1x80x128xi32, #tpu.memory_space<hbm>>
      %dma_start3A_42 = tpu.memref_squeeze %dma_start3A_41 : memref<1x80x128xi32, #tpu.memory_space<hbm>> -> memref<80x128xi32, #tpu.memory_space<hbm>>
      tpu.enqueue_dma source(%dma_start3A_42 : memref<80x128xi32, #tpu.memory_space<hbm>>) target(%arg6 : memref<80x128xi32, #tpu.memory_space<vmem>>) target_semaphore(%run_scoped3A : memref<!tpu.dma_semaphore, #tpu.memory_space<semaphore_mem>>)
      %dma_wait3A = arith.constant 0 : i32
      %dma_wait3A_43 = arith.constant 0 : i32
      %dma_wait3A_44 = tpu.memref_slice %arg3[%add3A, %dma_wait3A, %dma_wait3A_43] : memref<32x80x128xi32, #tpu.memory_space<hbm>> -> memref<1x80x128xi32, #tpu.memory_space<hbm>>
      %dma_wait3A_45 = tpu.memref_squeeze %dma_wait3A_44 : memref<1x80x128xi32, #tpu.memory_space<hbm>> -> memref<80x128xi32, #tpu.memory_space<hbm>>
      %dma_wait3A_46 = arith.constant 0 : i32
      %dma_wait3A_47 = arith.constant 0 : i32
      %dma_wait3A_48 = tpu.memref_slice %arg3[%add3A, %dma_wait3A_46, %dma_wait3A_47] : memref<32x80x128xi32, #tpu.memory_space<hbm>> -> memref<1x80x128xi32, #tpu.memory_space<hbm>>
      %dma_wait3A_49 = tpu.memref_squeeze %dma_wait3A_48 : memref<1x80x128xi32, #tpu.memory_space<hbm>> -> memref<80x128xi32, #tpu.memory_space<hbm>>
      tpu.wait_dma2 semaphore(%run_scoped3A : memref<!tpu.dma_semaphore, #tpu.memory_space<semaphore_mem>>) src(%dma_wait3A_49 : memref<80x128xi32, #tpu.memory_space<hbm>>) dst(%arg6 : memref<80x128xi32, #tpu.memory_space<vmem>>)
      tpu.yield
    }) : () -> ()
    "tpu.region"() ({
      %run_scoped3A = tpu.sem_alloc : memref<!tpu.dma_semaphore, #tpu.memory_space<semaphore_mem>>
      %dma_start3A = arith.constant 0 : i32
      %dma_start3A_36 = arith.constant 0 : i32
      %dma_start3A_37 = tpu.memref_slice %arg4[%add3A, %dma_start3A, %dma_start3A_36] : memref<32x80x128xi32, #tpu.memory_space<hbm>> -> memref<1x80x128xi32, #tpu.memory_space<hbm>>
      %dma_start3A_38 = tpu.memref_squeeze %dma_start3A_37 : memref<1x80x128xi32, #tpu.memory_space<hbm>> -> memref<80x128xi32, #tpu.memory_space<hbm>>
      %dma_start3A_39 = arith.constant 0 : i32
      %dma_start3A_40 = arith.constant 0 : i32
      %dma_start3A_41 = tpu.memref_slice %arg4[%add3A, %dma_start3A_39, %dma_start3A_40] : memref<32x80x128xi32, #tpu.memory_space<hbm>> -> memref<1x80x128xi32, #tpu.memory_space<hbm>>
      %dma_start3A_42 = tpu.memref_squeeze %dma_start3A_41 : memref<1x80x128xi32, #tpu.memory_space<hbm>> -> memref<80x128xi32, #tpu.memory_space<hbm>>
      tpu.enqueue_dma source(%dma_start3A_42 : memref<80x128xi32, #tpu.memory_space<hbm>>) target(%arg7 : memref<80x128xi32, #tpu.memory_space<vmem>>) target_semaphore(%run_scoped3A : memref<!tpu.dma_semaphore, #tpu.memory_space<semaphore_mem>>)
      %dma_wait3A = arith.constant 0 : i32
      %dma_wait3A_43 = arith.constant 0 : i32
      %dma_wait3A_44 = tpu.memref_slice %arg4[%add3A, %dma_wait3A, %dma_wait3A_43] : memref<32x80x128xi32, #tpu.memory_space<hbm>> -> memref<1x80x128xi32, #tpu.memory_space<hbm>>
      %dma_wait3A_45 = tpu.memref_squeeze %dma_wait3A_44 : memref<1x80x128xi32, #tpu.memory_space<hbm>> -> memref<80x128xi32, #tpu.memory_space<hbm>>
      %dma_wait3A_46 = arith.constant 0 : i32
      %dma_wait3A_47 = arith.constant 0 : i32
      %dma_wait3A_48 = tpu.memref_slice %arg4[%add3A, %dma_wait3A_46, %dma_wait3A_47] : memref<32x80x128xi32, #tpu.memory_space<hbm>> -> memref<1x80x128xi32, #tpu.memory_space<hbm>>
      %dma_wait3A_49 = tpu.memref_squeeze %dma_wait3A_48 : memref<1x80x128xi32, #tpu.memory_space<hbm>> -> memref<80x128xi32, #tpu.memory_space<hbm>>
      tpu.wait_dma2 semaphore(%run_scoped3A : memref<!tpu.dma_semaphore, #tpu.memory_space<semaphore_mem>>) src(%dma_wait3A_49 : memref<80x128xi32, #tpu.memory_space<hbm>>) dst(%arg7 : memref<80x128xi32, #tpu.memory_space<vmem>>)
      tpu.yield
    }) : () -> ()
    %scan3A_19 = arith.constant 0 : i32
    %scan3A_20 = arith.constant 0 : i32
    %scan3A_21 = arith.constant 80 : i32
    %scan3A_22 = arith.addi %scan3A_20, %scan3A_21 : i32
    %scan3A_23 = arith.constant 1 : i32
    scf.for %scan3A_36 = %scan3A_20 to %scan3A_22 step %scan3A_23  : i32 {
      %dma_start3A = arith.constant 0 : i32
      %dma_start3A_37 = tpu.memref_slice %arg6[%scan3A_36, %dma_start3A] : memref<80x128xi32, #tpu.memory_space<vmem>> -> memref<1x128xi32, #tpu.memory_space<vmem>>
      %dma_start3A_38 = tpu.memref_squeeze %dma_start3A_37 : memref<1x128xi32, #tpu.memory_space<vmem>> -> memref<128xi32, #tpu.memory_space<vmem>>
      %dma_start3A_39 = arith.constant 0 : i32
      %dma_start3A_40 = arith.constant 0 : i32
      %dma_start3A_41 = tpu.memref_slice %arg2[%dma_start3A_39, %dma_start3A_40] : memref<10000x128xf32, #tpu.memory_space<hbm>> -> memref<10000x128xf32, #tpu.memory_space<hbm>>
      tpu.enqueue_indirect_dma source(%dma_start3A_41 : memref<10000x128xf32, #tpu.memory_space<hbm>>) target(%arg8 : memref<128x128xf32, #tpu.memory_space<vmem>>) offsets(%dma_start3A_38 : memref<128xi32, #tpu.memory_space<vmem>>) semaphore(%arg10 : memref<!tpu.dma_semaphore, #tpu.memory_space<semaphore_mem>>)
      %dma_wait3A = arith.constant 0 : i32
      %dma_wait3A_42 = tpu.memref_slice %arg6[%scan3A_36, %dma_wait3A] : memref<80x128xi32, #tpu.memory_space<vmem>> -> memref<1x128xi32, #tpu.memory_space<vmem>>
      %dma_wait3A_43 = tpu.memref_squeeze %dma_wait3A_42 : memref<1x128xi32, #tpu.memory_space<vmem>> -> memref<128xi32, #tpu.memory_space<vmem>>
      %dma_wait3A_44 = arith.constant 0 : i32
      %dma_wait3A_45 = arith.constant 0 : i32
      %dma_wait3A_46 = tpu.memref_slice %arg2[%dma_wait3A_44, %dma_wait3A_45] : memref<10000x128xf32, #tpu.memory_space<hbm>> -> memref<10000x128xf32, #tpu.memory_space<hbm>>
      tpu.wait_indirect_dma semaphore(%arg10 : memref<!tpu.dma_semaphore, #tpu.memory_space<semaphore_mem>>) src(%dma_wait3A_46 : memref<10000x128xf32, #tpu.memory_space<hbm>>) dst(%arg8 : memref<128x128xf32, #tpu.memory_space<vmem>>)
      "tpu.region"() ({
        %run_scoped3A = tpu.sem_alloc : memref<!tpu.dma_semaphore, #tpu.memory_space<semaphore_mem>>
        %dma_start3A_47 = arith.constant 0 : i32
        %dma_start3A_48 = tpu.memref_slice %arg7[%scan3A_36, %dma_start3A_47] : memref<80x128xi32, #tpu.memory_space<vmem>> -> memref<1x128xi32, #tpu.memory_space<vmem>>
        %dma_start3A_49 = tpu.memref_squeeze %dma_start3A_48 : memref<1x128xi32, #tpu.memory_space<vmem>> -> memref<128xi32, #tpu.memory_space<vmem>>
        %dma_start3A_50 = arith.constant 0 : i32
        %dma_start3A_51 = arith.constant 0 : i32
        %dma_start3A_52 = tpu.memref_slice %arg9[%dma_start3A_50, %dma_start3A_51] : memref<10240x128xf32, #tpu.memory_space<vmem_shared>> -> memref<10240x128xf32, #tpu.memory_space<vmem_shared>>
        tpu.enqueue_indirect_dma source(%arg8 : memref<128x128xf32, #tpu.memory_space<vmem>>) target(%dma_start3A_52 : memref<10240x128xf32, #tpu.memory_space<vmem_shared>>) offsets(%dma_start3A_49 : memref<128xi32, #tpu.memory_space<vmem>>) semaphore(%run_scoped3A : memref<!tpu.dma_semaphore, #tpu.memory_space<semaphore_mem>>) {add = true}
        %dma_wait3A_53 = arith.constant 0 : i32
        %dma_wait3A_54 = tpu.memref_slice %arg7[%scan3A_36, %dma_wait3A_53] : memref<80x128xi32, #tpu.memory_space<vmem>> -> memref<1x128xi32, #tpu.memory_space<vmem>>
        %dma_wait3A_55 = tpu.memref_squeeze %dma_wait3A_54 : memref<1x128xi32, #tpu.memory_space<vmem>> -> memref<128xi32, #tpu.memory_space<vmem>>
        %dma_wait3A_56 = arith.constant 0 : i32
        %dma_wait3A_57 = arith.constant 0 : i32
        %dma_wait3A_58 = tpu.memref_slice %arg9[%dma_wait3A_56, %dma_wait3A_57] : memref<10240x128xf32, #tpu.memory_space<vmem_shared>> -> memref<10240x128xf32, #tpu.memory_space<vmem_shared>>
        tpu.wait_indirect_dma semaphore(%run_scoped3A : memref<!tpu.dma_semaphore, #tpu.memory_space<semaphore_mem>>) src(%arg8 : memref<128x128xf32, #tpu.memory_space<vmem>>) dst(%dma_wait3A_58 : memref<10240x128xf32, #tpu.memory_space<vmem_shared>>)
        tpu.yield
      }) : () -> ()
    }
    %scan3A_24 = arith.constant 80 : i32
    %barrier3A_25 = arith.constant 0 : index
    tpu.barrier barrier_id(%barrier3A_25)
    %add3A_26 = arith.constant 0 : i32
    %add3A_27 = arith.addi %mul3A_2, %add3A_26 : i32
    "tpu.region"() ({
      %run_scoped3A = tpu.sem_alloc : memref<!tpu.dma_semaphore, #tpu.memory_space<semaphore_mem>>
      %dma_start3A = arith.constant 0 : i32
      %dma_start3A_36 = tpu.memref_slice %arg9[%add3A_27, %dma_start3A] : memref<10240x128xf32, #tpu.memory_space<vmem_shared>> -> memref<128x128xf32, #tpu.memory_space<vmem_shared>>
      %dma_start3A_37 = arith.constant 0 : i32
      %dma_start3A_38 = tpu.memref_slice %arg9[%add3A_27, %dma_start3A_37] : memref<10240x128xf32, #tpu.memory_space<vmem_shared>> -> memref<128x128xf32, #tpu.memory_space<vmem_shared>>
      tpu.enqueue_dma source(%dma_start3A_38 : memref<128x128xf32, #tpu.memory_space<vmem_shared>>) target(%arg8 : memref<128x128xf32, #tpu.memory_space<vmem>>) target_semaphore(%run_scoped3A : memref<!tpu.dma_semaphore, #tpu.memory_space<semaphore_mem>>)
      %dma_wait3A = arith.constant 0 : i32
      %dma_wait3A_39 = tpu.memref_slice %arg9[%add3A_27, %dma_wait3A] : memref<10240x128xf32, #tpu.memory_space<vmem_shared>> -> memref<128x128xf32, #tpu.memory_space<vmem_shared>>
      %dma_wait3A_40 = arith.constant 0 : i32
      %dma_wait3A_41 = tpu.memref_slice %arg9[%add3A_27, %dma_wait3A_40] : memref<10240x128xf32, #tpu.memory_space<vmem_shared>> -> memref<128x128xf32, #tpu.memory_space<vmem_shared>>
      tpu.wait_dma2 semaphore(%run_scoped3A : memref<!tpu.dma_semaphore, #tpu.memory_space<semaphore_mem>>) src(%dma_wait3A_41 : memref<128x128xf32, #tpu.memory_space<vmem_shared>>) dst(%arg8 : memref<128x128xf32, #tpu.memory_space<vmem>>)
      tpu.yield
    }) : () -> ()
    "tpu.region"() ({
      %run_scoped3A = tpu.sem_alloc : memref<!tpu.dma_semaphore, #tpu.memory_space<semaphore_mem>>
      %dma_start3A = arith.constant 0 : i32
      %dma_start3A_36 = arith.constant 0 : i32
      %dma_start3A_37 = tpu.memref_slice %arg5[%arg0, %dma_start3A, %dma_start3A_36] : memref<2x10240x128xf32, #tpu.memory_space<hbm>> -> memref<1x10240x128xf32, #tpu.memory_space<hbm>>
      %dma_start3A_38 = tpu.memref_squeeze %dma_start3A_37 : memref<1x10240x128xf32, #tpu.memory_space<hbm>> -> memref<10240x128xf32, #tpu.memory_space<hbm>>
      %dma_start3A_39 = arith.constant 0 : i32
      %dma_start3A_40 = tpu.memref_slice %dma_start3A_38[%add3A_27, %dma_start3A_39] : memref<10240x128xf32, #tpu.memory_space<hbm>> -> memref<128x128xf32, #tpu.memory_space<hbm>>
      %dma_start3A_41 = arith.constant 0 : i32
      %dma_start3A_42 = arith.constant 0 : i32
      %dma_start3A_43 = tpu.memref_slice %arg5[%arg0, %dma_start3A_41, %dma_start3A_42] : memref<2x10240x128xf32, #tpu.memory_space<hbm>> -> memref<1x10240x128xf32, #tpu.memory_space<hbm>>
      %dma_start3A_44 = tpu.memref_squeeze %dma_start3A_43 : memref<1x10240x128xf32, #tpu.memory_space<hbm>> -> memref<10240x128xf32, #tpu.memory_space<hbm>>
      %dma_start3A_45 = arith.constant 0 : i32
      %dma_start3A_46 = tpu.memref_slice %dma_start3A_44[%add3A_27, %dma_start3A_45] : memref<10240x128xf32, #tpu.memory_space<hbm>> -> memref<128x128xf32, #tpu.memory_space<hbm>>
      tpu.enqueue_dma source(%arg8 : memref<128x128xf32, #tpu.memory_space<vmem>>) target(%dma_start3A_46 : memref<128x128xf32, #tpu.memory_space<hbm>>) target_semaphore(%run_scoped3A : memref<!tpu.dma_semaphore, #tpu.memory_space<semaphore_mem>>)
      %dma_wait3A = arith.constant 0 : i32
      %dma_wait3A_47 = arith.constant 0 : i32
      %dma_wait3A_48 = tpu.memref_slice %arg5[%arg0, %dma_wait3A, %dma_wait3A_47] : memref<2x10240x128xf32, #tpu.memory_space<hbm>> -> memref<1x10240x128xf32, #tpu.memory_space<hbm>>
      %dma_wait3A_49 = tpu.memref_squeeze %dma_wait3A_48 : memref<1x10240x128xf32, #tpu.memory_space<hbm>> -> memref<10240x128xf32, #tpu.memory_space<hbm>>
      %dma_wait3A_50 = arith.constant 0 : i32
      %dma_wait3A_51 = tpu.memref_slice %dma_wait3A_49[%add3A_27, %dma_wait3A_50] : memref<10240x128xf32, #tpu.memory_space<hbm>> -> memref<128x128xf32, #tpu.memory_space<hbm>>
      %dma_wait3A_52 = arith.constant 0 : i32
      %dma_wait3A_53 = arith.constant 0 : i32
      %dma_wait3A_54 = tpu.memref_slice %arg5[%arg0, %dma_wait3A_52, %dma_wait3A_53] : memref<2x10240x128xf32, #tpu.memory_space<hbm>> -> memref<1x10240x128xf32, #tpu.memory_space<hbm>>
      %dma_wait3A_55 = tpu.memref_squeeze %dma_wait3A_54 : memref<1x10240x128xf32, #tpu.memory_space<hbm>> -> memref<10240x128xf32, #tpu.memory_space<hbm>>
      %dma_wait3A_56 = arith.constant 0 : i32
      %dma_wait3A_57 = tpu.memref_slice %dma_wait3A_55[%add3A_27, %dma_wait3A_56] : memref<10240x128xf32, #tpu.memory_space<hbm>> -> memref<128x128xf32, #tpu.memory_space<hbm>>
      tpu.wait_dma2 semaphore(%run_scoped3A : memref<!tpu.dma_semaphore, #tpu.memory_space<semaphore_mem>>) src(%arg8 : memref<128x128xf32, #tpu.memory_space<vmem>>) dst(%dma_wait3A_57 : memref<128x128xf32, #tpu.memory_space<hbm>>)
      tpu.yield
    }) : () -> ()
    %add3A_28 = arith.constant 128 : i32
    %add3A_29 = arith.addi %mul3A_2, %add3A_28 : i32
    "tpu.region"() ({
      %run_scoped3A = tpu.sem_alloc : memref<!tpu.dma_semaphore, #tpu.memory_space<semaphore_mem>>
      %dma_start3A = arith.constant 0 : i32
      %dma_start3A_36 = tpu.memref_slice %arg9[%add3A_29, %dma_start3A] : memref<10240x128xf32, #tpu.memory_space<vmem_shared>> -> memref<128x128xf32, #tpu.memory_space<vmem_shared>>
      %dma_start3A_37 = arith.constant 0 : i32
      %dma_start3A_38 = tpu.memref_slice %arg9[%add3A_29, %dma_start3A_37] : memref<10240x128xf32, #tpu.memory_space<vmem_shared>> -> memref<128x128xf32, #tpu.memory_space<vmem_shared>>
      tpu.enqueue_dma source(%dma_start3A_38 : memref<128x128xf32, #tpu.memory_space<vmem_shared>>) target(%arg8 : memref<128x128xf32, #tpu.memory_space<vmem>>) target_semaphore(%run_scoped3A : memref<!tpu.dma_semaphore, #tpu.memory_space<semaphore_mem>>)
      %dma_wait3A = arith.constant 0 : i32
      %dma_wait3A_39 = tpu.memref_slice %arg9[%add3A_29, %dma_wait3A] : memref<10240x128xf32, #tpu.memory_space<vmem_shared>> -> memref<128x128xf32, #tpu.memory_space<vmem_shared>>
      %dma_wait3A_40 = arith.constant 0 : i32
      %dma_wait3A_41 = tpu.memref_slice %arg9[%add3A_29, %dma_wait3A_40] : memref<10240x128xf32, #tpu.memory_space<vmem_shared>> -> memref<128x128xf32, #tpu.memory_space<vmem_shared>>
      tpu.wait_dma2 semaphore(%run_scoped3A : memref<!tpu.dma_semaphore, #tpu.memory_space<semaphore_mem>>) src(%dma_wait3A_41 : memref<128x128xf32, #tpu.memory_space<vmem_shared>>) dst(%arg8 : memref<128x128xf32, #tpu.memory_space<vmem>>)
      tpu.yield
    }) : () -> ()
    "tpu.region"() ({
      %run_scoped3A = tpu.sem_alloc : memref<!tpu.dma_semaphore, #tpu.memory_space<semaphore_mem>>
      %dma_start3A = arith.constant 0 : i32
      %dma_start3A_36 = arith.constant 0 : i32
      %dma_start3A_37 = tpu.memref_slice %arg5[%arg0, %dma_start3A, %dma_start3A_36] : memref<2x10240x128xf32, #tpu.memory_space<hbm>> -> memref<1x10240x128xf32, #tpu.memory_space<hbm>>
      %dma_start3A_38 = tpu.memref_squeeze %dma_start3A_37 : memref<1x10240x128xf32, #tpu.memory_space<hbm>> -> memref<10240x128xf32, #tpu.memory_space<hbm>>
      %dma_start3A_39 = arith.constant 0 : i32
      %dma_start3A_40 = tpu.memref_slice %dma_start3A_38[%add3A_29, %dma_start3A_39] : memref<10240x128xf32, #tpu.memory_space<hbm>> -> memref<128x128xf32, #tpu.memory_space<hbm>>
      %dma_start3A_41 = arith.constant 0 : i32
      %dma_start3A_42 = arith.constant 0 : i32
      %dma_start3A_43 = tpu.memref_slice %arg5[%arg0, %dma_start3A_41, %dma_start3A_42] : memref<2x10240x128xf32, #tpu.memory_space<hbm>> -> memref<1x10240x128xf32, #tpu.memory_space<hbm>>
      %dma_start3A_44 = tpu.memref_squeeze %dma_start3A_43 : memref<1x10240x128xf32, #tpu.memory_space<hbm>> -> memref<10240x128xf32, #tpu.memory_space<hbm>>
      %dma_start3A_45 = arith.constant 0 : i32
      %dma_start3A_46 = tpu.memref_slice %dma_start3A_44[%add3A_29, %dma_start3A_45] : memref<10240x128xf32, #tpu.memory_space<hbm>> -> memref<128x128xf32, #tpu.memory_space<hbm>>
      tpu.enqueue_dma source(%arg8 : memref<128x128xf32, #tpu.memory_space<vmem>>) target(%dma_start3A_46 : memref<128x128xf32, #tpu.memory_space<hbm>>) target_semaphore(%run_scoped3A : memref<!tpu.dma_semaphore, #tpu.memory_space<semaphore_mem>>)
      %dma_wait3A = arith.constant 0 : i32
      %dma_wait3A_47 = arith.constant 0 : i32
      %dma_wait3A_48 = tpu.memref_slice %arg5[%arg0, %dma_wait3A, %dma_wait3A_47] : memref<2x10240x128xf32, #tpu.memory_space<hbm>> -> memref<1x10240x128xf32, #tpu.memory_space<hbm>>
      %dma_wait3A_49 = tpu.memref_squeeze %dma_wait3A_48 : memref<1x10240x128xf32, #tpu.memory_space<hbm>> -> memref<10240x128xf32, #tpu.memory_space<hbm>>
      %dma_wait3A_50 = arith.constant 0 : i32
      %dma_wait3A_51 = tpu.memref_slice %dma_wait3A_49[%add3A_29, %dma_wait3A_50] : memref<10240x128xf32, #tpu.memory_space<hbm>> -> memref<128x128xf32, #tpu.memory_space<hbm>>
      %dma_wait3A_52 = arith.constant 0 : i32
      %dma_wait3A_53 = arith.constant 0 : i32
      %dma_wait3A_54 = tpu.memref_slice %arg5[%arg0, %dma_wait3A_52, %dma_wait3A_53] : memref<2x10240x128xf32, #tpu.memory_space<hbm>> -> memref<1x10240x128xf32, #tpu.memory_space<hbm>>
      %dma_wait3A_55 = tpu.memref_squeeze %dma_wait3A_54 : memref<1x10240x128xf32, #tpu.memory_space<hbm>> -> memref<10240x128xf32, #tpu.memory_space<hbm>>
      %dma_wait3A_56 = arith.constant 0 : i32
      %dma_wait3A_57 = tpu.memref_slice %dma_wait3A_55[%add3A_29, %dma_wait3A_56] : memref<10240x128xf32, #tpu.memory_space<hbm>> -> memref<128x128xf32, #tpu.memory_space<hbm>>
      tpu.wait_dma2 semaphore(%run_scoped3A : memref<!tpu.dma_semaphore, #tpu.memory_space<semaphore_mem>>) src(%arg8 : memref<128x128xf32, #tpu.memory_space<vmem>>) dst(%dma_wait3A_57 : memref<128x128xf32, #tpu.memory_space<hbm>>)
      tpu.yield
    }) : () -> ()
    %add3A_30 = arith.constant 256 : i32
    %add3A_31 = arith.addi %mul3A_2, %add3A_30 : i32
    "tpu.region"() ({
      %run_scoped3A = tpu.sem_alloc : memref<!tpu.dma_semaphore, #tpu.memory_space<semaphore_mem>>
      %dma_start3A = arith.constant 0 : i32
      %dma_start3A_36 = tpu.memref_slice %arg9[%add3A_31, %dma_start3A] : memref<10240x128xf32, #tpu.memory_space<vmem_shared>> -> memref<128x128xf32, #tpu.memory_space<vmem_shared>>
      %dma_start3A_37 = arith.constant 0 : i32
      %dma_start3A_38 = tpu.memref_slice %arg9[%add3A_31, %dma_start3A_37] : memref<10240x128xf32, #tpu.memory_space<vmem_shared>> -> memref<128x128xf32, #tpu.memory_space<vmem_shared>>
      tpu.enqueue_dma source(%dma_start3A_38 : memref<128x128xf32, #tpu.memory_space<vmem_shared>>) target(%arg8 : memref<128x128xf32, #tpu.memory_space<vmem>>) target_semaphore(%run_scoped3A : memref<!tpu.dma_semaphore, #tpu.memory_space<semaphore_mem>>)
      %dma_wait3A = arith.constant 0 : i32
      %dma_wait3A_39 = tpu.memref_slice %arg9[%add3A_31, %dma_wait3A] : memref<10240x128xf32, #tpu.memory_space<vmem_shared>> -> memref<128x128xf32, #tpu.memory_space<vmem_shared>>
      %dma_wait3A_40 = arith.constant 0 : i32
      %dma_wait3A_41 = tpu.memref_slice %arg9[%add3A_31, %dma_wait3A_40] : memref<10240x128xf32, #tpu.memory_space<vmem_shared>> -> memref<128x128xf32, #tpu.memory_space<vmem_shared>>
      tpu.wait_dma2 semaphore(%run_scoped3A : memref<!tpu.dma_semaphore, #tpu.memory_space<semaphore_mem>>) src(%dma_wait3A_41 : memref<128x128xf32, #tpu.memory_space<vmem_shared>>) dst(%arg8 : memref<128x128xf32, #tpu.memory_space<vmem>>)
      tpu.yield
    }) : () -> ()
    "tpu.region"() ({
      %run_scoped3A = tpu.sem_alloc : memref<!tpu.dma_semaphore, #tpu.memory_space<semaphore_mem>>
      %dma_start3A = arith.constant 0 : i32
      %dma_start3A_36 = arith.constant 0 : i32
      %dma_start3A_37 = tpu.memref_slice %arg5[%arg0, %dma_start3A, %dma_start3A_36] : memref<2x10240x128xf32, #tpu.memory_space<hbm>> -> memref<1x10240x128xf32, #tpu.memory_space<hbm>>
      %dma_start3A_38 = tpu.memref_squeeze %dma_start3A_37 : memref<1x10240x128xf32, #tpu.memory_space<hbm>> -> memref<10240x128xf32, #tpu.memory_space<hbm>>
      %dma_start3A_39 = arith.constant 0 : i32
      %dma_start3A_40 = tpu.memref_slice %dma_start3A_38[%add3A_31, %dma_start3A_39] : memref<10240x128xf32, #tpu.memory_space<hbm>> -> memref<128x128xf32, #tpu.memory_space<hbm>>
      %dma_start3A_41 = arith.constant 0 : i32
      %dma_start3A_42 = arith.constant 0 : i32
      %dma_start3A_43 = tpu.memref_slice %arg5[%arg0, %dma_start3A_41, %dma_start3A_42] : memref<2x10240x128xf32, #tpu.memory_space<hbm>> -> memref<1x10240x128xf32, #tpu.memory_space<hbm>>
      %dma_start3A_44 = tpu.memref_squeeze %dma_start3A_43 : memref<1x10240x128xf32, #tpu.memory_space<hbm>> -> memref<10240x128xf32, #tpu.memory_space<hbm>>
      %dma_start3A_45 = arith.constant 0 : i32
      %dma_start3A_46 = tpu.memref_slice %dma_start3A_44[%add3A_31, %dma_start3A_45] : memref<10240x128xf32, #tpu.memory_space<hbm>> -> memref<128x128xf32, #tpu.memory_space<hbm>>
      tpu.enqueue_dma source(%arg8 : memref<128x128xf32, #tpu.memory_space<vmem>>) target(%dma_start3A_46 : memref<128x128xf32, #tpu.memory_space<hbm>>) target_semaphore(%run_scoped3A : memref<!tpu.dma_semaphore, #tpu.memory_space<semaphore_mem>>)
      %dma_wait3A = arith.constant 0 : i32
      %dma_wait3A_47 = arith.constant 0 : i32
      %dma_wait3A_48 = tpu.memref_slice %arg5[%arg0, %dma_wait3A, %dma_wait3A_47] : memref<2x10240x128xf32, #tpu.memory_space<hbm>> -> memref<1x10240x128xf32, #tpu.memory_space<hbm>>
      %dma_wait3A_49 = tpu.memref_squeeze %dma_wait3A_48 : memref<1x10240x128xf32, #tpu.memory_space<hbm>> -> memref<10240x128xf32, #tpu.memory_space<hbm>>
      %dma_wait3A_50 = arith.constant 0 : i32
      %dma_wait3A_51 = tpu.memref_slice %dma_wait3A_49[%add3A_31, %dma_wait3A_50] : memref<10240x128xf32, #tpu.memory_space<hbm>> -> memref<128x128xf32, #tpu.memory_space<hbm>>
      %dma_wait3A_52 = arith.constant 0 : i32
      %dma_wait3A_53 = arith.constant 0 : i32
      %dma_wait3A_54 = tpu.memref_slice %arg5[%arg0, %dma_wait3A_52, %dma_wait3A_53] : memref<2x10240x128xf32, #tpu.memory_space<hbm>> -> memref<1x10240x128xf32, #tpu.memory_space<hbm>>
      %dma_wait3A_55 = tpu.memref_squeeze %dma_wait3A_54 : memref<1x10240x128xf32, #tpu.memory_space<hbm>> -> memref<10240x128xf32, #tpu.memory_space<hbm>>
      %dma_wait3A_56 = arith.constant 0 : i32
      %dma_wait3A_57 = tpu.memref_slice %dma_wait3A_55[%add3A_31, %dma_wait3A_56] : memref<10240x128xf32, #tpu.memory_space<hbm>> -> memref<128x128xf32, #tpu.memory_space<hbm>>
      tpu.wait_dma2 semaphore(%run_scoped3A : memref<!tpu.dma_semaphore, #tpu.memory_space<semaphore_mem>>) src(%arg8 : memref<128x128xf32, #tpu.memory_space<vmem>>) dst(%dma_wait3A_57 : memref<128x128xf32, #tpu.memory_space<hbm>>)
      tpu.yield
    }) : () -> ()
    %add3A_32 = arith.constant 384 : i32
    %add3A_33 = arith.addi %mul3A_2, %add3A_32 : i32
    "tpu.region"() ({
      %run_scoped3A = tpu.sem_alloc : memref<!tpu.dma_semaphore, #tpu.memory_space<semaphore_mem>>
      %dma_start3A = arith.constant 0 : i32
      %dma_start3A_36 = tpu.memref_slice %arg9[%add3A_33, %dma_start3A] : memref<10240x128xf32, #tpu.memory_space<vmem_shared>> -> memref<128x128xf32, #tpu.memory_space<vmem_shared>>
      %dma_start3A_37 = arith.constant 0 : i32
      %dma_start3A_38 = tpu.memref_slice %arg9[%add3A_33, %dma_start3A_37] : memref<10240x128xf32, #tpu.memory_space<vmem_shared>> -> memref<128x128xf32, #tpu.memory_space<vmem_shared>>
      tpu.enqueue_dma source(%dma_start3A_38 : memref<128x128xf32, #tpu.memory_space<vmem_shared>>) target(%arg8 : memref<128x128xf32, #tpu.memory_space<vmem>>) target_semaphore(%run_scoped3A : memref<!tpu.dma_semaphore, #tpu.memory_space<semaphore_mem>>)
      %dma_wait3A = arith.constant 0 : i32
      %dma_wait3A_39 = tpu.memref_slice %arg9[%add3A_33, %dma_wait3A] : memref<10240x128xf32, #tpu.memory_space<vmem_shared>> -> memref<128x128xf32, #tpu.memory_space<vmem_shared>>
      %dma_wait3A_40 = arith.constant 0 : i32
      %dma_wait3A_41 = tpu.memref_slice %arg9[%add3A_33, %dma_wait3A_40] : memref<10240x128xf32, #tpu.memory_space<vmem_shared>> -> memref<128x128xf32, #tpu.memory_space<vmem_shared>>
      tpu.wait_dma2 semaphore(%run_scoped3A : memref<!tpu.dma_semaphore, #tpu.memory_space<semaphore_mem>>) src(%dma_wait3A_41 : memref<128x128xf32, #tpu.memory_space<vmem_shared>>) dst(%arg8 : memref<128x128xf32, #tpu.memory_space<vmem>>)
      tpu.yield
    }) : () -> ()
    "tpu.region"() ({
      %run_scoped3A = tpu.sem_alloc : memref<!tpu.dma_semaphore, #tpu.memory_space<semaphore_mem>>
      %dma_start3A = arith.constant 0 : i32
      %dma_start3A_36 = arith.constant 0 : i32
      %dma_start3A_37 = tpu.memref_slice %arg5[%arg0, %dma_start3A, %dma_start3A_36] : memref<2x10240x128xf32, #tpu.memory_space<hbm>> -> memref<1x10240x128xf32, #tpu.memory_space<hbm>>
      %dma_start3A_38 = tpu.memref_squeeze %dma_start3A_37 : memref<1x10240x128xf32, #tpu.memory_space<hbm>> -> memref<10240x128xf32, #tpu.memory_space<hbm>>
      %dma_start3A_39 = arith.constant 0 : i32
      %dma_start3A_40 = tpu.memref_slice %dma_start3A_38[%add3A_33, %dma_start3A_39] : memref<10240x128xf32, #tpu.memory_space<hbm>> -> memref<128x128xf32, #tpu.memory_space<hbm>>
      %dma_start3A_41 = arith.constant 0 : i32
      %dma_start3A_42 = arith.constant 0 : i32
      %dma_start3A_43 = tpu.memref_slice %arg5[%arg0, %dma_start3A_41, %dma_start3A_42] : memref<2x10240x128xf32, #tpu.memory_space<hbm>> -> memref<1x10240x128xf32, #tpu.memory_space<hbm>>
      %dma_start3A_44 = tpu.memref_squeeze %dma_start3A_43 : memref<1x10240x128xf32, #tpu.memory_space<hbm>> -> memref<10240x128xf32, #tpu.memory_space<hbm>>
      %dma_start3A_45 = arith.constant 0 : i32
      %dma_start3A_46 = tpu.memref_slice %dma_start3A_44[%add3A_33, %dma_start3A_45] : memref<10240x128xf32, #tpu.memory_space<hbm>> -> memref<128x128xf32, #tpu.memory_space<hbm>>
      tpu.enqueue_dma source(%arg8 : memref<128x128xf32, #tpu.memory_space<vmem>>) target(%dma_start3A_46 : memref<128x128xf32, #tpu.memory_space<hbm>>) target_semaphore(%run_scoped3A : memref<!tpu.dma_semaphore, #tpu.memory_space<semaphore_mem>>)
      %dma_wait3A = arith.constant 0 : i32
      %dma_wait3A_47 = arith.constant 0 : i32
      %dma_wait3A_48 = tpu.memref_slice %arg5[%arg0, %dma_wait3A, %dma_wait3A_47] : memref<2x10240x128xf32, #tpu.memory_space<hbm>> -> memref<1x10240x128xf32, #tpu.memory_space<hbm>>
      %dma_wait3A_49 = tpu.memref_squeeze %dma_wait3A_48 : memref<1x10240x128xf32, #tpu.memory_space<hbm>> -> memref<10240x128xf32, #tpu.memory_space<hbm>>
      %dma_wait3A_50 = arith.constant 0 : i32
      %dma_wait3A_51 = tpu.memref_slice %dma_wait3A_49[%add3A_33, %dma_wait3A_50] : memref<10240x128xf32, #tpu.memory_space<hbm>> -> memref<128x128xf32, #tpu.memory_space<hbm>>
      %dma_wait3A_52 = arith.constant 0 : i32
      %dma_wait3A_53 = arith.constant 0 : i32
      %dma_wait3A_54 = tpu.memref_slice %arg5[%arg0, %dma_wait3A_52, %dma_wait3A_53] : memref<2x10240x128xf32, #tpu.memory_space<hbm>> -> memref<1x10240x128xf32, #tpu.memory_space<hbm>>
      %dma_wait3A_55 = tpu.memref_squeeze %dma_wait3A_54 : memref<1x10240x128xf32, #tpu.memory_space<hbm>> -> memref<10240x128xf32, #tpu.memory_space<hbm>>
      %dma_wait3A_56 = arith.constant 0 : i32
      %dma_wait3A_57 = tpu.memref_slice %dma_wait3A_55[%add3A_33, %dma_wait3A_56] : memref<10240x128xf32, #tpu.memory_space<hbm>> -> memref<128x128xf32, #tpu.memory_space<hbm>>
      tpu.wait_dma2 semaphore(%run_scoped3A : memref<!tpu.dma_semaphore, #tpu.memory_space<semaphore_mem>>) src(%arg8 : memref<128x128xf32, #tpu.memory_space<vmem>>) dst(%dma_wait3A_57 : memref<128x128xf32, #tpu.memory_space<hbm>>)
      tpu.yield
    }) : () -> ()
    %add3A_34 = arith.constant 512 : i32
    %add3A_35 = arith.addi %mul3A_2, %add3A_34 : i32
    "tpu.region"() ({
      %run_scoped3A = tpu.sem_alloc : memref<!tpu.dma_semaphore, #tpu.memory_space<semaphore_mem>>
      %dma_start3A = arith.constant 0 : i32
      %dma_start3A_36 = tpu.memref_slice %arg9[%add3A_35, %dma_start3A] : memref<10240x128xf32, #tpu.memory_space<vmem_shared>> -> memref<128x128xf32, #tpu.memory_space<vmem_shared>>
      %dma_start3A_37 = arith.constant 0 : i32
      %dma_start3A_38 = tpu.memref_slice %arg9[%add3A_35, %dma_start3A_37] : memref<10240x128xf32, #tpu.memory_space<vmem_shared>> -> memref<128x128xf32, #tpu.memory_space<vmem_shared>>
      tpu.enqueue_dma source(%dma_start3A_38 : memref<128x128xf32, #tpu.memory_space<vmem_shared>>) target(%arg8 : memref<128x128xf32, #tpu.memory_space<vmem>>) target_semaphore(%run_scoped3A : memref<!tpu.dma_semaphore, #tpu.memory_space<semaphore_mem>>)
      %dma_wait3A = arith.constant 0 : i32
      %dma_wait3A_39 = tpu.memref_slice %arg9[%add3A_35, %dma_wait3A] : memref<10240x128xf32, #tpu.memory_space<vmem_shared>> -> memref<128x128xf32, #tpu.memory_space<vmem_shared>>
      %dma_wait3A_40 = arith.constant 0 : i32
      %dma_wait3A_41 = tpu.memref_slice %arg9[%add3A_35, %dma_wait3A_40] : memref<10240x128xf32, #tpu.memory_space<vmem_shared>> -> memref<128x128xf32, #tpu.memory_space<vmem_shared>>
      tpu.wait_dma2 semaphore(%run_scoped3A : memref<!tpu.dma_semaphore, #tpu.memory_space<semaphore_mem>>) src(%dma_wait3A_41 : memref<128x128xf32, #tpu.memory_space<vmem_shared>>) dst(%arg8 : memref<128x128xf32, #tpu.memory_space<vmem>>)
      tpu.yield
    }) : () -> ()
    "tpu.region"() ({
      %run_scoped3A = tpu.sem_alloc : memref<!tpu.dma_semaphore, #tpu.memory_space<semaphore_mem>>
      %dma_start3A = arith.constant 0 : i32
      %dma_start3A_36 = arith.constant 0 : i32
      %dma_start3A_37 = tpu.memref_slice %arg5[%arg0, %dma_start3A, %dma_start3A_36] : memref<2x10240x128xf32, #tpu.memory_space<hbm>> -> memref<1x10240x128xf32, #tpu.memory_space<hbm>>
      %dma_start3A_38 = tpu.memref_squeeze %dma_start3A_37 : memref<1x10240x128xf32, #tpu.memory_space<hbm>> -> memref<10240x128xf32, #tpu.memory_space<hbm>>
      %dma_start3A_39 = arith.constant 0 : i32
      %dma_start3A_40 = tpu.memref_slice %dma_start3A_38[%add3A_35, %dma_start3A_39] : memref<10240x128xf32, #tpu.memory_space<hbm>> -> memref<128x128xf32, #tpu.memory_space<hbm>>
      %dma_start3A_41 = arith.constant 0 : i32
      %dma_start3A_42 = arith.constant 0 : i32
      %dma_start3A_43 = tpu.memref_slice %arg5[%arg0, %dma_start3A_41, %dma_start3A_42] : memref<2x10240x128xf32, #tpu.memory_space<hbm>> -> memref<1x10240x128xf32, #tpu.memory_space<hbm>>
      %dma_start3A_44 = tpu.memref_squeeze %dma_start3A_43 : memref<1x10240x128xf32, #tpu.memory_space<hbm>> -> memref<10240x128xf32, #tpu.memory_space<hbm>>
      %dma_start3A_45 = arith.constant 0 : i32
      %dma_start3A_46 = tpu.memref_slice %dma_start3A_44[%add3A_35, %dma_start3A_45] : memref<10240x128xf32, #tpu.memory_space<hbm>> -> memref<128x128xf32, #tpu.memory_space<hbm>>
      tpu.enqueue_dma source(%arg8 : memref<128x128xf32, #tpu.memory_space<vmem>>) target(%dma_start3A_46 : memref<128x128xf32, #tpu.memory_space<hbm>>) target_semaphore(%run_scoped3A : memref<!tpu.dma_semaphore, #tpu.memory_space<semaphore_mem>>)
      %dma_wait3A = arith.constant 0 : i32
      %dma_wait3A_47 = arith.constant 0 : i32
      %dma_wait3A_48 = tpu.memref_slice %arg5[%arg0, %dma_wait3A, %dma_wait3A_47] : memref<2x10240x128xf32, #tpu.memory_space<hbm>> -> memref<1x10240x128xf32, #tpu.memory_space<hbm>>
      %dma_wait3A_49 = tpu.memref_squeeze %dma_wait3A_48 : memref<1x10240x128xf32, #tpu.memory_space<hbm>> -> memref<10240x128xf32, #tpu.memory_space<hbm>>
      %dma_wait3A_50 = arith.constant 0 : i32
      %dma_wait3A_51 = tpu.memref_slice %dma_wait3A_49[%add3A_35, %dma_wait3A_50] : memref<10240x128xf32, #tpu.memory_space<hbm>> -> memref<128x128xf32, #tpu.memory_space<hbm>>
      %dma_wait3A_52 = arith.constant 0 : i32
      %dma_wait3A_53 = arith.constant 0 : i32
      %dma_wait3A_54 = tpu.memref_slice %arg5[%arg0, %dma_wait3A_52, %dma_wait3A_53] : memref<2x10240x128xf32, #tpu.memory_space<hbm>> -> memref<1x10240x128xf32, #tpu.memory_space<hbm>>
      %dma_wait3A_55 = tpu.memref_squeeze %dma_wait3A_54 : memref<1x10240x128xf32, #tpu.memory_space<hbm>> -> memref<10240x128xf32, #tpu.memory_space<hbm>>
      %dma_wait3A_56 = arith.constant 0 : i32
      %dma_wait3A_57 = tpu.memref_slice %dma_wait3A_55[%add3A_35, %dma_wait3A_56] : memref<10240x128xf32, #tpu.memory_space<hbm>> -> memref<128x128xf32, #tpu.memory_space<hbm>>
      tpu.wait_dma2 semaphore(%run_scoped3A : memref<!tpu.dma_semaphore, #tpu.memory_space<semaphore_mem>>) src(%arg8 : memref<128x128xf32, #tpu.memory_space<vmem>>) dst(%dma_wait3A_57 : memref<128x128xf32, #tpu.memory_space<hbm>>)
      tpu.yield
    }) : () -> ()
    return
  }
}

#map = affine_map<(d0, d1) -> (0, 0, 0)>
module attributes {stable_mosaic.version = 14 : i64} {
  func.func @k(%arg0: i32, %arg1: i32, %arg2: memref<32x79x128xi32, #tpu.memory_space<hbm>>, %arg3: memref<2x10240x8xf32, #tpu.memory_space<hbm>>, %arg4: memref<79x128xi32, #tpu.memory_space<vmem>>, %arg5: memref<128x8xf32, #tpu.memory_space<vmem>>, %arg6: memref<128x8xf32, #tpu.memory_space<vmem>>, %arg7: memref<10240x8xf32, #tpu.memory_space<vmem_shared>>) attributes {dimension_semantics = [#tpu.dimension_semantics<core_parallel>, #tpu.dimension_semantics<subcore_parallel>], iteration_bounds = array<i64: 2, 16>, scalar_prefetch = 0 : i64, scratch_operands = 4 : i64, tpu.core_type = #tpu.core_type<sc_vector_subcore>, window_params = [{transform_indices = #map}, {transform_indices = #map}]} {
    %mul3A = arith.constant 2 : i32
    %mul3A_0 = arith.muli %arg1, %mul3A : i32
    %add3A = arith.addi %mul3A_0, %arg0 : i32
    %mul3A_1 = arith.constant 640 : i32
    %mul3A_2 = arith.muli %arg1, %mul3A_1 : i32
    %broadcast_in_dim3A = arith.constant 1.000000e+00 : f32
    %broadcast_in_dim3A_3 = vector.broadcast %broadcast_in_dim3A : f32 to vector<16xf32>
    %scan3A = arith.constant 0 : i32
    %scan3A_4 = arith.constant 0 : i32
    %scan3A_5 = arith.constant 128 : i32
    %scan3A_6 = arith.addi %scan3A_4, %scan3A_5 : i32
    %scan3A_7 = arith.constant 1 : i32
    scf.for %scan3A_44 = %scan3A_4 to %scan3A_6 step %scan3A_7  : i32 {
    }
    %scan3A_8 = arith.constant 128 : i32
    %broadcast_in_dim3A_9 = arith.constant 0.000000e+00 : f32
    %broadcast_in_dim3A_10 = vector.broadcast %broadcast_in_dim3A_9 : f32 to vector<16xf32>
    %scan3A_11 = arith.constant 0 : i32
    %scan3A_12 = arith.constant 0 : i32
    %scan3A_13 = arith.constant 128 : i32
    %scan3A_14 = arith.addi %scan3A_12, %scan3A_13 : i32
    %scan3A_15 = arith.constant 1 : i32
    scf.for %scan3A_44 = %scan3A_12 to %scan3A_14 step %scan3A_15  : i32 {
    }
    %scan3A_16 = arith.constant 128 : i32
    %add3A_17 = arith.constant 0 : i32
    %add3A_18 = arith.addi %mul3A_2, %add3A_17 : i32
    "tpu.region"() ({
      %run_scoped3A = tpu.sem_alloc : memref<!tpu.dma_semaphore, #tpu.memory_space<semaphore_mem>>
      %dma_start3A = arith.constant 0 : i32
      %dma_start3A_44 = tpu.memref_slice %arg7[%add3A_18, %dma_start3A] : memref<10240x8xf32, #tpu.memory_space<vmem_shared>> -> memref<128x8xf32, #tpu.memory_space<vmem_shared>>
      %dma_start3A_45 = arith.constant 0 : i32
      %dma_start3A_46 = tpu.memref_slice %arg7[%add3A_18, %dma_start3A_45] : memref<10240x8xf32, #tpu.memory_space<vmem_shared>> -> memref<128x8xf32, #tpu.memory_space<vmem_shared>>
      tpu.enqueue_dma source(%arg6 : memref<128x8xf32, #tpu.memory_space<vmem>>) target(%dma_start3A_46 : memref<128x8xf32, #tpu.memory_space<vmem_shared>>) target_semaphore(%run_scoped3A : memref<!tpu.dma_semaphore, #tpu.memory_space<semaphore_mem>>)
      %dma_wait3A = arith.constant 0 : i32
      %dma_wait3A_47 = tpu.memref_slice %arg7[%add3A_18, %dma_wait3A] : memref<10240x8xf32, #tpu.memory_space<vmem_shared>> -> memref<128x8xf32, #tpu.memory_space<vmem_shared>>
      %dma_wait3A_48 = arith.constant 0 : i32
      %dma_wait3A_49 = tpu.memref_slice %arg7[%add3A_18, %dma_wait3A_48] : memref<10240x8xf32, #tpu.memory_space<vmem_shared>> -> memref<128x8xf32, #tpu.memory_space<vmem_shared>>
      tpu.wait_dma2 semaphore(%run_scoped3A : memref<!tpu.dma_semaphore, #tpu.memory_space<semaphore_mem>>) src(%arg6 : memref<128x8xf32, #tpu.memory_space<vmem>>) dst(%dma_wait3A_49 : memref<128x8xf32, #tpu.memory_space<vmem_shared>>)
      tpu.yield
    }) : () -> ()
    %add3A_19 = arith.constant 128 : i32
    %add3A_20 = arith.addi %mul3A_2, %add3A_19 : i32
    "tpu.region"() ({
      %run_scoped3A = tpu.sem_alloc : memref<!tpu.dma_semaphore, #tpu.memory_space<semaphore_mem>>
      %dma_start3A = arith.constant 0 : i32
      %dma_start3A_44 = tpu.memref_slice %arg7[%add3A_20, %dma_start3A] : memref<10240x8xf32, #tpu.memory_space<vmem_shared>> -> memref<128x8xf32, #tpu.memory_space<vmem_shared>>
      %dma_start3A_45 = arith.constant 0 : i32
      %dma_start3A_46 = tpu.memref_slice %arg7[%add3A_20, %dma_start3A_45] : memref<10240x8xf32, #tpu.memory_space<vmem_shared>> -> memref<128x8xf32, #tpu.memory_space<vmem_shared>>
      tpu.enqueue_dma source(%arg6 : memref<128x8xf32, #tpu.memory_space<vmem>>) target(%dma_start3A_46 : memref<128x8xf32, #tpu.memory_space<vmem_shared>>) target_semaphore(%run_scoped3A : memref<!tpu.dma_semaphore, #tpu.memory_space<semaphore_mem>>)
      %dma_wait3A = arith.constant 0 : i32
      %dma_wait3A_47 = tpu.memref_slice %arg7[%add3A_20, %dma_wait3A] : memref<10240x8xf32, #tpu.memory_space<vmem_shared>> -> memref<128x8xf32, #tpu.memory_space<vmem_shared>>
      %dma_wait3A_48 = arith.constant 0 : i32
      %dma_wait3A_49 = tpu.memref_slice %arg7[%add3A_20, %dma_wait3A_48] : memref<10240x8xf32, #tpu.memory_space<vmem_shared>> -> memref<128x8xf32, #tpu.memory_space<vmem_shared>>
      tpu.wait_dma2 semaphore(%run_scoped3A : memref<!tpu.dma_semaphore, #tpu.memory_space<semaphore_mem>>) src(%arg6 : memref<128x8xf32, #tpu.memory_space<vmem>>) dst(%dma_wait3A_49 : memref<128x8xf32, #tpu.memory_space<vmem_shared>>)
      tpu.yield
    }) : () -> ()
    %add3A_21 = arith.constant 256 : i32
    %add3A_22 = arith.addi %mul3A_2, %add3A_21 : i32
    "tpu.region"() ({
      %run_scoped3A = tpu.sem_alloc : memref<!tpu.dma_semaphore, #tpu.memory_space<semaphore_mem>>
      %dma_start3A = arith.constant 0 : i32
      %dma_start3A_44 = tpu.memref_slice %arg7[%add3A_22, %dma_start3A] : memref<10240x8xf32, #tpu.memory_space<vmem_shared>> -> memref<128x8xf32, #tpu.memory_space<vmem_shared>>
      %dma_start3A_45 = arith.constant 0 : i32
      %dma_start3A_46 = tpu.memref_slice %arg7[%add3A_22, %dma_start3A_45] : memref<10240x8xf32, #tpu.memory_space<vmem_shared>> -> memref<128x8xf32, #tpu.memory_space<vmem_shared>>
      tpu.enqueue_dma source(%arg6 : memref<128x8xf32, #tpu.memory_space<vmem>>) target(%dma_start3A_46 : memref<128x8xf32, #tpu.memory_space<vmem_shared>>) target_semaphore(%run_scoped3A : memref<!tpu.dma_semaphore, #tpu.memory_space<semaphore_mem>>)
      %dma_wait3A = arith.constant 0 : i32
      %dma_wait3A_47 = tpu.memref_slice %arg7[%add3A_22, %dma_wait3A] : memref<10240x8xf32, #tpu.memory_space<vmem_shared>> -> memref<128x8xf32, #tpu.memory_space<vmem_shared>>
      %dma_wait3A_48 = arith.constant 0 : i32
      %dma_wait3A_49 = tpu.memref_slice %arg7[%add3A_22, %dma_wait3A_48] : memref<10240x8xf32, #tpu.memory_space<vmem_shared>> -> memref<128x8xf32, #tpu.memory_space<vmem_shared>>
      tpu.wait_dma2 semaphore(%run_scoped3A : memref<!tpu.dma_semaphore, #tpu.memory_space<semaphore_mem>>) src(%arg6 : memref<128x8xf32, #tpu.memory_space<vmem>>) dst(%dma_wait3A_49 : memref<128x8xf32, #tpu.memory_space<vmem_shared>>)
      tpu.yield
    }) : () -> ()
    %add3A_23 = arith.constant 384 : i32
    %add3A_24 = arith.addi %mul3A_2, %add3A_23 : i32
    "tpu.region"() ({
      %run_scoped3A = tpu.sem_alloc : memref<!tpu.dma_semaphore, #tpu.memory_space<semaphore_mem>>
      %dma_start3A = arith.constant 0 : i32
      %dma_start3A_44 = tpu.memref_slice %arg7[%add3A_24, %dma_start3A] : memref<10240x8xf32, #tpu.memory_space<vmem_shared>> -> memref<128x8xf32, #tpu.memory_space<vmem_shared>>
      %dma_start3A_45 = arith.constant 0 : i32
      %dma_start3A_46 = tpu.memref_slice %arg7[%add3A_24, %dma_start3A_45] : memref<10240x8xf32, #tpu.memory_space<vmem_shared>> -> memref<128x8xf32, #tpu.memory_space<vmem_shared>>
      tpu.enqueue_dma source(%arg6 : memref<128x8xf32, #tpu.memory_space<vmem>>) target(%dma_start3A_46 : memref<128x8xf32, #tpu.memory_space<vmem_shared>>) target_semaphore(%run_scoped3A : memref<!tpu.dma_semaphore, #tpu.memory_space<semaphore_mem>>)
      %dma_wait3A = arith.constant 0 : i32
      %dma_wait3A_47 = tpu.memref_slice %arg7[%add3A_24, %dma_wait3A] : memref<10240x8xf32, #tpu.memory_space<vmem_shared>> -> memref<128x8xf32, #tpu.memory_space<vmem_shared>>
      %dma_wait3A_48 = arith.constant 0 : i32
      %dma_wait3A_49 = tpu.memref_slice %arg7[%add3A_24, %dma_wait3A_48] : memref<10240x8xf32, #tpu.memory_space<vmem_shared>> -> memref<128x8xf32, #tpu.memory_space<vmem_shared>>
      tpu.wait_dma2 semaphore(%run_scoped3A : memref<!tpu.dma_semaphore, #tpu.memory_space<semaphore_mem>>) src(%arg6 : memref<128x8xf32, #tpu.memory_space<vmem>>) dst(%dma_wait3A_49 : memref<128x8xf32, #tpu.memory_space<vmem_shared>>)
      tpu.yield
    }) : () -> ()
    %add3A_25 = arith.constant 512 : i32
    %add3A_26 = arith.addi %mul3A_2, %add3A_25 : i32
    "tpu.region"() ({
      %run_scoped3A = tpu.sem_alloc : memref<!tpu.dma_semaphore, #tpu.memory_space<semaphore_mem>>
      %dma_start3A = arith.constant 0 : i32
      %dma_start3A_44 = tpu.memref_slice %arg7[%add3A_26, %dma_start3A] : memref<10240x8xf32, #tpu.memory_space<vmem_shared>> -> memref<128x8xf32, #tpu.memory_space<vmem_shared>>
      %dma_start3A_45 = arith.constant 0 : i32
      %dma_start3A_46 = tpu.memref_slice %arg7[%add3A_26, %dma_start3A_45] : memref<10240x8xf32, #tpu.memory_space<vmem_shared>> -> memref<128x8xf32, #tpu.memory_space<vmem_shared>>
      tpu.enqueue_dma source(%arg6 : memref<128x8xf32, #tpu.memory_space<vmem>>) target(%dma_start3A_46 : memref<128x8xf32, #tpu.memory_space<vmem_shared>>) target_semaphore(%run_scoped3A : memref<!tpu.dma_semaphore, #tpu.memory_space<semaphore_mem>>)
      %dma_wait3A = arith.constant 0 : i32
      %dma_wait3A_47 = tpu.memref_slice %arg7[%add3A_26, %dma_wait3A] : memref<10240x8xf32, #tpu.memory_space<vmem_shared>> -> memref<128x8xf32, #tpu.memory_space<vmem_shared>>
      %dma_wait3A_48 = arith.constant 0 : i32
      %dma_wait3A_49 = tpu.memref_slice %arg7[%add3A_26, %dma_wait3A_48] : memref<10240x8xf32, #tpu.memory_space<vmem_shared>> -> memref<128x8xf32, #tpu.memory_space<vmem_shared>>
      tpu.wait_dma2 semaphore(%run_scoped3A : memref<!tpu.dma_semaphore, #tpu.memory_space<semaphore_mem>>) src(%arg6 : memref<128x8xf32, #tpu.memory_space<vmem>>) dst(%dma_wait3A_49 : memref<128x8xf32, #tpu.memory_space<vmem_shared>>)
      tpu.yield
    }) : () -> ()
    %barrier3A = arith.constant 0 : index
    tpu.barrier barrier_id(%barrier3A)
    "tpu.region"() ({
      %run_scoped3A = tpu.sem_alloc : memref<!tpu.dma_semaphore, #tpu.memory_space<semaphore_mem>>
      %dma_start3A = arith.constant 0 : i32
      %dma_start3A_44 = arith.constant 0 : i32
      %dma_start3A_45 = tpu.memref_slice %arg2[%add3A, %dma_start3A, %dma_start3A_44] : memref<32x79x128xi32, #tpu.memory_space<hbm>> -> memref<1x79x128xi32, #tpu.memory_space<hbm>>
      %dma_start3A_46 = tpu.memref_squeeze %dma_start3A_45 : memref<1x79x128xi32, #tpu.memory_space<hbm>> -> memref<79x128xi32, #tpu.memory_space<hbm>>
      %dma_start3A_47 = arith.constant 0 : i32
      %dma_start3A_48 = arith.constant 0 : i32
      %dma_start3A_49 = tpu.memref_slice %arg2[%add3A, %dma_start3A_47, %dma_start3A_48] : memref<32x79x128xi32, #tpu.memory_space<hbm>> -> memref<1x79x128xi32, #tpu.memory_space<hbm>>
      %dma_start3A_50 = tpu.memref_squeeze %dma_start3A_49 : memref<1x79x128xi32, #tpu.memory_space<hbm>> -> memref<79x128xi32, #tpu.memory_space<hbm>>
      tpu.enqueue_dma source(%dma_start3A_50 : memref<79x128xi32, #tpu.memory_space<hbm>>) target(%arg4 : memref<79x128xi32, #tpu.memory_space<vmem>>) target_semaphore(%run_scoped3A : memref<!tpu.dma_semaphore, #tpu.memory_space<semaphore_mem>>)
      %dma_wait3A = arith.constant 0 : i32
      %dma_wait3A_51 = arith.constant 0 : i32
      %dma_wait3A_52 = tpu.memref_slice %arg2[%add3A, %dma_wait3A, %dma_wait3A_51] : memref<32x79x128xi32, #tpu.memory_space<hbm>> -> memref<1x79x128xi32, #tpu.memory_space<hbm>>
      %dma_wait3A_53 = tpu.memref_squeeze %dma_wait3A_52 : memref<1x79x128xi32, #tpu.memory_space<hbm>> -> memref<79x128xi32, #tpu.memory_space<hbm>>
      %dma_wait3A_54 = arith.constant 0 : i32
      %dma_wait3A_55 = arith.constant 0 : i32
      %dma_wait3A_56 = tpu.memref_slice %arg2[%add3A, %dma_wait3A_54, %dma_wait3A_55] : memref<32x79x128xi32, #tpu.memory_space<hbm>> -> memref<1x79x128xi32, #tpu.memory_space<hbm>>
      %dma_wait3A_57 = tpu.memref_squeeze %dma_wait3A_56 : memref<1x79x128xi32, #tpu.memory_space<hbm>> -> memref<79x128xi32, #tpu.memory_space<hbm>>
      tpu.wait_dma2 semaphore(%run_scoped3A : memref<!tpu.dma_semaphore, #tpu.memory_space<semaphore_mem>>) src(%dma_wait3A_57 : memref<79x128xi32, #tpu.memory_space<hbm>>) dst(%arg4 : memref<79x128xi32, #tpu.memory_space<vmem>>)
      tpu.yield
    }) : () -> ()
    %scan3A_27 = arith.constant 0 : i32
    %scan3A_28 = arith.constant 0 : i32
    %scan3A_29 = arith.constant 79 : i32
    %scan3A_30 = arith.addi %scan3A_28, %scan3A_29 : i32
    %scan3A_31 = arith.constant 1 : i32
    scf.for %scan3A_44 = %scan3A_28 to %scan3A_30 step %scan3A_31  : i32 {
      "tpu.region"() ({
        %run_scoped3A = tpu.sem_alloc : memref<!tpu.dma_semaphore, #tpu.memory_space<semaphore_mem>>
        %dma_start3A = arith.constant 0 : i32
        %dma_start3A_45 = tpu.memref_slice %arg4[%scan3A_44, %dma_start3A] : memref<79x128xi32, #tpu.memory_space<vmem>> -> memref<1x128xi32, #tpu.memory_space<vmem>>
        %dma_start3A_46 = tpu.memref_squeeze %dma_start3A_45 : memref<1x128xi32, #tpu.memory_space<vmem>> -> memref<128xi32, #tpu.memory_space<vmem>>
        %dma_start3A_47 = arith.constant 0 : i32
        %dma_start3A_48 = arith.constant 0 : i32
        %dma_start3A_49 = tpu.memref_slice %arg7[%dma_start3A_47, %dma_start3A_48] : memref<10240x8xf32, #tpu.memory_space<vmem_shared>> -> memref<10240x8xf32, #tpu.memory_space<vmem_shared>>
        tpu.enqueue_indirect_dma source(%arg5 : memref<128x8xf32, #tpu.memory_space<vmem>>) target(%dma_start3A_49 : memref<10240x8xf32, #tpu.memory_space<vmem_shared>>) offsets(%dma_start3A_46 : memref<128xi32, #tpu.memory_space<vmem>>) semaphore(%run_scoped3A : memref<!tpu.dma_semaphore, #tpu.memory_space<semaphore_mem>>) {add = true}
        %dma_wait3A = arith.constant 0 : i32
        %dma_wait3A_50 = tpu.memref_slice %arg4[%scan3A_44, %dma_wait3A] : memref<79x128xi32, #tpu.memory_space<vmem>> -> memref<1x128xi32, #tpu.memory_space<vmem>>
        %dma_wait3A_51 = tpu.memref_squeeze %dma_wait3A_50 : memref<1x128xi32, #tpu.memory_space<vmem>> -> memref<128xi32, #tpu.memory_space<vmem>>
        %dma_wait3A_52 = arith.constant 0 : i32
        %dma_wait3A_53 = arith.constant 0 : i32
        %dma_wait3A_54 = tpu.memref_slice %arg7[%dma_wait3A_52, %dma_wait3A_53] : memref<10240x8xf32, #tpu.memory_space<vmem_shared>> -> memref<10240x8xf32, #tpu.memory_space<vmem_shared>>
        tpu.wait_indirect_dma semaphore(%run_scoped3A : memref<!tpu.dma_semaphore, #tpu.memory_space<semaphore_mem>>) src(%arg5 : memref<128x8xf32, #tpu.memory_space<vmem>>) dst(%dma_wait3A_54 : memref<10240x8xf32, #tpu.memory_space<vmem_shared>>)
        tpu.yield
      }) : () -> ()
    }
    %scan3A_32 = arith.constant 79 : i32
    %barrier3A_33 = arith.constant 0 : index
    tpu.barrier barrier_id(%barrier3A_33)
    %add3A_34 = arith.constant 0 : i32
    %add3A_35 = arith.addi %mul3A_2, %add3A_34 : i32
    "tpu.region"() ({
      %run_scoped3A = tpu.sem_alloc : memref<!tpu.dma_semaphore, #tpu.memory_space<semaphore_mem>>
      %dma_start3A = arith.constant 0 : i32
      %dma_start3A_44 = tpu.memref_slice %arg7[%add3A_35, %dma_start3A] : memref<10240x8xf32, #tpu.memory_space<vmem_shared>> -> memref<128x8xf32, #tpu.memory_space<vmem_shared>>
      %dma_start3A_45 = arith.constant 0 : i32
      %dma_start3A_46 = tpu.memref_slice %arg7[%add3A_35, %dma_start3A_45] : memref<10240x8xf32, #tpu.memory_space<vmem_shared>> -> memref<128x8xf32, #tpu.memory_space<vmem_shared>>
      tpu.enqueue_dma source(%dma_start3A_46 : memref<128x8xf32, #tpu.memory_space<vmem_shared>>) target(%arg6 : memref<128x8xf32, #tpu.memory_space<vmem>>) target_semaphore(%run_scoped3A : memref<!tpu.dma_semaphore, #tpu.memory_space<semaphore_mem>>)
      %dma_wait3A = arith.constant 0 : i32
      %dma_wait3A_47 = tpu.memref_slice %arg7[%add3A_35, %dma_wait3A] : memref<10240x8xf32, #tpu.memory_space<vmem_shared>> -> memref<128x8xf32, #tpu.memory_space<vmem_shared>>
      %dma_wait3A_48 = arith.constant 0 : i32
      %dma_wait3A_49 = tpu.memref_slice %arg7[%add3A_35, %dma_wait3A_48] : memref<10240x8xf32, #tpu.memory_space<vmem_shared>> -> memref<128x8xf32, #tpu.memory_space<vmem_shared>>
      tpu.wait_dma2 semaphore(%run_scoped3A : memref<!tpu.dma_semaphore, #tpu.memory_space<semaphore_mem>>) src(%dma_wait3A_49 : memref<128x8xf32, #tpu.memory_space<vmem_shared>>) dst(%arg6 : memref<128x8xf32, #tpu.memory_space<vmem>>)
      tpu.yield
    }) : () -> ()
    "tpu.region"() ({
      %run_scoped3A = tpu.sem_alloc : memref<!tpu.dma_semaphore, #tpu.memory_space<semaphore_mem>>
      %dma_start3A = arith.constant 0 : i32
      %dma_start3A_44 = arith.constant 0 : i32
      %dma_start3A_45 = tpu.memref_slice %arg3[%arg0, %dma_start3A, %dma_start3A_44] : memref<2x10240x8xf32, #tpu.memory_space<hbm>> -> memref<1x10240x8xf32, #tpu.memory_space<hbm>>
      %dma_start3A_46 = tpu.memref_squeeze %dma_start3A_45 : memref<1x10240x8xf32, #tpu.memory_space<hbm>> -> memref<10240x8xf32, #tpu.memory_space<hbm>>
      %dma_start3A_47 = arith.constant 0 : i32
      %dma_start3A_48 = tpu.memref_slice %dma_start3A_46[%add3A_35, %dma_start3A_47] : memref<10240x8xf32, #tpu.memory_space<hbm>> -> memref<128x8xf32, #tpu.memory_space<hbm>>
      %dma_start3A_49 = arith.constant 0 : i32
      %dma_start3A_50 = arith.constant 0 : i32
      %dma_start3A_51 = tpu.memref_slice %arg3[%arg0, %dma_start3A_49, %dma_start3A_50] : memref<2x10240x8xf32, #tpu.memory_space<hbm>> -> memref<1x10240x8xf32, #tpu.memory_space<hbm>>
      %dma_start3A_52 = tpu.memref_squeeze %dma_start3A_51 : memref<1x10240x8xf32, #tpu.memory_space<hbm>> -> memref<10240x8xf32, #tpu.memory_space<hbm>>
      %dma_start3A_53 = arith.constant 0 : i32
      %dma_start3A_54 = tpu.memref_slice %dma_start3A_52[%add3A_35, %dma_start3A_53] : memref<10240x8xf32, #tpu.memory_space<hbm>> -> memref<128x8xf32, #tpu.memory_space<hbm>>
      tpu.enqueue_dma source(%arg6 : memref<128x8xf32, #tpu.memory_space<vmem>>) target(%dma_start3A_54 : memref<128x8xf32, #tpu.memory_space<hbm>>) target_semaphore(%run_scoped3A : memref<!tpu.dma_semaphore, #tpu.memory_space<semaphore_mem>>)
      %dma_wait3A = arith.constant 0 : i32
      %dma_wait3A_55 = arith.constant 0 : i32
      %dma_wait3A_56 = tpu.memref_slice %arg3[%arg0, %dma_wait3A, %dma_wait3A_55] : memref<2x10240x8xf32, #tpu.memory_space<hbm>> -> memref<1x10240x8xf32, #tpu.memory_space<hbm>>
      %dma_wait3A_57 = tpu.memref_squeeze %dma_wait3A_56 : memref<1x10240x8xf32, #tpu.memory_space<hbm>> -> memref<10240x8xf32, #tpu.memory_space<hbm>>
      %dma_wait3A_58 = arith.constant 0 : i32
      %dma_wait3A_59 = tpu.memref_slice %dma_wait3A_57[%add3A_35, %dma_wait3A_58] : memref<10240x8xf32, #tpu.memory_space<hbm>> -> memref<128x8xf32, #tpu.memory_space<hbm>>
      %dma_wait3A_60 = arith.constant 0 : i32
      %dma_wait3A_61 = arith.constant 0 : i32
      %dma_wait3A_62 = tpu.memref_slice %arg3[%arg0, %dma_wait3A_60, %dma_wait3A_61] : memref<2x10240x8xf32, #tpu.memory_space<hbm>> -> memref<1x10240x8xf32, #tpu.memory_space<hbm>>
      %dma_wait3A_63 = tpu.memref_squeeze %dma_wait3A_62 : memref<1x10240x8xf32, #tpu.memory_space<hbm>> -> memref<10240x8xf32, #tpu.memory_space<hbm>>
      %dma_wait3A_64 = arith.constant 0 : i32
      %dma_wait3A_65 = tpu.memref_slice %dma_wait3A_63[%add3A_35, %dma_wait3A_64] : memref<10240x8xf32, #tpu.memory_space<hbm>> -> memref<128x8xf32, #tpu.memory_space<hbm>>
      tpu.wait_dma2 semaphore(%run_scoped3A : memref<!tpu.dma_semaphore, #tpu.memory_space<semaphore_mem>>) src(%arg6 : memref<128x8xf32, #tpu.memory_space<vmem>>) dst(%dma_wait3A_65 : memref<128x8xf32, #tpu.memory_space<hbm>>)
      tpu.yield
    }) : () -> ()
    %add3A_36 = arith.constant 128 : i32
    %add3A_37 = arith.addi %mul3A_2, %add3A_36 : i32
    "tpu.region"() ({
      %run_scoped3A = tpu.sem_alloc : memref<!tpu.dma_semaphore, #tpu.memory_space<semaphore_mem>>
      %dma_start3A = arith.constant 0 : i32
      %dma_start3A_44 = tpu.memref_slice %arg7[%add3A_37, %dma_start3A] : memref<10240x8xf32, #tpu.memory_space<vmem_shared>> -> memref<128x8xf32, #tpu.memory_space<vmem_shared>>
      %dma_start3A_45 = arith.constant 0 : i32
      %dma_start3A_46 = tpu.memref_slice %arg7[%add3A_37, %dma_start3A_45] : memref<10240x8xf32, #tpu.memory_space<vmem_shared>> -> memref<128x8xf32, #tpu.memory_space<vmem_shared>>
      tpu.enqueue_dma source(%dma_start3A_46 : memref<128x8xf32, #tpu.memory_space<vmem_shared>>) target(%arg6 : memref<128x8xf32, #tpu.memory_space<vmem>>) target_semaphore(%run_scoped3A : memref<!tpu.dma_semaphore, #tpu.memory_space<semaphore_mem>>)
      %dma_wait3A = arith.constant 0 : i32
      %dma_wait3A_47 = tpu.memref_slice %arg7[%add3A_37, %dma_wait3A] : memref<10240x8xf32, #tpu.memory_space<vmem_shared>> -> memref<128x8xf32, #tpu.memory_space<vmem_shared>>
      %dma_wait3A_48 = arith.constant 0 : i32
      %dma_wait3A_49 = tpu.memref_slice %arg7[%add3A_37, %dma_wait3A_48] : memref<10240x8xf32, #tpu.memory_space<vmem_shared>> -> memref<128x8xf32, #tpu.memory_space<vmem_shared>>
      tpu.wait_dma2 semaphore(%run_scoped3A : memref<!tpu.dma_semaphore, #tpu.memory_space<semaphore_mem>>) src(%dma_wait3A_49 : memref<128x8xf32, #tpu.memory_space<vmem_shared>>) dst(%arg6 : memref<128x8xf32, #tpu.memory_space<vmem>>)
      tpu.yield
    }) : () -> ()
    "tpu.region"() ({
      %run_scoped3A = tpu.sem_alloc : memref<!tpu.dma_semaphore, #tpu.memory_space<semaphore_mem>>
      %dma_start3A = arith.constant 0 : i32
      %dma_start3A_44 = arith.constant 0 : i32
      %dma_start3A_45 = tpu.memref_slice %arg3[%arg0, %dma_start3A, %dma_start3A_44] : memref<2x10240x8xf32, #tpu.memory_space<hbm>> -> memref<1x10240x8xf32, #tpu.memory_space<hbm>>
      %dma_start3A_46 = tpu.memref_squeeze %dma_start3A_45 : memref<1x10240x8xf32, #tpu.memory_space<hbm>> -> memref<10240x8xf32, #tpu.memory_space<hbm>>
      %dma_start3A_47 = arith.constant 0 : i32
      %dma_start3A_48 = tpu.memref_slice %dma_start3A_46[%add3A_37, %dma_start3A_47] : memref<10240x8xf32, #tpu.memory_space<hbm>> -> memref<128x8xf32, #tpu.memory_space<hbm>>
      %dma_start3A_49 = arith.constant 0 : i32
      %dma_start3A_50 = arith.constant 0 : i32
      %dma_start3A_51 = tpu.memref_slice %arg3[%arg0, %dma_start3A_49, %dma_start3A_50] : memref<2x10240x8xf32, #tpu.memory_space<hbm>> -> memref<1x10240x8xf32, #tpu.memory_space<hbm>>
      %dma_start3A_52 = tpu.memref_squeeze %dma_start3A_51 : memref<1x10240x8xf32, #tpu.memory_space<hbm>> -> memref<10240x8xf32, #tpu.memory_space<hbm>>
      %dma_start3A_53 = arith.constant 0 : i32
      %dma_start3A_54 = tpu.memref_slice %dma_start3A_52[%add3A_37, %dma_start3A_53] : memref<10240x8xf32, #tpu.memory_space<hbm>> -> memref<128x8xf32, #tpu.memory_space<hbm>>
      tpu.enqueue_dma source(%arg6 : memref<128x8xf32, #tpu.memory_space<vmem>>) target(%dma_start3A_54 : memref<128x8xf32, #tpu.memory_space<hbm>>) target_semaphore(%run_scoped3A : memref<!tpu.dma_semaphore, #tpu.memory_space<semaphore_mem>>)
      %dma_wait3A = arith.constant 0 : i32
      %dma_wait3A_55 = arith.constant 0 : i32
      %dma_wait3A_56 = tpu.memref_slice %arg3[%arg0, %dma_wait3A, %dma_wait3A_55] : memref<2x10240x8xf32, #tpu.memory_space<hbm>> -> memref<1x10240x8xf32, #tpu.memory_space<hbm>>
      %dma_wait3A_57 = tpu.memref_squeeze %dma_wait3A_56 : memref<1x10240x8xf32, #tpu.memory_space<hbm>> -> memref<10240x8xf32, #tpu.memory_space<hbm>>
      %dma_wait3A_58 = arith.constant 0 : i32
      %dma_wait3A_59 = tpu.memref_slice %dma_wait3A_57[%add3A_37, %dma_wait3A_58] : memref<10240x8xf32, #tpu.memory_space<hbm>> -> memref<128x8xf32, #tpu.memory_space<hbm>>
      %dma_wait3A_60 = arith.constant 0 : i32
      %dma_wait3A_61 = arith.constant 0 : i32
      %dma_wait3A_62 = tpu.memref_slice %arg3[%arg0, %dma_wait3A_60, %dma_wait3A_61] : memref<2x10240x8xf32, #tpu.memory_space<hbm>> -> memref<1x10240x8xf32, #tpu.memory_space<hbm>>
      %dma_wait3A_63 = tpu.memref_squeeze %dma_wait3A_62 : memref<1x10240x8xf32, #tpu.memory_space<hbm>> -> memref<10240x8xf32, #tpu.memory_space<hbm>>
      %dma_wait3A_64 = arith.constant 0 : i32
      %dma_wait3A_65 = tpu.memref_slice %dma_wait3A_63[%add3A_37, %dma_wait3A_64] : memref<10240x8xf32, #tpu.memory_space<hbm>> -> memref<128x8xf32, #tpu.memory_space<hbm>>
      tpu.wait_dma2 semaphore(%run_scoped3A : memref<!tpu.dma_semaphore, #tpu.memory_space<semaphore_mem>>) src(%arg6 : memref<128x8xf32, #tpu.memory_space<vmem>>) dst(%dma_wait3A_65 : memref<128x8xf32, #tpu.memory_space<hbm>>)
      tpu.yield
    }) : () -> ()
    %add3A_38 = arith.constant 256 : i32
    %add3A_39 = arith.addi %mul3A_2, %add3A_38 : i32
    "tpu.region"() ({
      %run_scoped3A = tpu.sem_alloc : memref<!tpu.dma_semaphore, #tpu.memory_space<semaphore_mem>>
      %dma_start3A = arith.constant 0 : i32
      %dma_start3A_44 = tpu.memref_slice %arg7[%add3A_39, %dma_start3A] : memref<10240x8xf32, #tpu.memory_space<vmem_shared>> -> memref<128x8xf32, #tpu.memory_space<vmem_shared>>
      %dma_start3A_45 = arith.constant 0 : i32
      %dma_start3A_46 = tpu.memref_slice %arg7[%add3A_39, %dma_start3A_45] : memref<10240x8xf32, #tpu.memory_space<vmem_shared>> -> memref<128x8xf32, #tpu.memory_space<vmem_shared>>
      tpu.enqueue_dma source(%dma_start3A_46 : memref<128x8xf32, #tpu.memory_space<vmem_shared>>) target(%arg6 : memref<128x8xf32, #tpu.memory_space<vmem>>) target_semaphore(%run_scoped3A : memref<!tpu.dma_semaphore, #tpu.memory_space<semaphore_mem>>)
      %dma_wait3A = arith.constant 0 : i32
      %dma_wait3A_47 = tpu.memref_slice %arg7[%add3A_39, %dma_wait3A] : memref<10240x8xf32, #tpu.memory_space<vmem_shared>> -> memref<128x8xf32, #tpu.memory_space<vmem_shared>>
      %dma_wait3A_48 = arith.constant 0 : i32
      %dma_wait3A_49 = tpu.memref_slice %arg7[%add3A_39, %dma_wait3A_48] : memref<10240x8xf32, #tpu.memory_space<vmem_shared>> -> memref<128x8xf32, #tpu.memory_space<vmem_shared>>
      tpu.wait_dma2 semaphore(%run_scoped3A : memref<!tpu.dma_semaphore, #tpu.memory_space<semaphore_mem>>) src(%dma_wait3A_49 : memref<128x8xf32, #tpu.memory_space<vmem_shared>>) dst(%arg6 : memref<128x8xf32, #tpu.memory_space<vmem>>)
      tpu.yield
    }) : () -> ()
    "tpu.region"() ({
      %run_scoped3A = tpu.sem_alloc : memref<!tpu.dma_semaphore, #tpu.memory_space<semaphore_mem>>
      %dma_start3A = arith.constant 0 : i32
      %dma_start3A_44 = arith.constant 0 : i32
      %dma_start3A_45 = tpu.memref_slice %arg3[%arg0, %dma_start3A, %dma_start3A_44] : memref<2x10240x8xf32, #tpu.memory_space<hbm>> -> memref<1x10240x8xf32, #tpu.memory_space<hbm>>
      %dma_start3A_46 = tpu.memref_squeeze %dma_start3A_45 : memref<1x10240x8xf32, #tpu.memory_space<hbm>> -> memref<10240x8xf32, #tpu.memory_space<hbm>>
      %dma_start3A_47 = arith.constant 0 : i32
      %dma_start3A_48 = tpu.memref_slice %dma_start3A_46[%add3A_39, %dma_start3A_47] : memref<10240x8xf32, #tpu.memory_space<hbm>> -> memref<128x8xf32, #tpu.memory_space<hbm>>
      %dma_start3A_49 = arith.constant 0 : i32
      %dma_start3A_50 = arith.constant 0 : i32
      %dma_start3A_51 = tpu.memref_slice %arg3[%arg0, %dma_start3A_49, %dma_start3A_50] : memref<2x10240x8xf32, #tpu.memory_space<hbm>> -> memref<1x10240x8xf32, #tpu.memory_space<hbm>>
      %dma_start3A_52 = tpu.memref_squeeze %dma_start3A_51 : memref<1x10240x8xf32, #tpu.memory_space<hbm>> -> memref<10240x8xf32, #tpu.memory_space<hbm>>
      %dma_start3A_53 = arith.constant 0 : i32
      %dma_start3A_54 = tpu.memref_slice %dma_start3A_52[%add3A_39, %dma_start3A_53] : memref<10240x8xf32, #tpu.memory_space<hbm>> -> memref<128x8xf32, #tpu.memory_space<hbm>>
      tpu.enqueue_dma source(%arg6 : memref<128x8xf32, #tpu.memory_space<vmem>>) target(%dma_start3A_54 : memref<128x8xf32, #tpu.memory_space<hbm>>) target_semaphore(%run_scoped3A : memref<!tpu.dma_semaphore, #tpu.memory_space<semaphore_mem>>)
      %dma_wait3A = arith.constant 0 : i32
      %dma_wait3A_55 = arith.constant 0 : i32
      %dma_wait3A_56 = tpu.memref_slice %arg3[%arg0, %dma_wait3A, %dma_wait3A_55] : memref<2x10240x8xf32, #tpu.memory_space<hbm>> -> memref<1x10240x8xf32, #tpu.memory_space<hbm>>
      %dma_wait3A_57 = tpu.memref_squeeze %dma_wait3A_56 : memref<1x10240x8xf32, #tpu.memory_space<hbm>> -> memref<10240x8xf32, #tpu.memory_space<hbm>>
      %dma_wait3A_58 = arith.constant 0 : i32
      %dma_wait3A_59 = tpu.memref_slice %dma_wait3A_57[%add3A_39, %dma_wait3A_58] : memref<10240x8xf32, #tpu.memory_space<hbm>> -> memref<128x8xf32, #tpu.memory_space<hbm>>
      %dma_wait3A_60 = arith.constant 0 : i32
      %dma_wait3A_61 = arith.constant 0 : i32
      %dma_wait3A_62 = tpu.memref_slice %arg3[%arg0, %dma_wait3A_60, %dma_wait3A_61] : memref<2x10240x8xf32, #tpu.memory_space<hbm>> -> memref<1x10240x8xf32, #tpu.memory_space<hbm>>
      %dma_wait3A_63 = tpu.memref_squeeze %dma_wait3A_62 : memref<1x10240x8xf32, #tpu.memory_space<hbm>> -> memref<10240x8xf32, #tpu.memory_space<hbm>>
      %dma_wait3A_64 = arith.constant 0 : i32
      %dma_wait3A_65 = tpu.memref_slice %dma_wait3A_63[%add3A_39, %dma_wait3A_64] : memref<10240x8xf32, #tpu.memory_space<hbm>> -> memref<128x8xf32, #tpu.memory_space<hbm>>
      tpu.wait_dma2 semaphore(%run_scoped3A : memref<!tpu.dma_semaphore, #tpu.memory_space<semaphore_mem>>) src(%arg6 : memref<128x8xf32, #tpu.memory_space<vmem>>) dst(%dma_wait3A_65 : memref<128x8xf32, #tpu.memory_space<hbm>>)
      tpu.yield
    }) : () -> ()
    %add3A_40 = arith.constant 384 : i32
    %add3A_41 = arith.addi %mul3A_2, %add3A_40 : i32
    "tpu.region"() ({
      %run_scoped3A = tpu.sem_alloc : memref<!tpu.dma_semaphore, #tpu.memory_space<semaphore_mem>>
      %dma_start3A = arith.constant 0 : i32
      %dma_start3A_44 = tpu.memref_slice %arg7[%add3A_41, %dma_start3A] : memref<10240x8xf32, #tpu.memory_space<vmem_shared>> -> memref<128x8xf32, #tpu.memory_space<vmem_shared>>
      %dma_start3A_45 = arith.constant 0 : i32
      %dma_start3A_46 = tpu.memref_slice %arg7[%add3A_41, %dma_start3A_45] : memref<10240x8xf32, #tpu.memory_space<vmem_shared>> -> memref<128x8xf32, #tpu.memory_space<vmem_shared>>
      tpu.enqueue_dma source(%dma_start3A_46 : memref<128x8xf32, #tpu.memory_space<vmem_shared>>) target(%arg6 : memref<128x8xf32, #tpu.memory_space<vmem>>) target_semaphore(%run_scoped3A : memref<!tpu.dma_semaphore, #tpu.memory_space<semaphore_mem>>)
      %dma_wait3A = arith.constant 0 : i32
      %dma_wait3A_47 = tpu.memref_slice %arg7[%add3A_41, %dma_wait3A] : memref<10240x8xf32, #tpu.memory_space<vmem_shared>> -> memref<128x8xf32, #tpu.memory_space<vmem_shared>>
      %dma_wait3A_48 = arith.constant 0 : i32
      %dma_wait3A_49 = tpu.memref_slice %arg7[%add3A_41, %dma_wait3A_48] : memref<10240x8xf32, #tpu.memory_space<vmem_shared>> -> memref<128x8xf32, #tpu.memory_space<vmem_shared>>
      tpu.wait_dma2 semaphore(%run_scoped3A : memref<!tpu.dma_semaphore, #tpu.memory_space<semaphore_mem>>) src(%dma_wait3A_49 : memref<128x8xf32, #tpu.memory_space<vmem_shared>>) dst(%arg6 : memref<128x8xf32, #tpu.memory_space<vmem>>)
      tpu.yield
    }) : () -> ()
    "tpu.region"() ({
      %run_scoped3A = tpu.sem_alloc : memref<!tpu.dma_semaphore, #tpu.memory_space<semaphore_mem>>
      %dma_start3A = arith.constant 0 : i32
      %dma_start3A_44 = arith.constant 0 : i32
      %dma_start3A_45 = tpu.memref_slice %arg3[%arg0, %dma_start3A, %dma_start3A_44] : memref<2x10240x8xf32, #tpu.memory_space<hbm>> -> memref<1x10240x8xf32, #tpu.memory_space<hbm>>
      %dma_start3A_46 = tpu.memref_squeeze %dma_start3A_45 : memref<1x10240x8xf32, #tpu.memory_space<hbm>> -> memref<10240x8xf32, #tpu.memory_space<hbm>>
      %dma_start3A_47 = arith.constant 0 : i32
      %dma_start3A_48 = tpu.memref_slice %dma_start3A_46[%add3A_41, %dma_start3A_47] : memref<10240x8xf32, #tpu.memory_space<hbm>> -> memref<128x8xf32, #tpu.memory_space<hbm>>
      %dma_start3A_49 = arith.constant 0 : i32
      %dma_start3A_50 = arith.constant 0 : i32
      %dma_start3A_51 = tpu.memref_slice %arg3[%arg0, %dma_start3A_49, %dma_start3A_50] : memref<2x10240x8xf32, #tpu.memory_space<hbm>> -> memref<1x10240x8xf32, #tpu.memory_space<hbm>>
      %dma_start3A_52 = tpu.memref_squeeze %dma_start3A_51 : memref<1x10240x8xf32, #tpu.memory_space<hbm>> -> memref<10240x8xf32, #tpu.memory_space<hbm>>
      %dma_start3A_53 = arith.constant 0 : i32
      %dma_start3A_54 = tpu.memref_slice %dma_start3A_52[%add3A_41, %dma_start3A_53] : memref<10240x8xf32, #tpu.memory_space<hbm>> -> memref<128x8xf32, #tpu.memory_space<hbm>>
      tpu.enqueue_dma source(%arg6 : memref<128x8xf32, #tpu.memory_space<vmem>>) target(%dma_start3A_54 : memref<128x8xf32, #tpu.memory_space<hbm>>) target_semaphore(%run_scoped3A : memref<!tpu.dma_semaphore, #tpu.memory_space<semaphore_mem>>)
      %dma_wait3A = arith.constant 0 : i32
      %dma_wait3A_55 = arith.constant 0 : i32
      %dma_wait3A_56 = tpu.memref_slice %arg3[%arg0, %dma_wait3A, %dma_wait3A_55] : memref<2x10240x8xf32, #tpu.memory_space<hbm>> -> memref<1x10240x8xf32, #tpu.memory_space<hbm>>
      %dma_wait3A_57 = tpu.memref_squeeze %dma_wait3A_56 : memref<1x10240x8xf32, #tpu.memory_space<hbm>> -> memref<10240x8xf32, #tpu.memory_space<hbm>>
      %dma_wait3A_58 = arith.constant 0 : i32
      %dma_wait3A_59 = tpu.memref_slice %dma_wait3A_57[%add3A_41, %dma_wait3A_58] : memref<10240x8xf32, #tpu.memory_space<hbm>> -> memref<128x8xf32, #tpu.memory_space<hbm>>
      %dma_wait3A_60 = arith.constant 0 : i32
      %dma_wait3A_61 = arith.constant 0 : i32
      %dma_wait3A_62 = tpu.memref_slice %arg3[%arg0, %dma_wait3A_60, %dma_wait3A_61] : memref<2x10240x8xf32, #tpu.memory_space<hbm>> -> memref<1x10240x8xf32, #tpu.memory_space<hbm>>
      %dma_wait3A_63 = tpu.memref_squeeze %dma_wait3A_62 : memref<1x10240x8xf32, #tpu.memory_space<hbm>> -> memref<10240x8xf32, #tpu.memory_space<hbm>>
      %dma_wait3A_64 = arith.constant 0 : i32
      %dma_wait3A_65 = tpu.memref_slice %dma_wait3A_63[%add3A_41, %dma_wait3A_64] : memref<10240x8xf32, #tpu.memory_space<hbm>> -> memref<128x8xf32, #tpu.memory_space<hbm>>
      tpu.wait_dma2 semaphore(%run_scoped3A : memref<!tpu.dma_semaphore, #tpu.memory_space<semaphore_mem>>) src(%arg6 : memref<128x8xf32, #tpu.memory_space<vmem>>) dst(%dma_wait3A_65 : memref<128x8xf32, #tpu.memory_space<hbm>>)
      tpu.yield
    }) : () -> ()
    %add3A_42 = arith.constant 512 : i32
    %add3A_43 = arith.addi %mul3A_2, %add3A_42 : i32
    "tpu.region"() ({
      %run_scoped3A = tpu.sem_alloc : memref<!tpu.dma_semaphore, #tpu.memory_space<semaphore_mem>>
      %dma_start3A = arith.constant 0 : i32
      %dma_start3A_44 = tpu.memref_slice %arg7[%add3A_43, %dma_start3A] : memref<10240x8xf32, #tpu.memory_space<vmem_shared>> -> memref<128x8xf32, #tpu.memory_space<vmem_shared>>
      %dma_start3A_45 = arith.constant 0 : i32
      %dma_start3A_46 = tpu.memref_slice %arg7[%add3A_43, %dma_start3A_45] : memref<10240x8xf32, #tpu.memory_space<vmem_shared>> -> memref<128x8xf32, #tpu.memory_space<vmem_shared>>
      tpu.enqueue_dma source(%dma_start3A_46 : memref<128x8xf32, #tpu.memory_space<vmem_shared>>) target(%arg6 : memref<128x8xf32, #tpu.memory_space<vmem>>) target_semaphore(%run_scoped3A : memref<!tpu.dma_semaphore, #tpu.memory_space<semaphore_mem>>)
      %dma_wait3A = arith.constant 0 : i32
      %dma_wait3A_47 = tpu.memref_slice %arg7[%add3A_43, %dma_wait3A] : memref<10240x8xf32, #tpu.memory_space<vmem_shared>> -> memref<128x8xf32, #tpu.memory_space<vmem_shared>>
      %dma_wait3A_48 = arith.constant 0 : i32
      %dma_wait3A_49 = tpu.memref_slice %arg7[%add3A_43, %dma_wait3A_48] : memref<10240x8xf32, #tpu.memory_space<vmem_shared>> -> memref<128x8xf32, #tpu.memory_space<vmem_shared>>
      tpu.wait_dma2 semaphore(%run_scoped3A : memref<!tpu.dma_semaphore, #tpu.memory_space<semaphore_mem>>) src(%dma_wait3A_49 : memref<128x8xf32, #tpu.memory_space<vmem_shared>>) dst(%arg6 : memref<128x8xf32, #tpu.memory_space<vmem>>)
      tpu.yield
    }) : () -> ()
    "tpu.region"() ({
      %run_scoped3A = tpu.sem_alloc : memref<!tpu.dma_semaphore, #tpu.memory_space<semaphore_mem>>
      %dma_start3A = arith.constant 0 : i32
      %dma_start3A_44 = arith.constant 0 : i32
      %dma_start3A_45 = tpu.memref_slice %arg3[%arg0, %dma_start3A, %dma_start3A_44] : memref<2x10240x8xf32, #tpu.memory_space<hbm>> -> memref<1x10240x8xf32, #tpu.memory_space<hbm>>
      %dma_start3A_46 = tpu.memref_squeeze %dma_start3A_45 : memref<1x10240x8xf32, #tpu.memory_space<hbm>> -> memref<10240x8xf32, #tpu.memory_space<hbm>>
      %dma_start3A_47 = arith.constant 0 : i32
      %dma_start3A_48 = tpu.memref_slice %dma_start3A_46[%add3A_43, %dma_start3A_47] : memref<10240x8xf32, #tpu.memory_space<hbm>> -> memref<128x8xf32, #tpu.memory_space<hbm>>
      %dma_start3A_49 = arith.constant 0 : i32
      %dma_start3A_50 = arith.constant 0 : i32
      %dma_start3A_51 = tpu.memref_slice %arg3[%arg0, %dma_start3A_49, %dma_start3A_50] : memref<2x10240x8xf32, #tpu.memory_space<hbm>> -> memref<1x10240x8xf32, #tpu.memory_space<hbm>>
      %dma_start3A_52 = tpu.memref_squeeze %dma_start3A_51 : memref<1x10240x8xf32, #tpu.memory_space<hbm>> -> memref<10240x8xf32, #tpu.memory_space<hbm>>
      %dma_start3A_53 = arith.constant 0 : i32
      %dma_start3A_54 = tpu.memref_slice %dma_start3A_52[%add3A_43, %dma_start3A_53] : memref<10240x8xf32, #tpu.memory_space<hbm>> -> memref<128x8xf32, #tpu.memory_space<hbm>>
      tpu.enqueue_dma source(%arg6 : memref<128x8xf32, #tpu.memory_space<vmem>>) target(%dma_start3A_54 : memref<128x8xf32, #tpu.memory_space<hbm>>) target_semaphore(%run_scoped3A : memref<!tpu.dma_semaphore, #tpu.memory_space<semaphore_mem>>)
      %dma_wait3A = arith.constant 0 : i32
      %dma_wait3A_55 = arith.constant 0 : i32
      %dma_wait3A_56 = tpu.memref_slice %arg3[%arg0, %dma_wait3A, %dma_wait3A_55] : memref<2x10240x8xf32, #tpu.memory_space<hbm>> -> memref<1x10240x8xf32, #tpu.memory_space<hbm>>
      %dma_wait3A_57 = tpu.memref_squeeze %dma_wait3A_56 : memref<1x10240x8xf32, #tpu.memory_space<hbm>> -> memref<10240x8xf32, #tpu.memory_space<hbm>>
      %dma_wait3A_58 = arith.constant 0 : i32
      %dma_wait3A_59 = tpu.memref_slice %dma_wait3A_57[%add3A_43, %dma_wait3A_58] : memref<10240x8xf32, #tpu.memory_space<hbm>> -> memref<128x8xf32, #tpu.memory_space<hbm>>
      %dma_wait3A_60 = arith.constant 0 : i32
      %dma_wait3A_61 = arith.constant 0 : i32
      %dma_wait3A_62 = tpu.memref_slice %arg3[%arg0, %dma_wait3A_60, %dma_wait3A_61] : memref<2x10240x8xf32, #tpu.memory_space<hbm>> -> memref<1x10240x8xf32, #tpu.memory_space<hbm>>
      %dma_wait3A_63 = tpu.memref_squeeze %dma_wait3A_62 : memref<1x10240x8xf32, #tpu.memory_space<hbm>> -> memref<10240x8xf32, #tpu.memory_space<hbm>>
      %dma_wait3A_64 = arith.constant 0 : i32
      %dma_wait3A_65 = tpu.memref_slice %dma_wait3A_63[%add3A_43, %dma_wait3A_64] : memref<10240x8xf32, #tpu.memory_space<hbm>> -> memref<128x8xf32, #tpu.memory_space<hbm>>
      tpu.wait_dma2 semaphore(%run_scoped3A : memref<!tpu.dma_semaphore, #tpu.memory_space<semaphore_mem>>) src(%arg6 : memref<128x8xf32, #tpu.memory_space<vmem>>) dst(%dma_wait3A_65 : memref<128x8xf32, #tpu.memory_space<hbm>>)
      tpu.yield
    }) : () -> ()
    return
  }
}

#map = affine_map<(d0, d1) -> (0, 0)>
#map1 = affine_map<(d0, d1) -> (0, 0, 0)>
module attributes {stable_mosaic.version = 14 : i64} {
  func.func @k(%arg0: i32, %arg1: i32, %arg2: memref<10000x128xf32, #tpu.memory_space<hbm>>, %arg3: memref<32x80x128xi32, #tpu.memory_space<hbm>>, %arg4: memref<32x80x128xi32, #tpu.memory_space<hbm>>, %arg5: memref<2x10240x128xf32, #tpu.memory_space<hbm>>, %arg6: memref<80x128xi32, #tpu.memory_space<vmem>>, %arg7: memref<80x128xi32, #tpu.memory_space<vmem>>, %arg8: memref<128x128xf32, #tpu.memory_space<vmem>>, %arg9: memref<10240x128xf32, #tpu.memory_space<vmem_shared>>, %arg10: memref<!tpu.dma_semaphore, #tpu.memory_space<semaphore_mem>>) attributes {dimension_semantics = [#tpu.dimension_semantics<core_parallel>, #tpu.dimension_semantics<subcore_parallel>], iteration_bounds = array<i64: 2, 16>, scalar_prefetch = 0 : i64, scratch_operands = 5 : i64, tpu.core_type = #tpu.core_type<sc_vector_subcore>, window_params = [{transform_indices = #map}, {transform_indices = #map1}, {transform_indices = #map1}, {transform_indices = #map1}]} {
    %mul3A = arith.constant 2 : i32
    %mul3A_0 = arith.muli %arg1, %mul3A : i32
    %add3A = arith.addi %mul3A_0, %arg0 : i32
    %mul3A_1 = arith.constant 640 : i32
    %mul3A_2 = arith.muli %arg1, %mul3A_1 : i32
    %broadcast_in_dim3A = arith.constant 0.000000e+00 : f32
    %broadcast_in_dim3A_3 = vector.broadcast %broadcast_in_dim3A : f32 to vector<16xf32>
    %scan3A = arith.constant 0 : i32
    %scan3A_4 = arith.constant 0 : i32
    %scan3A_5 = arith.constant 128 : i32
    %scan3A_6 = arith.addi %scan3A_4, %scan3A_5 : i32
    %scan3A_7 = arith.constant 1 : i32
    scf.for %scan3A_36 = %scan3A_4 to %scan3A_6 step %scan3A_7  : i32 {
      %swap3A = arith.index_cast %scan3A_36 : i32 to index
      %swap3A_37 = arith.constant 0 : index
      %swap3A_38 = tpu.vector_load %arg8[%swap3A, %swap3A_37] {strides = array<i32>} : memref<128x128xf32, #tpu.memory_space<vmem>>, vector<1x16xf32>,
      %swap3A_39 = vector.shape_cast %swap3A_38 : vector<1x16xf32> to vector<16xf32>
      %swap3A_40 = vector.shape_cast %broadcast_in_dim3A_3 : vector<16xf32> to vector<1x16xf32>
      tpu.vector_store %arg8[%swap3A, %swap3A_37], %swap3A_40 {strides = array<i32>} : memref<128x128xf32, #tpu.memory_space<vmem>>, vector<1x16xf32>,
      %swap3A_41 = arith.index_cast %scan3A_36 : i32 to index
      %swap3A_42 = arith.constant 16 : index
      %swap3A_43 = tpu.vector_load %arg8[%swap3A_41, %swap3A_42] {strides = array<i32>} : memref<128x128xf32, #tpu.memory_space<vmem>>, vector<1x16xf32>,
      %swap3A_44 = vector.shape_cast %swap3A_43 : vector<1x16xf32> to vector<16xf32>
      %swap3A_45 = vector.shape_cast %broadcast_in_dim3A_3 : vector<16xf32> to vector<1x16xf32>
      tpu.vector_store %arg8[%swap3A_41, %swap3A_42], %swap3A_45 {strides = array<i32>} : memref<128x128xf32, #tpu.memory_space<vmem>>, vector<1x16xf32>,
      %swap3A_46 = arith.index_cast %scan3A_36 : i32 to index
      %swap3A_47 = arith.constant 32 : index
      %swap3A_48 = tpu.vector_load %arg8[%swap3A_46, %swap3A_47] {strides = array<i32>} : memref<128x128xf32, #tpu.memory_space<vmem>>, vector<1x16xf32>,
      %swap3A_49 = vector.shape_cast %swap3A_48 : vector<1x16xf32> to vector<16xf32>
      %swap3A_50 = vector.shape_cast %broadcast_in_dim3A_3 : vector<16xf32> to vector<1x16xf32>
      tpu.vector_store %arg8[%swap3A_46, %swap3A_47], %swap3A_50 {strides = array<i32>} : memref<128x128xf32, #tpu.memory_space<vmem>>, vector<1x16xf32>,
      %swap3A_51 = arith.index_cast %scan3A_36 : i32 to index
      %swap3A_52 = arith.constant 48 : index
      %swap3A_53 = tpu.vector_load %arg8[%swap3A_51, %swap3A_52] {strides = array<i32>} : memref<128x128xf32, #tpu.memory_space<vmem>>, vector<1x16xf32>,
      %swap3A_54 = vector.shape_cast %swap3A_53 : vector<1x16xf32> to vector<16xf32>
      %swap3A_55 = vector.shape_cast %broadcast_in_dim3A_3 : vector<16xf32> to vector<1x16xf32>
      tpu.vector_store %arg8[%swap3A_51, %swap3A_52], %swap3A_55 {strides = array<i32>} : memref<128x128xf32, #tpu.memory_space<vmem>>, vector<1x16xf32>,
      %swap3A_56 = arith.index_cast %scan3A_36 : i32 to index
      %swap3A_57 = arith.constant 64 : index
      %swap3A_58 = tpu.vector_load %arg8[%swap3A_56, %swap3A_57] {strides = array<i32>} : memref<128x128xf32, #tpu.memory_space<vmem>>, vector<1x16xf32>,
      %swap3A_59 = vector.shape_cast %swap3A_58 : vector<1x16xf32> to vector<16xf32>
      %swap3A_60 = vector.shape_cast %broadcast_in_dim3A_3 : vector<16xf32> to vector<1x16xf32>
      tpu.vector_store %arg8[%swap3A_56, %swap3A_57], %swap3A_60 {strides = array<i32>} : memref<128x128xf32, #tpu.memory_space<vmem>>, vector<1x16xf32>,
      %swap3A_61 = arith.index_cast %scan3A_36 : i32 to index
      %swap3A_62 = arith.constant 80 : index
      %swap3A_63 = tpu.vector_load %arg8[%swap3A_61, %swap3A_62] {strides = array<i32>} : memref<128x128xf32, #tpu.memory_space<vmem>>, vector<1x16xf32>,
      %swap3A_64 = vector.shape_cast %swap3A_63 : vector<1x16xf32> to vector<16xf32>
      %swap3A_65 = vector.shape_cast %broadcast_in_dim3A_3 : vector<16xf32> to vector<1x16xf32>
      tpu.vector_store %arg8[%swap3A_61, %swap3A_62], %swap3A_65 {strides = array<i32>} : memref<128x128xf32, #tpu.memory_space<vmem>>, vector<1x16xf32>,
      %swap3A_66 = arith.index_cast %scan3A_36 : i32 to index
      %swap3A_67 = arith.constant 96 : index
      %swap3A_68 = tpu.vector_load %arg8[%swap3A_66, %swap3A_67] {strides = array<i32>} : memref<128x128xf32, #tpu.memory_space<vmem>>, vector<1x16xf32>,
      %swap3A_69 = vector.shape_cast %swap3A_68 : vector<1x16xf32> to vector<16xf32>
      %swap3A_70 = vector.shape_cast %broadcast_in_dim3A_3 : vector<16xf32> to vector<1x16xf32>
      tpu.vector_store %arg8[%swap3A_66, %swap3A_67], %swap3A_70 {strides = array<i32>} : memref<128x128xf32, #tpu.memory_space<vmem>>, vector<1x16xf32>,
      %swap3A_71 = arith.index_cast %scan3A_36 : i32 to index
      %swap3A_72 = arith.constant 112 : index
      %swap3A_73 = tpu.vector_load %arg8[%swap3A_71, %swap3A_72] {strides = array<i32>} : memref<128x128xf32, #tpu.memory_space<vmem>>, vector<1x16xf32>,
      %swap3A_74 = vector.shape_cast %swap3A_73 : vector<1x16xf32> to vector<16xf32>
      %swap3A_75 = vector.shape_cast %broadcast_in_dim3A_3 : vector<16xf32> to vector<1x16xf32>
      tpu.vector_store %arg8[%swap3A_71, %swap3A_72], %swap3A_75 {strides = array<i32>} : memref<128x128xf32, #tpu.memory_space<vmem>>, vector<1x16xf32>,
    }
    %scan3A_8 = arith.constant 128 : i32
    %add3A_9 = arith.constant 0 : i32
    %add3A_10 = arith.addi %mul3A_2, %add3A_9 : i32
    "tpu.region"() ({
      %run_scoped3A = tpu.sem_alloc : memref<!tpu.dma_semaphore, #tpu.memory_space<semaphore_mem>>
      %dma_start3A = arith.constant 0 : i32
      %dma_start3A_36 = tpu.memref_slice %arg9[%add3A_10, %dma_start3A] : memref<10240x128xf32, #tpu.memory_space<vmem_shared>> -> memref<128x128xf32, #tpu.memory_space<vmem_shared>>
      %dma_start3A_37 = arith.constant 0 : i32
      %dma_start3A_38 = tpu.memref_slice %arg9[%add3A_10, %dma_start3A_37] : memref<10240x128xf32, #tpu.memory_space<vmem_shared>> -> memref<128x128xf32, #tpu.memory_space<vmem_shared>>
      tpu.enqueue_dma source(%arg8 : memref<128x128xf32, #tpu.memory_space<vmem>>) target(%dma_start3A_38 : memref<128x128xf32, #tpu.memory_space<vmem_shared>>) target_semaphore(%run_scoped3A : memref<!tpu.dma_semaphore, #tpu.memory_space<semaphore_mem>>)
      %dma_wait3A = arith.constant 0 : i32
      %dma_wait3A_39 = tpu.memref_slice %arg9[%add3A_10, %dma_wait3A] : memref<10240x128xf32, #tpu.memory_space<vmem_shared>> -> memref<128x128xf32, #tpu.memory_space<vmem_shared>>
      %dma_wait3A_40 = arith.constant 0 : i32
      %dma_wait3A_41 = tpu.memref_slice %arg9[%add3A_10, %dma_wait3A_40] : memref<10240x128xf32, #tpu.memory_space<vmem_shared>> -> memref<128x128xf32, #tpu.memory_space<vmem_shared>>
      tpu.wait_dma2 semaphore(%run_scoped3A : memref<!tpu.dma_semaphore, #tpu.memory_space<semaphore_mem>>) src(%arg8 : memref<128x128xf32, #tpu.memory_space<vmem>>) dst(%dma_wait3A_41 : memref<128x128xf32, #tpu.memory_space<vmem_shared>>)
      tpu.yield
    }) : () -> ()
    %add3A_11 = arith.constant 128 : i32
    %add3A_12 = arith.addi %mul3A_2, %add3A_11 : i32
    "tpu.region"() ({
      %run_scoped3A = tpu.sem_alloc : memref<!tpu.dma_semaphore, #tpu.memory_space<semaphore_mem>>
      %dma_start3A = arith.constant 0 : i32
      %dma_start3A_36 = tpu.memref_slice %arg9[%add3A_12, %dma_start3A] : memref<10240x128xf32, #tpu.memory_space<vmem_shared>> -> memref<128x128xf32, #tpu.memory_space<vmem_shared>>
      %dma_start3A_37 = arith.constant 0 : i32
      %dma_start3A_38 = tpu.memref_slice %arg9[%add3A_12, %dma_start3A_37] : memref<10240x128xf32, #tpu.memory_space<vmem_shared>> -> memref<128x128xf32, #tpu.memory_space<vmem_shared>>
      tpu.enqueue_dma source(%arg8 : memref<128x128xf32, #tpu.memory_space<vmem>>) target(%dma_start3A_38 : memref<128x128xf32, #tpu.memory_space<vmem_shared>>) target_semaphore(%run_scoped3A : memref<!tpu.dma_semaphore, #tpu.memory_space<semaphore_mem>>)
      %dma_wait3A = arith.constant 0 : i32
      %dma_wait3A_39 = tpu.memref_slice %arg9[%add3A_12, %dma_wait3A] : memref<10240x128xf32, #tpu.memory_space<vmem_shared>> -> memref<128x128xf32, #tpu.memory_space<vmem_shared>>
      %dma_wait3A_40 = arith.constant 0 : i32
      %dma_wait3A_41 = tpu.memref_slice %arg9[%add3A_12, %dma_wait3A_40] : memref<10240x128xf32, #tpu.memory_space<vmem_shared>> -> memref<128x128xf32, #tpu.memory_space<vmem_shared>>
      tpu.wait_dma2 semaphore(%run_scoped3A : memref<!tpu.dma_semaphore, #tpu.memory_space<semaphore_mem>>) src(%arg8 : memref<128x128xf32, #tpu.memory_space<vmem>>) dst(%dma_wait3A_41 : memref<128x128xf32, #tpu.memory_space<vmem_shared>>)
      tpu.yield
    }) : () -> ()
    %add3A_13 = arith.constant 256 : i32
    %add3A_14 = arith.addi %mul3A_2, %add3A_13 : i32
    "tpu.region"() ({
      %run_scoped3A = tpu.sem_alloc : memref<!tpu.dma_semaphore, #tpu.memory_space<semaphore_mem>>
      %dma_start3A = arith.constant 0 : i32
      %dma_start3A_36 = tpu.memref_slice %arg9[%add3A_14, %dma_start3A] : memref<10240x128xf32, #tpu.memory_space<vmem_shared>> -> memref<128x128xf32, #tpu.memory_space<vmem_shared>>
      %dma_start3A_37 = arith.constant 0 : i32
      %dma_start3A_38 = tpu.memref_slice %arg9[%add3A_14, %dma_start3A_37] : memref<10240x128xf32, #tpu.memory_space<vmem_shared>> -> memref<128x128xf32, #tpu.memory_space<vmem_shared>>
      tpu.enqueue_dma source(%arg8 : memref<128x128xf32, #tpu.memory_space<vmem>>) target(%dma_start3A_38 : memref<128x128xf32, #tpu.memory_space<vmem_shared>>) target_semaphore(%run_scoped3A : memref<!tpu.dma_semaphore, #tpu.memory_space<semaphore_mem>>)
      %dma_wait3A = arith.constant 0 : i32
      %dma_wait3A_39 = tpu.memref_slice %arg9[%add3A_14, %dma_wait3A] : memref<10240x128xf32, #tpu.memory_space<vmem_shared>> -> memref<128x128xf32, #tpu.memory_space<vmem_shared>>
      %dma_wait3A_40 = arith.constant 0 : i32
      %dma_wait3A_41 = tpu.memref_slice %arg9[%add3A_14, %dma_wait3A_40] : memref<10240x128xf32, #tpu.memory_space<vmem_shared>> -> memref<128x128xf32, #tpu.memory_space<vmem_shared>>
      tpu.wait_dma2 semaphore(%run_scoped3A : memref<!tpu.dma_semaphore, #tpu.memory_space<semaphore_mem>>) src(%arg8 : memref<128x128xf32, #tpu.memory_space<vmem>>) dst(%dma_wait3A_41 : memref<128x128xf32, #tpu.memory_space<vmem_shared>>)
      tpu.yield
    }) : () -> ()
    %add3A_15 = arith.constant 384 : i32
    %add3A_16 = arith.addi %mul3A_2, %add3A_15 : i32
    "tpu.region"() ({
      %run_scoped3A = tpu.sem_alloc : memref<!tpu.dma_semaphore, #tpu.memory_space<semaphore_mem>>
      %dma_start3A = arith.constant 0 : i32
      %dma_start3A_36 = tpu.memref_slice %arg9[%add3A_16, %dma_start3A] : memref<10240x128xf32, #tpu.memory_space<vmem_shared>> -> memref<128x128xf32, #tpu.memory_space<vmem_shared>>
      %dma_start3A_37 = arith.constant 0 : i32
      %dma_start3A_38 = tpu.memref_slice %arg9[%add3A_16, %dma_start3A_37] : memref<10240x128xf32, #tpu.memory_space<vmem_shared>> -> memref<128x128xf32, #tpu.memory_space<vmem_shared>>
      tpu.enqueue_dma source(%arg8 : memref<128x128xf32, #tpu.memory_space<vmem>>) target(%dma_start3A_38 : memref<128x128xf32, #tpu.memory_space<vmem_shared>>) target_semaphore(%run_scoped3A : memref<!tpu.dma_semaphore, #tpu.memory_space<semaphore_mem>>)
      %dma_wait3A = arith.constant 0 : i32
      %dma_wait3A_39 = tpu.memref_slice %arg9[%add3A_16, %dma_wait3A] : memref<10240x128xf32, #tpu.memory_space<vmem_shared>> -> memref<128x128xf32, #tpu.memory_space<vmem_shared>>
      %dma_wait3A_40 = arith.constant 0 : i32
      %dma_wait3A_41 = tpu.memref_slice %arg9[%add3A_16, %dma_wait3A_40] : memref<10240x128xf32, #tpu.memory_space<vmem_shared>> -> memref<128x128xf32, #tpu.memory_space<vmem_shared>>
      tpu.wait_dma2 semaphore(%run_scoped3A : memref<!tpu.dma_semaphore, #tpu.memory_space<semaphore_mem>>) src(%arg8 : memref<128x128xf32, #tpu.memory_space<vmem>>) dst(%dma_wait3A_41 : memref<128x128xf32, #tpu.memory_space<vmem_shared>>)
      tpu.yield
    }) : () -> ()
    %add3A_17 = arith.constant 512 : i32
    %add3A_18 = arith.addi %mul3A_2, %add3A_17 : i32
    "tpu.region"() ({
      %run_scoped3A = tpu.sem_alloc : memref<!tpu.dma_semaphore, #tpu.memory_space<semaphore_mem>>
      %dma_start3A = arith.constant 0 : i32
      %dma_start3A_36 = tpu.memref_slice %arg9[%add3A_18, %dma_start3A] : memref<10240x128xf32, #tpu.memory_space<vmem_shared>> -> memref<128x128xf32, #tpu.memory_space<vmem_shared>>
      %dma_start3A_37 = arith.constant 0 : i32
      %dma_start3A_38 = tpu.memref_slice %arg9[%add3A_18, %dma_start3A_37] : memref<10240x128xf32, #tpu.memory_space<vmem_shared>> -> memref<128x128xf32, #tpu.memory_space<vmem_shared>>
      tpu.enqueue_dma source(%arg8 : memref<128x128xf32, #tpu.memory_space<vmem>>) target(%dma_start3A_38 : memref<128x128xf32, #tpu.memory_space<vmem_shared>>) target_semaphore(%run_scoped3A : memref<!tpu.dma_semaphore, #tpu.memory_space<semaphore_mem>>)
      %dma_wait3A = arith.constant 0 : i32
      %dma_wait3A_39 = tpu.memref_slice %arg9[%add3A_18, %dma_wait3A] : memref<10240x128xf32, #tpu.memory_space<vmem_shared>> -> memref<128x128xf32, #tpu.memory_space<vmem_shared>>
      %dma_wait3A_40 = arith.constant 0 : i32
      %dma_wait3A_41 = tpu.memref_slice %arg9[%add3A_18, %dma_wait3A_40] : memref<10240x128xf32, #tpu.memory_space<vmem_shared>> -> memref<128x128xf32, #tpu.memory_space<vmem_shared>>
      tpu.wait_dma2 semaphore(%run_scoped3A : memref<!tpu.dma_semaphore, #tpu.memory_space<semaphore_mem>>) src(%arg8 : memref<128x128xf32, #tpu.memory_space<vmem>>) dst(%dma_wait3A_41 : memref<128x128xf32, #tpu.memory_space<vmem_shared>>)
      tpu.yield
    }) : () -> ()
    %barrier3A = arith.constant 0 : index
    tpu.barrier barrier_id(%barrier3A)
    "tpu.region"() ({
      %run_scoped3A = tpu.sem_alloc : memref<!tpu.dma_semaphore, #tpu.memory_space<semaphore_mem>>
      %dma_start3A = arith.constant 0 : i32
      %dma_start3A_36 = arith.constant 0 : i32
      %dma_start3A_37 = tpu.memref_slice %arg3[%add3A, %dma_start3A, %dma_start3A_36] : memref<32x80x128xi32, #tpu.memory_space<hbm>> -> memref<1x80x128xi32, #tpu.memory_space<hbm>>
      %dma_start3A_38 = tpu.memref_squeeze %dma_start3A_37 : memref<1x80x128xi32, #tpu.memory_space<hbm>> -> memref<80x128xi32, #tpu.memory_space<hbm>>
      %dma_start3A_39 = arith.constant 0 : i32
      %dma_start3A_40 = arith.constant 0 : i32
      %dma_start3A_41 = tpu.memref_slice %arg3[%add3A, %dma_start3A_39, %dma_start3A_40] : memref<32x80x128xi32, #tpu.memory_space<hbm>> -> memref<1x80x128xi32, #tpu.memory_space<hbm>>
      %dma_start3A_42 = tpu.memref_squeeze %dma_start3A_41 : memref<1x80x128xi32, #tpu.memory_space<hbm>> -> memref<80x128xi32, #tpu.memory_space<hbm>>
      tpu.enqueue_dma source(%dma_start3A_42 : memref<80x128xi32, #tpu.memory_space<hbm>>) target(%arg6 : memref<80x128xi32, #tpu.memory_space<vmem>>) target_semaphore(%run_scoped3A : memref<!tpu.dma_semaphore, #tpu.memory_space<semaphore_mem>>)
      %dma_wait3A = arith.constant 0 : i32
      %dma_wait3A_43 = arith.constant 0 : i32
      %dma_wait3A_44 = tpu.memref_slice %arg3[%add3A, %dma_wait3A, %dma_wait3A_43] : memref<32x80x128xi32, #tpu.memory_space<hbm>> -> memref<1x80x128xi32, #tpu.memory_space<hbm>>
      %dma_wait3A_45 = tpu.memref_squeeze %dma_wait3A_44 : memref<1x80x128xi32, #tpu.memory_space<hbm>> -> memref<80x128xi32, #tpu.memory_space<hbm>>
      %dma_wait3A_46 = arith.constant 0 : i32
      %dma_wait3A_47 = arith.constant 0 : i32
      %dma_wait3A_48 = tpu.memref_slice %arg3[%add3A, %dma_wait3A_46, %dma_wait3A_47] : memref<32x80x128xi32, #tpu.memory_space<hbm>> -> memref<1x80x128xi32, #tpu.memory_space<hbm>>
      %dma_wait3A_49 = tpu.memref_squeeze %dma_wait3A_48 : memref<1x80x128xi32, #tpu.memory_space<hbm>> -> memref<80x128xi32, #tpu.memory_space<hbm>>
      tpu.wait_dma2 semaphore(%run_scoped3A : memref<!tpu.dma_semaphore, #tpu.memory_space<semaphore_mem>>) src(%dma_wait3A_49 : memref<80x128xi32, #tpu.memory_space<hbm>>) dst(%arg6 : memref<80x128xi32, #tpu.memory_space<vmem>>)
      tpu.yield
    }) : () -> ()
    "tpu.region"() ({
      %run_scoped3A = tpu.sem_alloc : memref<!tpu.dma_semaphore, #tpu.memory_space<semaphore_mem>>
      %dma_start3A = arith.constant 0 : i32
      %dma_start3A_36 = arith.constant 0 : i32
      %dma_start3A_37 = tpu.memref_slice %arg4[%add3A, %dma_start3A, %dma_start3A_36] : memref<32x80x128xi32, #tpu.memory_space<hbm>> -> memref<1x80x128xi32, #tpu.memory_space<hbm>>
      %dma_start3A_38 = tpu.memref_squeeze %dma_start3A_37 : memref<1x80x128xi32, #tpu.memory_space<hbm>> -> memref<80x128xi32, #tpu.memory_space<hbm>>
      %dma_start3A_39 = arith.constant 0 : i32
      %dma_start3A_40 = arith.constant 0 : i32
      %dma_start3A_41 = tpu.memref_slice %arg4[%add3A, %dma_start3A_39, %dma_start3A_40] : memref<32x80x128xi32, #tpu.memory_space<hbm>> -> memref<1x80x128xi32, #tpu.memory_space<hbm>>
      %dma_start3A_42 = tpu.memref_squeeze %dma_start3A_41 : memref<1x80x128xi32, #tpu.memory_space<hbm>> -> memref<80x128xi32, #tpu.memory_space<hbm>>
      tpu.enqueue_dma source(%dma_start3A_42 : memref<80x128xi32, #tpu.memory_space<hbm>>) target(%arg7 : memref<80x128xi32, #tpu.memory_space<vmem>>) target_semaphore(%run_scoped3A : memref<!tpu.dma_semaphore, #tpu.memory_space<semaphore_mem>>)
      %dma_wait3A = arith.constant 0 : i32
      %dma_wait3A_43 = arith.constant 0 : i32
      %dma_wait3A_44 = tpu.memref_slice %arg4[%add3A, %dma_wait3A, %dma_wait3A_43] : memref<32x80x128xi32, #tpu.memory_space<hbm>> -> memref<1x80x128xi32, #tpu.memory_space<hbm>>
      %dma_wait3A_45 = tpu.memref_squeeze %dma_wait3A_44 : memref<1x80x128xi32, #tpu.memory_space<hbm>> -> memref<80x128xi32, #tpu.memory_space<hbm>>
      %dma_wait3A_46 = arith.constant 0 : i32
      %dma_wait3A_47 = arith.constant 0 : i32
      %dma_wait3A_48 = tpu.memref_slice %arg4[%add3A, %dma_wait3A_46, %dma_wait3A_47] : memref<32x80x128xi32, #tpu.memory_space<hbm>> -> memref<1x80x128xi32, #tpu.memory_space<hbm>>
      %dma_wait3A_49 = tpu.memref_squeeze %dma_wait3A_48 : memref<1x80x128xi32, #tpu.memory_space<hbm>> -> memref<80x128xi32, #tpu.memory_space<hbm>>
      tpu.wait_dma2 semaphore(%run_scoped3A : memref<!tpu.dma_semaphore, #tpu.memory_space<semaphore_mem>>) src(%dma_wait3A_49 : memref<80x128xi32, #tpu.memory_space<hbm>>) dst(%arg7 : memref<80x128xi32, #tpu.memory_space<vmem>>)
      tpu.yield
    }) : () -> ()
    %scan3A_19 = arith.constant 0 : i32
    %scan3A_20 = arith.constant 0 : i32
    %scan3A_21 = arith.constant 80 : i32
    %scan3A_22 = arith.addi %scan3A_20, %scan3A_21 : i32
    %scan3A_23 = arith.constant 1 : i32
    scf.for %scan3A_36 = %scan3A_20 to %scan3A_22 step %scan3A_23  : i32 {
      %dma_start3A = arith.constant 0 : i32
      %dma_start3A_37 = tpu.memref_slice %arg6[%scan3A_36, %dma_start3A] : memref<80x128xi32, #tpu.memory_space<vmem>> -> memref<1x128xi32, #tpu.memory_space<vmem>>
      %dma_start3A_38 = tpu.memref_squeeze %dma_start3A_37 : memref<1x128xi32, #tpu.memory_space<vmem>> -> memref<128xi32, #tpu.memory_space<vmem>>
      %dma_start3A_39 = arith.constant 0 : i32
      %dma_start3A_40 = arith.constant 0 : i32
      %dma_start3A_41 = tpu.memref_slice %arg2[%dma_start3A_39, %dma_start3A_40] : memref<10000x128xf32, #tpu.memory_space<hbm>> -> memref<10000x128xf32, #tpu.memory_space<hbm>>
      tpu.enqueue_indirect_dma source(%dma_start3A_41 : memref<10000x128xf32, #tpu.memory_space<hbm>>) target(%arg8 : memref<128x128xf32, #tpu.memory_space<vmem>>) offsets(%dma_start3A_38 : memref<128xi32, #tpu.memory_space<vmem>>) semaphore(%arg10 : memref<!tpu.dma_semaphore, #tpu.memory_space<semaphore_mem>>)
      %dma_wait3A = arith.constant 0 : i32
      %dma_wait3A_42 = tpu.memref_slice %arg6[%scan3A_36, %dma_wait3A] : memref<80x128xi32, #tpu.memory_space<vmem>> -> memref<1x128xi32, #tpu.memory_space<vmem>>
      %dma_wait3A_43 = tpu.memref_squeeze %dma_wait3A_42 : memref<1x128xi32, #tpu.memory_space<vmem>> -> memref<128xi32, #tpu.memory_space<vmem>>
      %dma_wait3A_44 = arith.constant 0 : i32
      %dma_wait3A_45 = arith.constant 0 : i32
      %dma_wait3A_46 = tpu.memref_slice %arg2[%dma_wait3A_44, %dma_wait3A_45] : memref<10000x128xf32, #tpu.memory_space<hbm>> -> memref<10000x128xf32, #tpu.memory_space<hbm>>
      tpu.wait_indirect_dma semaphore(%arg10 : memref<!tpu.dma_semaphore, #tpu.memory_space<semaphore_mem>>) src(%dma_wait3A_46 : memref<10000x128xf32, #tpu.memory_space<hbm>>) dst(%arg8 : memref<128x128xf32, #tpu.memory_space<vmem>>)
      "tpu.region"() ({
        %run_scoped3A = tpu.sem_alloc : memref<!tpu.dma_semaphore, #tpu.memory_space<semaphore_mem>>
        %dma_start3A_47 = arith.constant 0 : i32
        %dma_start3A_48 = tpu.memref_slice %arg7[%scan3A_36, %dma_start3A_47] : memref<80x128xi32, #tpu.memory_space<vmem>> -> memref<1x128xi32, #tpu.memory_space<vmem>>
        %dma_start3A_49 = tpu.memref_squeeze %dma_start3A_48 : memref<1x128xi32, #tpu.memory_space<vmem>> -> memref<128xi32, #tpu.memory_space<vmem>>
        %dma_start3A_50 = arith.constant 0 : i32
        %dma_start3A_51 = arith.constant 0 : i32
        %dma_start3A_52 = tpu.memref_slice %arg9[%dma_start3A_50, %dma_start3A_51] : memref<10240x128xf32, #tpu.memory_space<vmem_shared>> -> memref<10240x128xf32, #tpu.memory_space<vmem_shared>>
        tpu.enqueue_indirect_dma source(%arg8 : memref<128x128xf32, #tpu.memory_space<vmem>>) target(%dma_start3A_52 : memref<10240x128xf32, #tpu.memory_space<vmem_shared>>) offsets(%dma_start3A_49 : memref<128xi32, #tpu.memory_space<vmem>>) semaphore(%run_scoped3A : memref<!tpu.dma_semaphore, #tpu.memory_space<semaphore_mem>>) {add = true}
        %dma_wait3A_53 = arith.constant 0 : i32
        %dma_wait3A_54 = tpu.memref_slice %arg7[%scan3A_36, %dma_wait3A_53] : memref<80x128xi32, #tpu.memory_space<vmem>> -> memref<1x128xi32, #tpu.memory_space<vmem>>
        %dma_wait3A_55 = tpu.memref_squeeze %dma_wait3A_54 : memref<1x128xi32, #tpu.memory_space<vmem>> -> memref<128xi32, #tpu.memory_space<vmem>>
        %dma_wait3A_56 = arith.constant 0 : i32
        %dma_wait3A_57 = arith.constant 0 : i32
        %dma_wait3A_58 = tpu.memref_slice %arg9[%dma_wait3A_56, %dma_wait3A_57] : memref<10240x128xf32, #tpu.memory_space<vmem_shared>> -> memref<10240x128xf32, #tpu.memory_space<vmem_shared>>
        tpu.wait_indirect_dma semaphore(%run_scoped3A : memref<!tpu.dma_semaphore, #tpu.memory_space<semaphore_mem>>) src(%arg8 : memref<128x128xf32, #tpu.memory_space<vmem>>) dst(%dma_wait3A_58 : memref<10240x128xf32, #tpu.memory_space<vmem_shared>>)
        tpu.yield
      }) : () -> ()
    }
    %scan3A_24 = arith.constant 80 : i32
    %barrier3A_25 = arith.constant 0 : index
    tpu.barrier barrier_id(%barrier3A_25)
    %add3A_26 = arith.constant 0 : i32
    %add3A_27 = arith.addi %mul3A_2, %add3A_26 : i32
    "tpu.region"() ({
      %run_scoped3A = tpu.sem_alloc : memref<!tpu.dma_semaphore, #tpu.memory_space<semaphore_mem>>
      %dma_start3A = arith.constant 0 : i32
      %dma_start3A_36 = tpu.memref_slice %arg9[%add3A_27, %dma_start3A] : memref<10240x128xf32, #tpu.memory_space<vmem_shared>> -> memref<128x128xf32, #tpu.memory_space<vmem_shared>>
      %dma_start3A_37 = arith.constant 0 : i32
      %dma_start3A_38 = tpu.memref_slice %arg9[%add3A_27, %dma_start3A_37] : memref<10240x128xf32, #tpu.memory_space<vmem_shared>> -> memref<128x128xf32, #tpu.memory_space<vmem_shared>>
      tpu.enqueue_dma source(%dma_start3A_38 : memref<128x128xf32, #tpu.memory_space<vmem_shared>>) target(%arg8 : memref<128x128xf32, #tpu.memory_space<vmem>>) target_semaphore(%run_scoped3A : memref<!tpu.dma_semaphore, #tpu.memory_space<semaphore_mem>>)
      %dma_wait3A = arith.constant 0 : i32
      %dma_wait3A_39 = tpu.memref_slice %arg9[%add3A_27, %dma_wait3A] : memref<10240x128xf32, #tpu.memory_space<vmem_shared>> -> memref<128x128xf32, #tpu.memory_space<vmem_shared>>
      %dma_wait3A_40 = arith.constant 0 : i32
      %dma_wait3A_41 = tpu.memref_slice %arg9[%add3A_27, %dma_wait3A_40] : memref<10240x128xf32, #tpu.memory_space<vmem_shared>> -> memref<128x128xf32, #tpu.memory_space<vmem_shared>>
      tpu.wait_dma2 semaphore(%run_scoped3A : memref<!tpu.dma_semaphore, #tpu.memory_space<semaphore_mem>>) src(%dma_wait3A_41 : memref<128x128xf32, #tpu.memory_space<vmem_shared>>) dst(%arg8 : memref<128x128xf32, #tpu.memory_space<vmem>>)
      tpu.yield
    }) : () -> ()
    "tpu.region"() ({
      %run_scoped3A = tpu.sem_alloc : memref<!tpu.dma_semaphore, #tpu.memory_space<semaphore_mem>>
      %dma_start3A = arith.constant 0 : i32
      %dma_start3A_36 = arith.constant 0 : i32
      %dma_start3A_37 = tpu.memref_slice %arg5[%arg0, %dma_start3A, %dma_start3A_36] : memref<2x10240x128xf32, #tpu.memory_space<hbm>> -> memref<1x10240x128xf32, #tpu.memory_space<hbm>>
      %dma_start3A_38 = tpu.memref_squeeze %dma_start3A_37 : memref<1x10240x128xf32, #tpu.memory_space<hbm>> -> memref<10240x128xf32, #tpu.memory_space<hbm>>
      %dma_start3A_39 = arith.constant 0 : i32
      %dma_start3A_40 = tpu.memref_slice %dma_start3A_38[%add3A_27, %dma_start3A_39] : memref<10240x128xf32, #tpu.memory_space<hbm>> -> memref<128x128xf32, #tpu.memory_space<hbm>>
      %dma_start3A_41 = arith.constant 0 : i32
      %dma_start3A_42 = arith.constant 0 : i32
      %dma_start3A_43 = tpu.memref_slice %arg5[%arg0, %dma_start3A_41, %dma_start3A_42] : memref<2x10240x128xf32, #tpu.memory_space<hbm>> -> memref<1x10240x128xf32, #tpu.memory_space<hbm>>
      %dma_start3A_44 = tpu.memref_squeeze %dma_start3A_43 : memref<1x10240x128xf32, #tpu.memory_space<hbm>> -> memref<10240x128xf32, #tpu.memory_space<hbm>>
      %dma_start3A_45 = arith.constant 0 : i32
      %dma_start3A_46 = tpu.memref_slice %dma_start3A_44[%add3A_27, %dma_start3A_45] : memref<10240x128xf32, #tpu.memory_space<hbm>> -> memref<128x128xf32, #tpu.memory_space<hbm>>
      tpu.enqueue_dma source(%arg8 : memref<128x128xf32, #tpu.memory_space<vmem>>) target(%dma_start3A_46 : memref<128x128xf32, #tpu.memory_space<hbm>>) target_semaphore(%run_scoped3A : memref<!tpu.dma_semaphore, #tpu.memory_space<semaphore_mem>>)
      %dma_wait3A = arith.constant 0 : i32
      %dma_wait3A_47 = arith.constant 0 : i32
      %dma_wait3A_48 = tpu.memref_slice %arg5[%arg0, %dma_wait3A, %dma_wait3A_47] : memref<2x10240x128xf32, #tpu.memory_space<hbm>> -> memref<1x10240x128xf32, #tpu.memory_space<hbm>>
      %dma_wait3A_49 = tpu.memref_squeeze %dma_wait3A_48 : memref<1x10240x128xf32, #tpu.memory_space<hbm>> -> memref<10240x128xf32, #tpu.memory_space<hbm>>
      %dma_wait3A_50 = arith.constant 0 : i32
      %dma_wait3A_51 = tpu.memref_slice %dma_wait3A_49[%add3A_27, %dma_wait3A_50] : memref<10240x128xf32, #tpu.memory_space<hbm>> -> memref<128x128xf32, #tpu.memory_space<hbm>>
      %dma_wait3A_52 = arith.constant 0 : i32
      %dma_wait3A_53 = arith.constant 0 : i32
      %dma_wait3A_54 = tpu.memref_slice %arg5[%arg0, %dma_wait3A_52, %dma_wait3A_53] : memref<2x10240x128xf32, #tpu.memory_space<hbm>> -> memref<1x10240x128xf32, #tpu.memory_space<hbm>>
      %dma_wait3A_55 = tpu.memref_squeeze %dma_wait3A_54 : memref<1x10240x128xf32, #tpu.memory_space<hbm>> -> memref<10240x128xf32, #tpu.memory_space<hbm>>
      %dma_wait3A_56 = arith.constant 0 : i32
      %dma_wait3A_57 = tpu.memref_slice %dma_wait3A_55[%add3A_27, %dma_wait3A_56] : memref<10240x128xf32, #tpu.memory_space<hbm>> -> memref<128x128xf32, #tpu.memory_space<hbm>>
      tpu.wait_dma2 semaphore(%run_scoped3A : memref<!tpu.dma_semaphore, #tpu.memory_space<semaphore_mem>>) src(%arg8 : memref<128x128xf32, #tpu.memory_space<vmem>>) dst(%dma_wait3A_57 : memref<128x128xf32, #tpu.memory_space<hbm>>)
      tpu.yield
    }) : () -> ()
    %add3A_28 = arith.constant 128 : i32
    %add3A_29 = arith.addi %mul3A_2, %add3A_28 : i32
    "tpu.region"() ({
      %run_scoped3A = tpu.sem_alloc : memref<!tpu.dma_semaphore, #tpu.memory_space<semaphore_mem>>
      %dma_start3A = arith.constant 0 : i32
      %dma_start3A_36 = tpu.memref_slice %arg9[%add3A_29, %dma_start3A] : memref<10240x128xf32, #tpu.memory_space<vmem_shared>> -> memref<128x128xf32, #tpu.memory_space<vmem_shared>>
      %dma_start3A_37 = arith.constant 0 : i32
      %dma_start3A_38 = tpu.memref_slice %arg9[%add3A_29, %dma_start3A_37] : memref<10240x128xf32, #tpu.memory_space<vmem_shared>> -> memref<128x128xf32, #tpu.memory_space<vmem_shared>>
      tpu.enqueue_dma source(%dma_start3A_38 : memref<128x128xf32, #tpu.memory_space<vmem_shared>>) target(%arg8 : memref<128x128xf32, #tpu.memory_space<vmem>>) target_semaphore(%run_scoped3A : memref<!tpu.dma_semaphore, #tpu.memory_space<semaphore_mem>>)
      %dma_wait3A = arith.constant 0 : i32
      %dma_wait3A_39 = tpu.memref_slice %arg9[%add3A_29, %dma_wait3A] : memref<10240x128xf32, #tpu.memory_space<vmem_shared>> -> memref<128x128xf32, #tpu.memory_space<vmem_shared>>
      %dma_wait3A_40 = arith.constant 0 : i32
      %dma_wait3A_41 = tpu.memref_slice %arg9[%add3A_29, %dma_wait3A_40] : memref<10240x128xf32, #tpu.memory_space<vmem_shared>> -> memref<128x128xf32, #tpu.memory_space<vmem_shared>>
      tpu.wait_dma2 semaphore(%run_scoped3A : memref<!tpu.dma_semaphore, #tpu.memory_space<semaphore_mem>>) src(%dma_wait3A_41 : memref<128x128xf32, #tpu.memory_space<vmem_shared>>) dst(%arg8 : memref<128x128xf32, #tpu.memory_space<vmem>>)
      tpu.yield
    }) : () -> ()
    "tpu.region"() ({
      %run_scoped3A = tpu.sem_alloc : memref<!tpu.dma_semaphore, #tpu.memory_space<semaphore_mem>>
      %dma_start3A = arith.constant 0 : i32
      %dma_start3A_36 = arith.constant 0 : i32
      %dma_start3A_37 = tpu.memref_slice %arg5[%arg0, %dma_start3A, %dma_start3A_36] : memref<2x10240x128xf32, #tpu.memory_space<hbm>> -> memref<1x10240x128xf32, #tpu.memory_space<hbm>>
      %dma_start3A_38 = tpu.memref_squeeze %dma_start3A_37 : memref<1x10240x128xf32, #tpu.memory_space<hbm>> -> memref<10240x128xf32, #tpu.memory_space<hbm>>
      %dma_start3A_39 = arith.constant 0 : i32
      %dma_start3A_40 = tpu.memref_slice %dma_start3A_38[%add3A_29, %dma_start3A_39] : memref<10240x128xf32, #tpu.memory_space<hbm>> -> memref<128x128xf32, #tpu.memory_space<hbm>>
      %dma_start3A_41 = arith.constant 0 : i32
      %dma_start3A_42 = arith.constant 0 : i32
      %dma_start3A_43 = tpu.memref_slice %arg5[%arg0, %dma_start3A_41, %dma_start3A_42] : memref<2x10240x128xf32, #tpu.memory_space<hbm>> -> memref<1x10240x128xf32, #tpu.memory_space<hbm>>
      %dma_start3A_44 = tpu.memref_squeeze %dma_start3A_43 : memref<1x10240x128xf32, #tpu.memory_space<hbm>> -> memref<10240x128xf32, #tpu.memory_space<hbm>>
      %dma_start3A_45 = arith.constant 0 : i32
      %dma_start3A_46 = tpu.memref_slice %dma_start3A_44[%add3A_29, %dma_start3A_45] : memref<10240x128xf32, #tpu.memory_space<hbm>> -> memref<128x128xf32, #tpu.memory_space<hbm>>
      tpu.enqueue_dma source(%arg8 : memref<128x128xf32, #tpu.memory_space<vmem>>) target(%dma_start3A_46 : memref<128x128xf32, #tpu.memory_space<hbm>>) target_semaphore(%run_scoped3A : memref<!tpu.dma_semaphore, #tpu.memory_space<semaphore_mem>>)
      %dma_wait3A = arith.constant 0 : i32
      %dma_wait3A_47 = arith.constant 0 : i32
      %dma_wait3A_48 = tpu.memref_slice %arg5[%arg0, %dma_wait3A, %dma_wait3A_47] : memref<2x10240x128xf32, #tpu.memory_space<hbm>> -> memref<1x10240x128xf32, #tpu.memory_space<hbm>>
      %dma_wait3A_49 = tpu.memref_squeeze %dma_wait3A_48 : memref<1x10240x128xf32, #tpu.memory_space<hbm>> -> memref<10240x128xf32, #tpu.memory_space<hbm>>
      %dma_wait3A_50 = arith.constant 0 : i32
      %dma_wait3A_51 = tpu.memref_slice %dma_wait3A_49[%add3A_29, %dma_wait3A_50] : memref<10240x128xf32, #tpu.memory_space<hbm>> -> memref<128x128xf32, #tpu.memory_space<hbm>>
      %dma_wait3A_52 = arith.constant 0 : i32
      %dma_wait3A_53 = arith.constant 0 : i32
      %dma_wait3A_54 = tpu.memref_slice %arg5[%arg0, %dma_wait3A_52, %dma_wait3A_53] : memref<2x10240x128xf32, #tpu.memory_space<hbm>> -> memref<1x10240x128xf32, #tpu.memory_space<hbm>>
      %dma_wait3A_55 = tpu.memref_squeeze %dma_wait3A_54 : memref<1x10240x128xf32, #tpu.memory_space<hbm>> -> memref<10240x128xf32, #tpu.memory_space<hbm>>
      %dma_wait3A_56 = arith.constant 0 : i32
      %dma_wait3A_57 = tpu.memref_slice %dma_wait3A_55[%add3A_29, %dma_wait3A_56] : memref<10240x128xf32, #tpu.memory_space<hbm>> -> memref<128x128xf32, #tpu.memory_space<hbm>>
      tpu.wait_dma2 semaphore(%run_scoped3A : memref<!tpu.dma_semaphore, #tpu.memory_space<semaphore_mem>>) src(%arg8 : memref<128x128xf32, #tpu.memory_space<vmem>>) dst(%dma_wait3A_57 : memref<128x128xf32, #tpu.memory_space<hbm>>)
      tpu.yield
    }) : () -> ()
    %add3A_30 = arith.constant 256 : i32
    %add3A_31 = arith.addi %mul3A_2, %add3A_30 : i32
    "tpu.region"() ({
      %run_scoped3A = tpu.sem_alloc : memref<!tpu.dma_semaphore, #tpu.memory_space<semaphore_mem>>
      %dma_start3A = arith.constant 0 : i32
      %dma_start3A_36 = tpu.memref_slice %arg9[%add3A_31, %dma_start3A] : memref<10240x128xf32, #tpu.memory_space<vmem_shared>> -> memref<128x128xf32, #tpu.memory_space<vmem_shared>>
      %dma_start3A_37 = arith.constant 0 : i32
      %dma_start3A_38 = tpu.memref_slice %arg9[%add3A_31, %dma_start3A_37] : memref<10240x128xf32, #tpu.memory_space<vmem_shared>> -> memref<128x128xf32, #tpu.memory_space<vmem_shared>>
      tpu.enqueue_dma source(%dma_start3A_38 : memref<128x128xf32, #tpu.memory_space<vmem_shared>>) target(%arg8 : memref<128x128xf32, #tpu.memory_space<vmem>>) target_semaphore(%run_scoped3A : memref<!tpu.dma_semaphore, #tpu.memory_space<semaphore_mem>>)
      %dma_wait3A = arith.constant 0 : i32
      %dma_wait3A_39 = tpu.memref_slice %arg9[%add3A_31, %dma_wait3A] : memref<10240x128xf32, #tpu.memory_space<vmem_shared>> -> memref<128x128xf32, #tpu.memory_space<vmem_shared>>
      %dma_wait3A_40 = arith.constant 0 : i32
      %dma_wait3A_41 = tpu.memref_slice %arg9[%add3A_31, %dma_wait3A_40] : memref<10240x128xf32, #tpu.memory_space<vmem_shared>> -> memref<128x128xf32, #tpu.memory_space<vmem_shared>>
      tpu.wait_dma2 semaphore(%run_scoped3A : memref<!tpu.dma_semaphore, #tpu.memory_space<semaphore_mem>>) src(%dma_wait3A_41 : memref<128x128xf32, #tpu.memory_space<vmem_shared>>) dst(%arg8 : memref<128x128xf32, #tpu.memory_space<vmem>>)
      tpu.yield
    }) : () -> ()
    "tpu.region"() ({
      %run_scoped3A = tpu.sem_alloc : memref<!tpu.dma_semaphore, #tpu.memory_space<semaphore_mem>>
      %dma_start3A = arith.constant 0 : i32
      %dma_start3A_36 = arith.constant 0 : i32
      %dma_start3A_37 = tpu.memref_slice %arg5[%arg0, %dma_start3A, %dma_start3A_36] : memref<2x10240x128xf32, #tpu.memory_space<hbm>> -> memref<1x10240x128xf32, #tpu.memory_space<hbm>>
      %dma_start3A_38 = tpu.memref_squeeze %dma_start3A_37 : memref<1x10240x128xf32, #tpu.memory_space<hbm>> -> memref<10240x128xf32, #tpu.memory_space<hbm>>
      %dma_start3A_39 = arith.constant 0 : i32
      %dma_start3A_40 = tpu.memref_slice %dma_start3A_38[%add3A_31, %dma_start3A_39] : memref<10240x128xf32, #tpu.memory_space<hbm>> -> memref<128x128xf32, #tpu.memory_space<hbm>>
      %dma_start3A_41 = arith.constant 0 : i32
      %dma_start3A_42 = arith.constant 0 : i32
      %dma_start3A_43 = tpu.memref_slice %arg5[%arg0, %dma_start3A_41, %dma_start3A_42] : memref<2x10240x128xf32, #tpu.memory_space<hbm>> -> memref<1x10240x128xf32, #tpu.memory_space<hbm>>
      %dma_start3A_44 = tpu.memref_squeeze %dma_start3A_43 : memref<1x10240x128xf32, #tpu.memory_space<hbm>> -> memref<10240x128xf32, #tpu.memory_space<hbm>>
      %dma_start3A_45 = arith.constant 0 : i32
      %dma_start3A_46 = tpu.memref_slice %dma_start3A_44[%add3A_31, %dma_start3A_45] : memref<10240x128xf32, #tpu.memory_space<hbm>> -> memref<128x128xf32, #tpu.memory_space<hbm>>
      tpu.enqueue_dma source(%arg8 : memref<128x128xf32, #tpu.memory_space<vmem>>) target(%dma_start3A_46 : memref<128x128xf32, #tpu.memory_space<hbm>>) target_semaphore(%run_scoped3A : memref<!tpu.dma_semaphore, #tpu.memory_space<semaphore_mem>>)
      %dma_wait3A = arith.constant 0 : i32
      %dma_wait3A_47 = arith.constant 0 : i32
      %dma_wait3A_48 = tpu.memref_slice %arg5[%arg0, %dma_wait3A, %dma_wait3A_47] : memref<2x10240x128xf32, #tpu.memory_space<hbm>> -> memref<1x10240x128xf32, #tpu.memory_space<hbm>>
      %dma_wait3A_49 = tpu.memref_squeeze %dma_wait3A_48 : memref<1x10240x128xf32, #tpu.memory_space<hbm>> -> memref<10240x128xf32, #tpu.memory_space<hbm>>
      %dma_wait3A_50 = arith.constant 0 : i32
      %dma_wait3A_51 = tpu.memref_slice %dma_wait3A_49[%add3A_31, %dma_wait3A_50] : memref<10240x128xf32, #tpu.memory_space<hbm>> -> memref<128x128xf32, #tpu.memory_space<hbm>>
      %dma_wait3A_52 = arith.constant 0 : i32
      %dma_wait3A_53 = arith.constant 0 : i32
      %dma_wait3A_54 = tpu.memref_slice %arg5[%arg0, %dma_wait3A_52, %dma_wait3A_53] : memref<2x10240x128xf32, #tpu.memory_space<hbm>> -> memref<1x10240x128xf32, #tpu.memory_space<hbm>>
      %dma_wait3A_55 = tpu.memref_squeeze %dma_wait3A_54 : memref<1x10240x128xf32, #tpu.memory_space<hbm>> -> memref<10240x128xf32, #tpu.memory_space<hbm>>
      %dma_wait3A_56 = arith.constant 0 : i32
      %dma_wait3A_57 = tpu.memref_slice %dma_wait3A_55[%add3A_31, %dma_wait3A_56] : memref<10240x128xf32, #tpu.memory_space<hbm>> -> memref<128x128xf32, #tpu.memory_space<hbm>>
      tpu.wait_dma2 semaphore(%run_scoped3A : memref<!tpu.dma_semaphore, #tpu.memory_space<semaphore_mem>>) src(%arg8 : memref<128x128xf32, #tpu.memory_space<vmem>>) dst(%dma_wait3A_57 : memref<128x128xf32, #tpu.memory_space<hbm>>)
      tpu.yield
    }) : () -> ()
    %add3A_32 = arith.constant 384 : i32
    %add3A_33 = arith.addi %mul3A_2, %add3A_32 : i32
    "tpu.region"() ({
      %run_scoped3A = tpu.sem_alloc : memref<!tpu.dma_semaphore, #tpu.memory_space<semaphore_mem>>
      %dma_start3A = arith.constant 0 : i32
      %dma_start3A_36 = tpu.memref_slice %arg9[%add3A_33, %dma_start3A] : memref<10240x128xf32, #tpu.memory_space<vmem_shared>> -> memref<128x128xf32, #tpu.memory_space<vmem_shared>>
      %dma_start3A_37 = arith.constant 0 : i32
      %dma_start3A_38 = tpu.memref_slice %arg9[%add3A_33, %dma_start3A_37] : memref<10240x128xf32, #tpu.memory_space<vmem_shared>> -> memref<128x128xf32, #tpu.memory_space<vmem_shared>>
      tpu.enqueue_dma source(%dma_start3A_38 : memref<128x128xf32, #tpu.memory_space<vmem_shared>>) target(%arg8 : memref<128x128xf32, #tpu.memory_space<vmem>>) target_semaphore(%run_scoped3A : memref<!tpu.dma_semaphore, #tpu.memory_space<semaphore_mem>>)
      %dma_wait3A = arith.constant 0 : i32
      %dma_wait3A_39 = tpu.memref_slice %arg9[%add3A_33, %dma_wait3A] : memref<10240x128xf32, #tpu.memory_space<vmem_shared>> -> memref<128x128xf32, #tpu.memory_space<vmem_shared>>
      %dma_wait3A_40 = arith.constant 0 : i32
      %dma_wait3A_41 = tpu.memref_slice %arg9[%add3A_33, %dma_wait3A_40] : memref<10240x128xf32, #tpu.memory_space<vmem_shared>> -> memref<128x128xf32, #tpu.memory_space<vmem_shared>>
      tpu.wait_dma2 semaphore(%run_scoped3A : memref<!tpu.dma_semaphore, #tpu.memory_space<semaphore_mem>>) src(%dma_wait3A_41 : memref<128x128xf32, #tpu.memory_space<vmem_shared>>) dst(%arg8 : memref<128x128xf32, #tpu.memory_space<vmem>>)
      tpu.yield
    }) : () -> ()
    "tpu.region"() ({
      %run_scoped3A = tpu.sem_alloc : memref<!tpu.dma_semaphore, #tpu.memory_space<semaphore_mem>>
      %dma_start3A = arith.constant 0 : i32
      %dma_start3A_36 = arith.constant 0 : i32
      %dma_start3A_37 = tpu.memref_slice %arg5[%arg0, %dma_start3A, %dma_start3A_36] : memref<2x10240x128xf32, #tpu.memory_space<hbm>> -> memref<1x10240x128xf32, #tpu.memory_space<hbm>>
      %dma_start3A_38 = tpu.memref_squeeze %dma_start3A_37 : memref<1x10240x128xf32, #tpu.memory_space<hbm>> -> memref<10240x128xf32, #tpu.memory_space<hbm>>
      %dma_start3A_39 = arith.constant 0 : i32
      %dma_start3A_40 = tpu.memref_slice %dma_start3A_38[%add3A_33, %dma_start3A_39] : memref<10240x128xf32, #tpu.memory_space<hbm>> -> memref<128x128xf32, #tpu.memory_space<hbm>>
      %dma_start3A_41 = arith.constant 0 : i32
      %dma_start3A_42 = arith.constant 0 : i32
      %dma_start3A_43 = tpu.memref_slice %arg5[%arg0, %dma_start3A_41, %dma_start3A_42] : memref<2x10240x128xf32, #tpu.memory_space<hbm>> -> memref<1x10240x128xf32, #tpu.memory_space<hbm>>
      %dma_start3A_44 = tpu.memref_squeeze %dma_start3A_43 : memref<1x10240x128xf32, #tpu.memory_space<hbm>> -> memref<10240x128xf32, #tpu.memory_space<hbm>>
      %dma_start3A_45 = arith.constant 0 : i32
      %dma_start3A_46 = tpu.memref_slice %dma_start3A_44[%add3A_33, %dma_start3A_45] : memref<10240x128xf32, #tpu.memory_space<hbm>> -> memref<128x128xf32, #tpu.memory_space<hbm>>
      tpu.enqueue_dma source(%arg8 : memref<128x128xf32, #tpu.memory_space<vmem>>) target(%dma_start3A_46 : memref<128x128xf32, #tpu.memory_space<hbm>>) target_semaphore(%run_scoped3A : memref<!tpu.dma_semaphore, #tpu.memory_space<semaphore_mem>>)
      %dma_wait3A = arith.constant 0 : i32
      %dma_wait3A_47 = arith.constant 0 : i32
      %dma_wait3A_48 = tpu.memref_slice %arg5[%arg0, %dma_wait3A, %dma_wait3A_47] : memref<2x10240x128xf32, #tpu.memory_space<hbm>> -> memref<1x10240x128xf32, #tpu.memory_space<hbm>>
      %dma_wait3A_49 = tpu.memref_squeeze %dma_wait3A_48 : memref<1x10240x128xf32, #tpu.memory_space<hbm>> -> memref<10240x128xf32, #tpu.memory_space<hbm>>
      %dma_wait3A_50 = arith.constant 0 : i32
      %dma_wait3A_51 = tpu.memref_slice %dma_wait3A_49[%add3A_33, %dma_wait3A_50] : memref<10240x128xf32, #tpu.memory_space<hbm>> -> memref<128x128xf32, #tpu.memory_space<hbm>>
      %dma_wait3A_52 = arith.constant 0 : i32
      %dma_wait3A_53 = arith.constant 0 : i32
      %dma_wait3A_54 = tpu.memref_slice %arg5[%arg0, %dma_wait3A_52, %dma_wait3A_53] : memref<2x10240x128xf32, #tpu.memory_space<hbm>> -> memref<1x10240x128xf32, #tpu.memory_space<hbm>>
      %dma_wait3A_55 = tpu.memref_squeeze %dma_wait3A_54 : memref<1x10240x128xf32, #tpu.memory_space<hbm>> -> memref<10240x128xf32, #tpu.memory_space<hbm>>
      %dma_wait3A_56 = arith.constant 0 : i32
      %dma_wait3A_57 = tpu.memref_slice %dma_wait3A_55[%add3A_33, %dma_wait3A_56] : memref<10240x128xf32, #tpu.memory_space<hbm>> -> memref<128x128xf32, #tpu.memory_space<hbm>>
      tpu.wait_dma2 semaphore(%run_scoped3A : memref<!tpu.dma_semaphore, #tpu.memory_space<semaphore_mem>>) src(%arg8 : memref<128x128xf32, #tpu.memory_space<vmem>>) dst(%dma_wait3A_57 : memref<128x128xf32, #tpu.memory_space<hbm>>)
      tpu.yield
    }) : () -> ()
    %add3A_34 = arith.constant 512 : i32
    %add3A_35 = arith.addi %mul3A_2, %add3A_34 : i32
    "tpu.region"() ({
      %run_scoped3A = tpu.sem_alloc : memref<!tpu.dma_semaphore, #tpu.memory_space<semaphore_mem>>
      %dma_start3A = arith.constant 0 : i32
      %dma_start3A_36 = tpu.memref_slice %arg9[%add3A_35, %dma_start3A] : memref<10240x128xf32, #tpu.memory_space<vmem_shared>> -> memref<128x128xf32, #tpu.memory_space<vmem_shared>>
      %dma_start3A_37 = arith.constant 0 : i32
      %dma_start3A_38 = tpu.memref_slice %arg9[%add3A_35, %dma_start3A_37] : memref<10240x128xf32, #tpu.memory_space<vmem_shared>> -> memref<128x128xf32, #tpu.memory_space<vmem_shared>>
      tpu.enqueue_dma source(%dma_start3A_38 : memref<128x128xf32, #tpu.memory_space<vmem_shared>>) target(%arg8 : memref<128x128xf32, #tpu.memory_space<vmem>>) target_semaphore(%run_scoped3A : memref<!tpu.dma_semaphore, #tpu.memory_space<semaphore_mem>>)
      %dma_wait3A = arith.constant 0 : i32
      %dma_wait3A_39 = tpu.memref_slice %arg9[%add3A_35, %dma_wait3A] : memref<10240x128xf32, #tpu.memory_space<vmem_shared>> -> memref<128x128xf32, #tpu.memory_space<vmem_shared>>
      %dma_wait3A_40 = arith.constant 0 : i32
      %dma_wait3A_41 = tpu.memref_slice %arg9[%add3A_35, %dma_wait3A_40] : memref<10240x128xf32, #tpu.memory_space<vmem_shared>> -> memref<128x128xf32, #tpu.memory_space<vmem_shared>>
      tpu.wait_dma2 semaphore(%run_scoped3A : memref<!tpu.dma_semaphore, #tpu.memory_space<semaphore_mem>>) src(%dma_wait3A_41 : memref<128x128xf32, #tpu.memory_space<vmem_shared>>) dst(%arg8 : memref<128x128xf32, #tpu.memory_space<vmem>>)
      tpu.yield
    }) : () -> ()
    "tpu.region"() ({
      %run_scoped3A = tpu.sem_alloc : memref<!tpu.dma_semaphore, #tpu.memory_space<semaphore_mem>>
      %dma_start3A = arith.constant 0 : i32
      %dma_start3A_36 = arith.constant 0 : i32
      %dma_start3A_37 = tpu.memref_slice %arg5[%arg0, %dma_start3A, %dma_start3A_36] : memref<2x10240x128xf32, #tpu.memory_space<hbm>> -> memref<1x10240x128xf32, #tpu.memory_space<hbm>>
      %dma_start3A_38 = tpu.memref_squeeze %dma_start3A_37 : memref<1x10240x128xf32, #tpu.memory_space<hbm>> -> memref<10240x128xf32, #tpu.memory_space<hbm>>
      %dma_start3A_39 = arith.constant 0 : i32
      %dma_start3A_40 = tpu.memref_slice %dma_start3A_38[%add3A_35, %dma_start3A_39] : memref<10240x128xf32, #tpu.memory_space<hbm>> -> memref<128x128xf32, #tpu.memory_space<hbm>>
      %dma_start3A_41 = arith.constant 0 : i32
      %dma_start3A_42 = arith.constant 0 : i32
      %dma_start3A_43 = tpu.memref_slice %arg5[%arg0, %dma_start3A_41, %dma_start3A_42] : memref<2x10240x128xf32, #tpu.memory_space<hbm>> -> memref<1x10240x128xf32, #tpu.memory_space<hbm>>
      %dma_start3A_44 = tpu.memref_squeeze %dma_start3A_43 : memref<1x10240x128xf32, #tpu.memory_space<hbm>> -> memref<10240x128xf32, #tpu.memory_space<hbm>>
      %dma_start3A_45 = arith.constant 0 : i32
      %dma_start3A_46 = tpu.memref_slice %dma_start3A_44[%add3A_35, %dma_start3A_45] : memref<10240x128xf32, #tpu.memory_space<hbm>> -> memref<128x128xf32, #tpu.memory_space<hbm>>
      tpu.enqueue_dma source(%arg8 : memref<128x128xf32, #tpu.memory_space<vmem>>) target(%dma_start3A_46 : memref<128x128xf32, #tpu.memory_space<hbm>>) target_semaphore(%run_scoped3A : memref<!tpu.dma_semaphore, #tpu.memory_space<semaphore_mem>>)
      %dma_wait3A = arith.constant 0 : i32
      %dma_wait3A_47 = arith.constant 0 : i32
      %dma_wait3A_48 = tpu.memref_slice %arg5[%arg0, %dma_wait3A, %dma_wait3A_47] : memref<2x10240x128xf32, #tpu.memory_space<hbm>> -> memref<1x10240x128xf32, #tpu.memory_space<hbm>>
      %dma_wait3A_49 = tpu.memref_squeeze %dma_wait3A_48 : memref<1x10240x128xf32, #tpu.memory_space<hbm>> -> memref<10240x128xf32, #tpu.memory_space<hbm>>
      %dma_wait3A_50 = arith.constant 0 : i32
      %dma_wait3A_51 = tpu.memref_slice %dma_wait3A_49[%add3A_35, %dma_wait3A_50] : memref<10240x128xf32, #tpu.memory_space<hbm>> -> memref<128x128xf32, #tpu.memory_space<hbm>>
      %dma_wait3A_52 = arith.constant 0 : i32
      %dma_wait3A_53 = arith.constant 0 : i32
      %dma_wait3A_54 = tpu.memref_slice %arg5[%arg0, %dma_wait3A_52, %dma_wait3A_53] : memref<2x10240x128xf32, #tpu.memory_space<hbm>> -> memref<1x10240x128xf32, #tpu.memory_space<hbm>>
      %dma_wait3A_55 = tpu.memref_squeeze %dma_wait3A_54 : memref<1x10240x128xf32, #tpu.memory_space<hbm>> -> memref<10240x128xf32, #tpu.memory_space<hbm>>
      %dma_wait3A_56 = arith.constant 0 : i32
      %dma_wait3A_57 = tpu.memref_slice %dma_wait3A_55[%add3A_35, %dma_wait3A_56] : memref<10240x128xf32, #tpu.memory_space<hbm>> -> memref<128x128xf32, #tpu.memory_space<hbm>>
      tpu.wait_dma2 semaphore(%run_scoped3A : memref<!tpu.dma_semaphore, #tpu.memory_space<semaphore_mem>>) src(%arg8 : memref<128x128xf32, #tpu.memory_space<vmem>>) dst(%dma_wait3A_57 : memref<128x128xf32, #tpu.memory_space<hbm>>)
      tpu.yield
    }) : () -> ()
    return
  }
}

module attributes {stable_mosaic.version = 14 : i64} {
  func.func @body(%arg0: i32, %arg1: memref<2000x128xf32, #tpu.memory_space<vmem>>, %arg2: memref<128x128xf32, #tpu.memory_space<vmem>>, %arg3: memref<1x128xf32, #tpu.memory_space<vmem>>, %arg4: memref<2000x128xf32, #tpu.memory_space<vmem>>, %arg5: memref<8x128xf32, #tpu.memory_space<vmem>>) attributes {dimension_semantics = [#tpu.dimension_semantics<arbitrary>], iteration_bounds = array<i64: 5>, scalar_prefetch = 0 : i64, scratch_operands = 0 : i64, tpu.core_type = #tpu.core_type<tc>, window_params = [{transform_indices = @transform_0, window_bounds = array<i64: 2000, 128>}, {pipeline_mode = #tpu.pipeline_mode<synchronous>, transform_indices = @transform_1, window_bounds = array<i64: 128, 128>}, {pipeline_mode = #tpu.pipeline_mode<synchronous>, transform_indices = @transform_2, window_bounds = array<i64: 1, 128>}, {transform_indices = @transform_3, window_bounds = array<i64: 2000, 128>}, {pipeline_mode = #tpu.pipeline_mode<synchronous>, transform_indices = @transform_4, window_bounds = array<i64: 8, 128>}]} {
    %get3A = arith.constant 0 : index
    %get3A_0 = arith.constant 0 : index
    %get3A_1 = vector.load %arg1[%get3A, %get3A_0] : memref<2000x128xf32, #tpu.memory_space<vmem>>, vector<2000x128xf32>
    %get3A_2 = arith.constant 0 : index
    %get3A_3 = arith.constant 0 : index
    %get3A_4 = vector.load %arg2[%get3A_2, %get3A_3] : memref<128x128xf32, #tpu.memory_space<vmem>>, vector<128x128xf32>
    %dot_general3A = arith.constant dense<0.000000e+00> : vector<2000x128xf32>
    %dot_general3A_5 = tpu.matmul %get3A_1, %get3A_4, %dot_general3A {dimension_numbers = #tpu.dot_dimension_numbers<[1], [0], [0], [1], [0, 0, 1, 1], [], []>, precision = #tpu.contract_precision<fp32>, transpose_lhs_hint = false} : vector<2000x128xf32>, vector<128x128xf32>, vector<2000x128xf32> -> vector<2000x128xf32>
    %get3A_6 = arith.constant 0 : index
    %get3A_7 = arith.constant 0 : index
    %get3A_8 = vector.load %arg3[%get3A_6, %get3A_7] : memref<1x128xf32, #tpu.memory_space<vmem>>, vector<1x128xf32>
    %add3A = vector.broadcast %get3A_8 : vector<1x128xf32> to vector<2000x128xf32>
    %add3A_9 = arith.addf %dot_general3A_5, %add3A : vector<2000x128xf32>
    %swap3A = arith.constant 0 : index
    %swap3A_10 = arith.constant 0 : index
    %swap3A_11 = vector.load %arg4[%swap3A, %swap3A_10] : memref<2000x128xf32, #tpu.memory_space<vmem>>, vector<2000x128xf32>
    tpu.vector_store %arg4[%swap3A, %swap3A_10], %add3A_9 {strides = array<i32>} : memref<2000x128xf32, #tpu.memory_space<vmem>>, vector<2000x128xf32>,
    %reduce_sum3A = arith.constant dense<0.000000e+00> : vector<128xf32>
    %reduce_sum3A_12 = vector.multi_reduction <add>, %add3A_9, %reduce_sum3A [0] : vector<2000x128xf32> to vector<128xf32>
    %broadcast_in_dim3A = vector.shape_cast %reduce_sum3A_12 : vector<128xf32> to vector<1x128xf32>
    %mul3A = arith.mulf %add3A_9, %add3A_9 : vector<2000x128xf32>
    %reduce_sum3A_13 = arith.constant dense<0.000000e+00> : vector<128xf32>
    %reduce_sum3A_14 = vector.multi_reduction <add>, %mul3A, %reduce_sum3A_13 [0] : vector<2000x128xf32> to vector<128xf32>
    %broadcast_in_dim3A_15 = vector.shape_cast %reduce_sum3A_14 : vector<128xf32> to vector<1x128xf32>
    %broadcast_in_dim3A_16 = arith.constant 0.000000e+00 : f32
    %broadcast_in_dim3A_17 = vector.broadcast %broadcast_in_dim3A_16 : f32 to vector<6x128xf32>
    %concatenate3A = tpu.concatenate %broadcast_in_dim3A, %broadcast_in_dim3A_15, %broadcast_in_dim3A_17 in 0 : vector<1x128xf32>, vector<1x128xf32>, vector<6x128xf32> -> vector<8x128xf32>
    %eq3A = arith.constant 0 : i32
    %eq3A_18 = arith.cmpi eq, %arg0, %eq3A : i32
    %convert_element_type3A = arith.extui %eq3A_18 : i1 to i32
    %cond3A = arith.constant 0 : i32
    %cond3A_19 = arith.cmpi ne, %convert_element_type3A, %cond3A : i32
    scf.if %cond3A_19 {
      %swap3A_24 = arith.constant 0 : index
      %swap3A_25 = arith.constant 0 : index
      %swap3A_26 = vector.load %arg5[%swap3A_24, %swap3A_25] : memref<8x128xf32, #tpu.memory_space<vmem>>, vector<8x128xf32>
      tpu.vector_store %arg5[%swap3A_24, %swap3A_25], %concatenate3A {strides = array<i32>} : memref<8x128xf32, #tpu.memory_space<vmem>>, vector<8x128xf32>,
    } else {
    }
    %ne3A = arith.constant 0 : i32
    %ne3A_20 = arith.cmpi ne, %arg0, %ne3A : i32
    %convert_element_type3A_21 = arith.extui %ne3A_20 : i1 to i32
    %cond3A_22 = arith.constant 0 : i32
    %cond3A_23 = arith.cmpi ne, %convert_element_type3A_21, %cond3A_22 : i32
    scf.if %cond3A_23 {
      %get3A_24 = arith.constant 0 : index
      %get3A_25 = arith.constant 0 : index
      %get3A_26 = vector.load %arg5[%get3A_24, %get3A_25] : memref<8x128xf32, #tpu.memory_space<vmem>>, vector<8x128xf32>
      %add3A_27 = arith.addf %get3A_26, %concatenate3A : vector<8x128xf32>
      %swap3A_28 = arith.constant 0 : index
      %swap3A_29 = arith.constant 0 : index
      %swap3A_30 = vector.load %arg5[%swap3A_28, %swap3A_29] : memref<8x128xf32, #tpu.memory_space<vmem>>, vector<8x128xf32>
      tpu.vector_store %arg5[%swap3A_28, %swap3A_29], %add3A_27 {strides = array<i32>} : memref<8x128xf32, #tpu.memory_space<vmem>>, vector<8x128xf32>,
    } else {
    }
    return
  }
  func.func @transform_0(%arg0: i32) -> (i32, i32) {
    %c0_i32 = arith.constant 0 : i32
    %c0_i32_0 = arith.constant 0 : i32
    return %arg0, %c0_i32 : i32, i32
  }
  func.func @transform_1(%arg0: i32) -> (i32, i32) {
    %c0_i32 = arith.constant 0 : i32
    %c0_i32_0 = arith.constant 0 : i32
    %c0_i32_1 = arith.constant 0 : i32
    return %c0_i32, %c0_i32_0 : i32, i32
  }
  func.func @transform_2(%arg0: i32) -> (i32, i32) {
    %c0_i32 = arith.constant 0 : i32
    %c0_i32_0 = arith.constant 0 : i32
    %c0_i32_1 = arith.constant 0 : i32
    return %c0_i32, %c0_i32_0 : i32, i32
  }
  func.func @transform_3(%arg0: i32) -> (i32, i32) {
    %c0_i32 = arith.constant 0 : i32
    %c0_i32_0 = arith.constant 0 : i32
    return %arg0, %c0_i32 : i32, i32
  }
  func.func @transform_4(%arg0: i32) -> (i32, i32) {
    %c0_i32 = arith.constant 0 : i32
    %c0_i32_0 = arith.constant 0 : i32
    %c0_i32_1 = arith.constant 0 : i32
    return %c0_i32, %c0_i32_0 : i32, i32
  }
}

module attributes {stable_mosaic.version = 14 : i64} {
  func.func @body(%arg0: i32, %arg1: memref<2000x128xf32, #tpu.memory_space<vmem>>, %arg2: memref<8x128xf32, #tpu.memory_space<vmem>>, %arg3: memref<1x128xf32, #tpu.memory_space<vmem>>, %arg4: memref<1x128xf32, #tpu.memory_space<vmem>>, %arg5: memref<128x128xf32, #tpu.memory_space<vmem>>, %arg6: memref<2x2000x8xf32, #tpu.memory_space<vmem>>, %arg7: memref<2000x128xf32, #tpu.memory_space<vmem>>, %arg8: memref<2000x128xf32, #tpu.memory_space<vmem>>) attributes {dimension_semantics = [#tpu.dimension_semantics<arbitrary>], iteration_bounds = array<i64: 5>, scalar_prefetch = 0 : i64, scratch_operands = 0 : i64, tpu.core_type = #tpu.core_type<tc>, window_params = [{transform_indices = @transform_0, window_bounds = array<i64: 2000, 128>}, {pipeline_mode = #tpu.pipeline_mode<synchronous>, transform_indices = @transform_1, window_bounds = array<i64: 8, 128>}, {pipeline_mode = #tpu.pipeline_mode<synchronous>, transform_indices = @transform_2, window_bounds = array<i64: 1, 128>}, {pipeline_mode = #tpu.pipeline_mode<synchronous>, transform_indices = @transform_3, window_bounds = array<i64: 1, 128>}, {pipeline_mode = #tpu.pipeline_mode<synchronous>, transform_indices = @transform_4, window_bounds = array<i64: 128, 128>}, {transform_indices = @transform_5, window_bounds = array<i64: 2, 2000, 8>}, {transform_indices = @transform_6, window_bounds = array<i64: 2000, 128>}, {transform_indices = @transform_7, window_bounds = array<i64: 2000, 128>}]} {
    %get3A = arith.constant 0 : index
    %get3A_0 = arith.constant 0 : index
    %get3A_1 = vector.load %arg1[%get3A, %get3A_0] : memref<2000x128xf32, #tpu.memory_space<vmem>>, vector<2000x128xf32>
    %get3A_2 = arith.constant 0 : index
    %get3A_3 = arith.constant 0 : index
    %get3A_4 = vector.load %arg2[%get3A_2, %get3A_3] : memref<8x128xf32, #tpu.memory_space<vmem>>, vector<8x128xf32>
    %get3A_5 = arith.constant 0 : index
    %get3A_6 = arith.constant 0 : index
    %get3A_7 = vector.load %arg3[%get3A_5, %get3A_6] : memref<1x128xf32, #tpu.memory_space<vmem>>, vector<1x128xf32>
    %get3A_8 = arith.constant 0 : index
    %get3A_9 = arith.constant 0 : index
    %get3A_10 = vector.load %arg4[%get3A_8, %get3A_9] : memref<1x128xf32, #tpu.memory_space<vmem>>, vector<1x128xf32>
    %slice3A = vector.extract_strided_slice %get3A_4 {offsets = [0, 0], sizes = [1, 128], strides = [1, 1]} : vector<8x128xf32> to vector<1x128xf32>
    %mul3A = arith.constant 9.99999974E-5 : f32
    %mul3A_11 = vector.broadcast %mul3A : f32 to vector<1x128xf32>
    %mul3A_12 = arith.mulf %slice3A, %mul3A_11 : vector<1x128xf32>
    %slice3A_13 = vector.extract_strided_slice %get3A_4 {offsets = [1, 0], sizes = [1, 128], strides = [1, 1]} : vector<8x128xf32> to vector<1x128xf32>
    %mul3A_14 = arith.constant 9.99999974E-5 : f32
    %mul3A_15 = vector.broadcast %mul3A_14 : f32 to vector<1x128xf32>
    %mul3A_16 = arith.mulf %slice3A_13, %mul3A_15 : vector<1x128xf32>
    %mul3A_17 = arith.mulf %mul3A_12, %mul3A_12 : vector<1x128xf32>
    %sub3A = arith.subf %mul3A_16, %mul3A_17 : vector<1x128xf32>
    %sub3A_18 = vector.broadcast %mul3A_12 : vector<1x128xf32> to vector<2000x128xf32>
    %sub3A_19 = arith.subf %get3A_1, %sub3A_18 : vector<2000x128xf32>
    %add3A = arith.constant 9.99999974E-6 : f32
    %add3A_20 = vector.broadcast %add3A : f32 to vector<1x128xf32>
    %add3A_21 = arith.addf %sub3A, %add3A_20 : vector<1x128xf32>
    %rsqrt3A = math.rsqrt %add3A_21 : vector<1x128xf32>
    %mul3A_22 = vector.broadcast %rsqrt3A : vector<1x128xf32> to vector<2000x128xf32>
    %mul3A_23 = arith.mulf %sub3A_19, %mul3A_22 : vector<2000x128xf32>
    %mul3A_24 = vector.broadcast %get3A_7 : vector<1x128xf32> to vector<2000x128xf32>
    %mul3A_25 = arith.mulf %mul3A_23, %mul3A_24 : vector<2000x128xf32>
    %add3A_26 = vector.broadcast %get3A_10 : vector<1x128xf32> to vector<2000x128xf32>
    %add3A_27 = arith.addf %mul3A_25, %add3A_26 : vector<2000x128xf32>
    %max3A = arith.constant 0.000000e+00 : f32
    %max3A_28 = vector.broadcast %max3A : f32 to vector<2000x128xf32>
    %max3A_29 = arith.maximumf %add3A_27, %max3A_28 : vector<2000x128xf32>
    %add3A_30 = arith.constant 0.000000e+00 : f32
    %add3A_31 = vector.broadcast %add3A_30 : f32 to vector<2000x128xf32>
    %add3A_32 = arith.addf %max3A_29, %add3A_31 : vector<2000x128xf32>
    %get3A_33 = arith.constant 0 : index
    %get3A_34 = arith.constant 0 : index
    %get3A_35 = arith.constant 0 : index
    %get3A_36 = vector.load %arg6[%get3A_33, %get3A_34, %get3A_35] : memref<2x2000x8xf32, #tpu.memory_space<vmem>>, vector<2x2000x8xf32>
    %slice3A_37 = vector.extract_strided_slice %get3A_36 {offsets = [0, 0, 0], sizes = [1, 2000, 1], strides = [1, 1, 1]} : vector<2x2000x8xf32> to vector<1x2000x1xf32>
    %squeeze3A = vector.shape_cast %slice3A_37 : vector<1x2000x1xf32> to vector<2000x1xf32>
    %slice3A_38 = vector.extract_strided_slice %get3A_36 {offsets = [1, 0, 0], sizes = [1, 2000, 1], strides = [1, 1, 1]} : vector<2x2000x8xf32> to vector<1x2000x1xf32>
    %squeeze3A_39 = vector.shape_cast %slice3A_38 : vector<1x2000x1xf32> to vector<2000x1xf32>
    %add3A_40 = arith.addf %squeeze3A, %squeeze3A_39 : vector<2000x1xf32>
    %add3A_41 = arith.constant 1.000000e+00 : f32
    %add3A_42 = vector.broadcast %add3A_41 : f32 to vector<2000x1xf32>
    %add3A_43 = arith.addf %add3A_40, %add3A_42 : vector<2000x1xf32>
    %rsqrt3A_44 = math.rsqrt %add3A_43 : vector<2000x1xf32>
    %swap3A = arith.constant 0 : index
    %swap3A_45 = arith.constant 0 : index
    %swap3A_46 = vector.load %arg7[%swap3A, %swap3A_45] : memref<2000x128xf32, #tpu.memory_space<vmem>>, vector<2000x128xf32>
    tpu.vector_store %arg7[%swap3A, %swap3A_45], %add3A_32 {strides = array<i32>} : memref<2000x128xf32, #tpu.memory_space<vmem>>, vector<2000x128xf32>,
    %get3A_47 = arith.constant 0 : index
    %get3A_48 = arith.constant 0 : index
    %get3A_49 = vector.load %arg5[%get3A_47, %get3A_48] : memref<128x128xf32, #tpu.memory_space<vmem>>, vector<128x128xf32>
    %dot_general3A = arith.constant dense<0.000000e+00> : vector<2000x128xf32>
    %dot_general3A_50 = tpu.matmul %add3A_32, %get3A_49, %dot_general3A {dimension_numbers = #tpu.dot_dimension_numbers<[1], [0], [0], [1], [0, 0, 1, 1], [], []>, precision = #tpu.contract_precision<fp32>, transpose_lhs_hint = false} : vector<2000x128xf32>, vector<128x128xf32>, vector<2000x128xf32> -> vector<2000x128xf32>
    %mul3A_51 = vector.broadcast %rsqrt3A_44 : vector<2000x1xf32> to vector<2000x128xf32>
    %mul3A_52 = arith.mulf %dot_general3A_50, %mul3A_51 : vector<2000x128xf32>
    %swap3A_53 = arith.constant 0 : index
    %swap3A_54 = arith.constant 0 : index
    %swap3A_55 = vector.load %arg8[%swap3A_53, %swap3A_54] : memref<2000x128xf32, #tpu.memory_space<vmem>>, vector<2000x128xf32>
    tpu.vector_store %arg8[%swap3A_53, %swap3A_54], %mul3A_52 {strides = array<i32>} : memref<2000x128xf32, #tpu.memory_space<vmem>>, vector<2000x128xf32>,
    return
  }
  func.func @transform_0(%arg0: i32) -> (i32, i32) {
    %c0_i32 = arith.constant 0 : i32
    %c0_i32_0 = arith.constant 0 : i32
    return %arg0, %c0_i32 : i32, i32
  }
  func.func @transform_1(%arg0: i32) -> (i32, i32) {
    %c0_i32 = arith.constant 0 : i32
    %c0_i32_0 = arith.constant 0 : i32
    %c0_i32_1 = arith.constant 0 : i32
    return %c0_i32, %c0_i32_0 : i32, i32
  }
  func.func @transform_2(%arg0: i32) -> (i32, i32) {
    %c0_i32 = arith.constant 0 : i32
    %c0_i32_0 = arith.constant 0 : i32
    %c0_i32_1 = arith.constant 0 : i32
    return %c0_i32, %c0_i32_0 : i32, i32
  }
  func.func @transform_3(%arg0: i32) -> (i32, i32) {
    %c0_i32 = arith.constant 0 : i32
    %c0_i32_0 = arith.constant 0 : i32
    %c0_i32_1 = arith.constant 0 : i32
    return %c0_i32, %c0_i32_0 : i32, i32
  }
  func.func @transform_4(%arg0: i32) -> (i32, i32) {
    %c0_i32 = arith.constant 0 : i32
    %c0_i32_0 = arith.constant 0 : i32
    %c0_i32_1 = arith.constant 0 : i32
    return %c0_i32, %c0_i32_0 : i32, i32
  }
  func.func @transform_5(%arg0: i32) -> (i32, i32, i32) {
    %c0_i32 = arith.constant 0 : i32
    %c0_i32_0 = arith.constant 0 : i32
    %c0_i32_1 = arith.constant 0 : i32
    return %c0_i32, %arg0, %c0_i32_0 : i32, i32, i32
  }
  func.func @transform_6(%arg0: i32) -> (i32, i32) {
    %c0_i32 = arith.constant 0 : i32
    %c0_i32_0 = arith.constant 0 : i32
    return %arg0, %c0_i32 : i32, i32
  }
  func.func @transform_7(%arg0: i32) -> (i32, i32) {
    %c0_i32 = arith.constant 0 : i32
    %c0_i32_0 = arith.constant 0 : i32
    return %arg0, %c0_i32 : i32, i32
  }
}

module attributes {stable_mosaic.version = 14 : i64} {
  func.func @body(%arg0: i32, %arg1: memref<2x2000x128xf32, #tpu.memory_space<vmem>>, %arg2: memref<2000x128xf32, #tpu.memory_space<vmem>>, %arg3: memref<1x128xf32, #tpu.memory_space<vmem>>, %arg4: memref<2x2000x8xf32, #tpu.memory_space<vmem>>, %arg5: memref<2000x128xf32, #tpu.memory_space<vmem>>, %arg6: memref<8x128xf32, #tpu.memory_space<vmem>>) attributes {dimension_semantics = [#tpu.dimension_semantics<arbitrary>], iteration_bounds = array<i64: 5>, scalar_prefetch = 0 : i64, scratch_operands = 0 : i64, tpu.core_type = #tpu.core_type<tc>, window_params = [{transform_indices = @transform_0, window_bounds = array<i64: 2, 2000, 128>}, {transform_indices = @transform_1, window_bounds = array<i64: 2000, 128>}, {pipeline_mode = #tpu.pipeline_mode<synchronous>, transform_indices = @transform_2, window_bounds = array<i64: 1, 128>}, {transform_indices = @transform_3, window_bounds = array<i64: 2, 2000, 8>}, {transform_indices = @transform_4, window_bounds = array<i64: 2000, 128>}, {pipeline_mode = #tpu.pipeline_mode<synchronous>, transform_indices = @transform_5, window_bounds = array<i64: 8, 128>}]} {
    %get3A = arith.constant 0 : index
    %get3A_0 = arith.constant 0 : index
    %get3A_1 = arith.constant 0 : index
    %get3A_2 = vector.load %arg4[%get3A, %get3A_0, %get3A_1] : memref<2x2000x8xf32, #tpu.memory_space<vmem>>, vector<2x2000x8xf32>
    %slice3A = vector.extract_strided_slice %get3A_2 {offsets = [0, 0, 0], sizes = [1, 2000, 1], strides = [1, 1, 1]} : vector<2x2000x8xf32> to vector<1x2000x1xf32>
    %squeeze3A = vector.shape_cast %slice3A : vector<1x2000x1xf32> to vector<2000x1xf32>
    %slice3A_3 = vector.extract_strided_slice %get3A_2 {offsets = [1, 0, 0], sizes = [1, 2000, 1], strides = [1, 1, 1]} : vector<2x2000x8xf32> to vector<1x2000x1xf32>
    %squeeze3A_4 = vector.shape_cast %slice3A_3 : vector<1x2000x1xf32> to vector<2000x1xf32>
    %add3A = arith.addf %squeeze3A, %squeeze3A_4 : vector<2000x1xf32>
    %add3A_5 = arith.constant 1.000000e+00 : f32
    %add3A_6 = vector.broadcast %add3A_5 : f32 to vector<2000x1xf32>
    %add3A_7 = arith.addf %add3A, %add3A_6 : vector<2000x1xf32>
    %rsqrt3A = math.rsqrt %add3A_7 : vector<2000x1xf32>
    %get3A_8 = arith.constant 0 : index
    %get3A_9 = arith.constant 0 : index
    %get3A_10 = arith.constant 0 : index
    %get3A_11 = vector.load %arg1[%get3A_8, %get3A_9, %get3A_10] : memref<2x2000x128xf32, #tpu.memory_space<vmem>>, vector<1x2000x128xf32>
    %get3A_12 = vector.shape_cast %get3A_11 : vector<1x2000x128xf32> to vector<2000x128xf32>
    %get3A_13 = arith.constant 1 : index
    %get3A_14 = arith.constant 0 : index
    %get3A_15 = arith.constant 0 : index
    %get3A_16 = vector.load %arg1[%get3A_13, %get3A_14, %get3A_15] : memref<2x2000x128xf32, #tpu.memory_space<vmem>>, vector<1x2000x128xf32>
    %get3A_17 = vector.shape_cast %get3A_16 : vector<1x2000x128xf32> to vector<2000x128xf32>
    %add3A_18 = arith.addf %get3A_12, %get3A_17 : vector<2000x128xf32>
    %get3A_19 = arith.constant 0 : index
    %get3A_20 = arith.constant 0 : index
    %get3A_21 = vector.load %arg2[%get3A_19, %get3A_20] : memref<2000x128xf32, #tpu.memory_space<vmem>>, vector<2000x128xf32>
    %add3A_22 = arith.addf %add3A_18, %get3A_21 : vector<2000x128xf32>
    %mul3A = vector.broadcast %rsqrt3A : vector<2000x1xf32> to vector<2000x128xf32>
    %mul3A_23 = arith.mulf %mul3A, %add3A_22 : vector<2000x128xf32>
    %get3A_24 = arith.constant 0 : index
    %get3A_25 = arith.constant 0 : index
    %get3A_26 = vector.load %arg3[%get3A_24, %get3A_25] : memref<1x128xf32, #tpu.memory_space<vmem>>, vector<1x128xf32>
    %add3A_27 = vector.broadcast %get3A_26 : vector<1x128xf32> to vector<2000x128xf32>
    %add3A_28 = arith.addf %mul3A_23, %add3A_27 : vector<2000x128xf32>
    %swap3A = arith.constant 0 : index
    %swap3A_29 = arith.constant 0 : index
    %swap3A_30 = vector.load %arg5[%swap3A, %swap3A_29] : memref<2000x128xf32, #tpu.memory_space<vmem>>, vector<2000x128xf32>
    tpu.vector_store %arg5[%swap3A, %swap3A_29], %add3A_28 {strides = array<i32>} : memref<2000x128xf32, #tpu.memory_space<vmem>>, vector<2000x128xf32>,
    %reduce_sum3A = arith.constant dense<0.000000e+00> : vector<128xf32>
    %reduce_sum3A_31 = vector.multi_reduction <add>, %add3A_28, %reduce_sum3A [0] : vector<2000x128xf32> to vector<128xf32>
    %broadcast_in_dim3A = vector.shape_cast %reduce_sum3A_31 : vector<128xf32> to vector<1x128xf32>
    %mul3A_32 = arith.mulf %add3A_28, %add3A_28 : vector<2000x128xf32>
    %reduce_sum3A_33 = arith.constant dense<0.000000e+00> : vector<128xf32>
    %reduce_sum3A_34 = vector.multi_reduction <add>, %mul3A_32, %reduce_sum3A_33 [0] : vector<2000x128xf32> to vector<128xf32>
    %broadcast_in_dim3A_35 = vector.shape_cast %reduce_sum3A_34 : vector<128xf32> to vector<1x128xf32>
    %broadcast_in_dim3A_36 = arith.constant 0.000000e+00 : f32
    %broadcast_in_dim3A_37 = vector.broadcast %broadcast_in_dim3A_36 : f32 to vector<6x128xf32>
    %concatenate3A = tpu.concatenate %broadcast_in_dim3A, %broadcast_in_dim3A_35, %broadcast_in_dim3A_37 in 0 : vector<1x128xf32>, vector<1x128xf32>, vector<6x128xf32> -> vector<8x128xf32>
    %eq3A = arith.constant 0 : i32
    %eq3A_38 = arith.cmpi eq, %arg0, %eq3A : i32
    %convert_element_type3A = arith.extui %eq3A_38 : i1 to i32
    %cond3A = arith.constant 0 : i32
    %cond3A_39 = arith.cmpi ne, %convert_element_type3A, %cond3A : i32
    scf.if %cond3A_39 {
      %swap3A_44 = arith.constant 0 : index
      %swap3A_45 = arith.constant 0 : index
      %swap3A_46 = vector.load %arg6[%swap3A_44, %swap3A_45] : memref<8x128xf32, #tpu.memory_space<vmem>>, vector<8x128xf32>
      tpu.vector_store %arg6[%swap3A_44, %swap3A_45], %concatenate3A {strides = array<i32>} : memref<8x128xf32, #tpu.memory_space<vmem>>, vector<8x128xf32>,
    } else {
    }
    %ne3A = arith.constant 0 : i32
    %ne3A_40 = arith.cmpi ne, %arg0, %ne3A : i32
    %convert_element_type3A_41 = arith.extui %ne3A_40 : i1 to i32
    %cond3A_42 = arith.constant 0 : i32
    %cond3A_43 = arith.cmpi ne, %convert_element_type3A_41, %cond3A_42 : i32
    scf.if %cond3A_43 {
      %get3A_44 = arith.constant 0 : index
      %get3A_45 = arith.constant 0 : index
      %get3A_46 = vector.load %arg6[%get3A_44, %get3A_45] : memref<8x128xf32, #tpu.memory_space<vmem>>, vector<8x128xf32>
      %add3A_47 = arith.addf %get3A_46, %concatenate3A : vector<8x128xf32>
      %swap3A_48 = arith.constant 0 : index
      %swap3A_49 = arith.constant 0 : index
      %swap3A_50 = vector.load %arg6[%swap3A_48, %swap3A_49] : memref<8x128xf32, #tpu.memory_space<vmem>>, vector<8x128xf32>
      tpu.vector_store %arg6[%swap3A_48, %swap3A_49], %add3A_47 {strides = array<i32>} : memref<8x128xf32, #tpu.memory_space<vmem>>, vector<8x128xf32>,
    } else {
    }
    return
  }
  func.func @transform_0(%arg0: i32) -> (i32, i32, i32) {
    %c0_i32 = arith.constant 0 : i32
    %c0_i32_0 = arith.constant 0 : i32
    %c0_i32_1 = arith.constant 0 : i32
    return %c0_i32, %arg0, %c0_i32_0 : i32, i32, i32
  }
  func.func @transform_1(%arg0: i32) -> (i32, i32) {
    %c0_i32 = arith.constant 0 : i32
    %c0_i32_0 = arith.constant 0 : i32
    return %arg0, %c0_i32 : i32, i32
  }
  func.func @transform_2(%arg0: i32) -> (i32, i32) {
    %c0_i32 = arith.constant 0 : i32
    %c0_i32_0 = arith.constant 0 : i32
    %c0_i32_1 = arith.constant 0 : i32
    return %c0_i32, %c0_i32_0 : i32, i32
  }
  func.func @transform_3(%arg0: i32) -> (i32, i32, i32) {
    %c0_i32 = arith.constant 0 : i32
    %c0_i32_0 = arith.constant 0 : i32
    %c0_i32_1 = arith.constant 0 : i32
    return %c0_i32, %arg0, %c0_i32_0 : i32, i32, i32
  }
  func.func @transform_4(%arg0: i32) -> (i32, i32) {
    %c0_i32 = arith.constant 0 : i32
    %c0_i32_0 = arith.constant 0 : i32
    return %arg0, %c0_i32 : i32, i32
  }
  func.func @transform_5(%arg0: i32) -> (i32, i32) {
    %c0_i32 = arith.constant 0 : i32
    %c0_i32_0 = arith.constant 0 : i32
    %c0_i32_1 = arith.constant 0 : i32
    return %c0_i32, %c0_i32_0 : i32, i32
  }
}

module attributes {stable_mosaic.version = 14 : i64} {
  func.func @body(%arg0: i32, %arg1: memref<2000x128xf32, #tpu.memory_space<vmem>>, %arg2: memref<8x128xf32, #tpu.memory_space<vmem>>, %arg3: memref<1x128xf32, #tpu.memory_space<vmem>>, %arg4: memref<1x128xf32, #tpu.memory_space<vmem>>, %arg5: memref<128x128xf32, #tpu.memory_space<vmem>>, %arg6: memref<2x2000x8xf32, #tpu.memory_space<vmem>>, %arg7: memref<2000x128xf32, #tpu.memory_space<vmem>>, %arg8: memref<2000x128xf32, #tpu.memory_space<vmem>>, %arg9: memref<2000x128xf32, #tpu.memory_space<vmem>>) attributes {dimension_semantics = [#tpu.dimension_semantics<arbitrary>], iteration_bounds = array<i64: 5>, scalar_prefetch = 0 : i64, scratch_operands = 0 : i64, tpu.core_type = #tpu.core_type<tc>, window_params = [{transform_indices = @transform_0, window_bounds = array<i64: 2000, 128>}, {pipeline_mode = #tpu.pipeline_mode<synchronous>, transform_indices = @transform_1, window_bounds = array<i64: 8, 128>}, {pipeline_mode = #tpu.pipeline_mode<synchronous>, transform_indices = @transform_2, window_bounds = array<i64: 1, 128>}, {pipeline_mode = #tpu.pipeline_mode<synchronous>, transform_indices = @transform_3, window_bounds = array<i64: 1, 128>}, {pipeline_mode = #tpu.pipeline_mode<synchronous>, transform_indices = @transform_4, window_bounds = array<i64: 128, 128>}, {transform_indices = @transform_5, window_bounds = array<i64: 2, 2000, 8>}, {transform_indices = @transform_6, window_bounds = array<i64: 2000, 128>}, {transform_indices = @transform_7, window_bounds = array<i64: 2000, 128>}, {transform_indices = @transform_8, window_bounds = array<i64: 2000, 128>}]} {
    %get3A = arith.constant 0 : index
    %get3A_0 = arith.constant 0 : index
    %get3A_1 = vector.load %arg7[%get3A, %get3A_0] : memref<2000x128xf32, #tpu.memory_space<vmem>>, vector<2000x128xf32>
    %get3A_2 = arith.constant 0 : index
    %get3A_3 = arith.constant 0 : index
    %get3A_4 = vector.load %arg1[%get3A_2, %get3A_3] : memref<2000x128xf32, #tpu.memory_space<vmem>>, vector<2000x128xf32>
    %get3A_5 = arith.constant 0 : index
    %get3A_6 = arith.constant 0 : index
    %get3A_7 = vector.load %arg2[%get3A_5, %get3A_6] : memref<8x128xf32, #tpu.memory_space<vmem>>, vector<8x128xf32>
    %get3A_8 = arith.constant 0 : index
    %get3A_9 = arith.constant 0 : index
    %get3A_10 = vector.load %arg3[%get3A_8, %get3A_9] : memref<1x128xf32, #tpu.memory_space<vmem>>, vector<1x128xf32>
    %get3A_11 = arith.constant 0 : index
    %get3A_12 = arith.constant 0 : index
    %get3A_13 = vector.load %arg4[%get3A_11, %get3A_12] : memref<1x128xf32, #tpu.memory_space<vmem>>, vector<1x128xf32>
    %slice3A = vector.extract_strided_slice %get3A_7 {offsets = [0, 0], sizes = [1, 128], strides = [1, 1]} : vector<8x128xf32> to vector<1x128xf32>
    %mul3A = arith.constant 9.99999974E-5 : f32
    %mul3A_14 = vector.broadcast %mul3A : f32 to vector<1x128xf32>
    %mul3A_15 = arith.mulf %slice3A, %mul3A_14 : vector<1x128xf32>
    %slice3A_16 = vector.extract_strided_slice %get3A_7 {offsets = [1, 0], sizes = [1, 128], strides = [1, 1]} : vector<8x128xf32> to vector<1x128xf32>
    %mul3A_17 = arith.constant 9.99999974E-5 : f32
    %mul3A_18 = vector.broadcast %mul3A_17 : f32 to vector<1x128xf32>
    %mul3A_19 = arith.mulf %slice3A_16, %mul3A_18 : vector<1x128xf32>
    %mul3A_20 = arith.mulf %mul3A_15, %mul3A_15 : vector<1x128xf32>
    %sub3A = arith.subf %mul3A_19, %mul3A_20 : vector<1x128xf32>
    %sub3A_21 = vector.broadcast %mul3A_15 : vector<1x128xf32> to vector<2000x128xf32>
    %sub3A_22 = arith.subf %get3A_4, %sub3A_21 : vector<2000x128xf32>
    %add3A = arith.constant 9.99999974E-6 : f32
    %add3A_23 = vector.broadcast %add3A : f32 to vector<1x128xf32>
    %add3A_24 = arith.addf %sub3A, %add3A_23 : vector<1x128xf32>
    %rsqrt3A = math.rsqrt %add3A_24 : vector<1x128xf32>
    %mul3A_25 = vector.broadcast %rsqrt3A : vector<1x128xf32> to vector<2000x128xf32>
    %mul3A_26 = arith.mulf %sub3A_22, %mul3A_25 : vector<2000x128xf32>
    %mul3A_27 = vector.broadcast %get3A_10 : vector<1x128xf32> to vector<2000x128xf32>
    %mul3A_28 = arith.mulf %mul3A_26, %mul3A_27 : vector<2000x128xf32>
    %add3A_29 = vector.broadcast %get3A_13 : vector<1x128xf32> to vector<2000x128xf32>
    %add3A_30 = arith.addf %mul3A_28, %add3A_29 : vector<2000x128xf32>
    %max3A = arith.constant 0.000000e+00 : f32
    %max3A_31 = vector.broadcast %max3A : f32 to vector<2000x128xf32>
    %max3A_32 = arith.maximumf %add3A_30, %max3A_31 : vector<2000x128xf32>
    %add3A_33 = arith.addf %max3A_32, %get3A_1 : vector<2000x128xf32>
    %get3A_34 = arith.constant 0 : index
    %get3A_35 = arith.constant 0 : index
    %get3A_36 = arith.constant 0 : index
    %get3A_37 = vector.load %arg6[%get3A_34, %get3A_35, %get3A_36] : memref<2x2000x8xf32, #tpu.memory_space<vmem>>, vector<2x2000x8xf32>
    %slice3A_38 = vector.extract_strided_slice %get3A_37 {offsets = [0, 0, 0], sizes = [1, 2000, 1], strides = [1, 1, 1]} : vector<2x2000x8xf32> to vector<1x2000x1xf32>
    %squeeze3A = vector.shape_cast %slice3A_38 : vector<1x2000x1xf32> to vector<2000x1xf32>
    %slice3A_39 = vector.extract_strided_slice %get3A_37 {offsets = [1, 0, 0], sizes = [1, 2000, 1], strides = [1, 1, 1]} : vector<2x2000x8xf32> to vector<1x2000x1xf32>
    %squeeze3A_40 = vector.shape_cast %slice3A_39 : vector<1x2000x1xf32> to vector<2000x1xf32>
    %add3A_41 = arith.addf %squeeze3A, %squeeze3A_40 : vector<2000x1xf32>
    %add3A_42 = arith.constant 1.000000e+00 : f32
    %add3A_43 = vector.broadcast %add3A_42 : f32 to vector<2000x1xf32>
    %add3A_44 = arith.addf %add3A_41, %add3A_43 : vector<2000x1xf32>
    %rsqrt3A_45 = math.rsqrt %add3A_44 : vector<2000x1xf32>
    %swap3A = arith.constant 0 : index
    %swap3A_46 = arith.constant 0 : index
    %swap3A_47 = vector.load %arg8[%swap3A, %swap3A_46] : memref<2000x128xf32, #tpu.memory_space<vmem>>, vector<2000x128xf32>
    tpu.vector_store %arg8[%swap3A, %swap3A_46], %add3A_33 {strides = array<i32>} : memref<2000x128xf32, #tpu.memory_space<vmem>>, vector<2000x128xf32>,
    %get3A_48 = arith.constant 0 : index
    %get3A_49 = arith.constant 0 : index
    %get3A_50 = vector.load %arg5[%get3A_48, %get3A_49] : memref<128x128xf32, #tpu.memory_space<vmem>>, vector<128x128xf32>
    %dot_general3A = arith.constant dense<0.000000e+00> : vector<2000x128xf32>
    %dot_general3A_51 = tpu.matmul %add3A_33, %get3A_50, %dot_general3A {dimension_numbers = #tpu.dot_dimension_numbers<[1], [0], [0], [1], [0, 0, 1, 1], [], []>, precision = #tpu.contract_precision<fp32>, transpose_lhs_hint = false} : vector<2000x128xf32>, vector<128x128xf32>, vector<2000x128xf32> -> vector<2000x128xf32>
    %mul3A_52 = vector.broadcast %rsqrt3A_45 : vector<2000x1xf32> to vector<2000x128xf32>
    %mul3A_53 = arith.mulf %dot_general3A_51, %mul3A_52 : vector<2000x128xf32>
    %swap3A_54 = arith.constant 0 : index
    %swap3A_55 = arith.constant 0 : index
    %swap3A_56 = vector.load %arg9[%swap3A_54, %swap3A_55] : memref<2000x128xf32, #tpu.memory_space<vmem>>, vector<2000x128xf32>
    tpu.vector_store %arg9[%swap3A_54, %swap3A_55], %mul3A_53 {strides = array<i32>} : memref<2000x128xf32, #tpu.memory_space<vmem>>, vector<2000x128xf32>,
    return
  }
  func.func @transform_0(%arg0: i32) -> (i32, i32) {
    %c0_i32 = arith.constant 0 : i32
    %c0_i32_0 = arith.constant 0 : i32
    return %arg0, %c0_i32 : i32, i32
  }
  func.func @transform_1(%arg0: i32) -> (i32, i32) {
    %c0_i32 = arith.constant 0 : i32
    %c0_i32_0 = arith.constant 0 : i32
    %c0_i32_1 = arith.constant 0 : i32
    return %c0_i32, %c0_i32_0 : i32, i32
  }
  func.func @transform_2(%arg0: i32) -> (i32, i32) {
    %c0_i32 = arith.constant 0 : i32
    %c0_i32_0 = arith.constant 0 : i32
    %c0_i32_1 = arith.constant 0 : i32
    return %c0_i32, %c0_i32_0 : i32, i32
  }
  func.func @transform_3(%arg0: i32) -> (i32, i32) {
    %c0_i32 = arith.constant 0 : i32
    %c0_i32_0 = arith.constant 0 : i32
    %c0_i32_1 = arith.constant 0 : i32
    return %c0_i32, %c0_i32_0 : i32, i32
  }
  func.func @transform_4(%arg0: i32) -> (i32, i32) {
    %c0_i32 = arith.constant 0 : i32
    %c0_i32_0 = arith.constant 0 : i32
    %c0_i32_1 = arith.constant 0 : i32
    return %c0_i32, %c0_i32_0 : i32, i32
  }
  func.func @transform_5(%arg0: i32) -> (i32, i32, i32) {
    %c0_i32 = arith.constant 0 : i32
    %c0_i32_0 = arith.constant 0 : i32
    %c0_i32_1 = arith.constant 0 : i32
    return %c0_i32, %arg0, %c0_i32_0 : i32, i32, i32
  }
  func.func @transform_6(%arg0: i32) -> (i32, i32) {
    %c0_i32 = arith.constant 0 : i32
    %c0_i32_0 = arith.constant 0 : i32
    return %arg0, %c0_i32 : i32, i32
  }
  func.func @transform_7(%arg0: i32) -> (i32, i32) {
    %c0_i32 = arith.constant 0 : i32
    %c0_i32_0 = arith.constant 0 : i32
    return %arg0, %c0_i32 : i32, i32
  }
  func.func @transform_8(%arg0: i32) -> (i32, i32) {
    %c0_i32 = arith.constant 0 : i32
    %c0_i32_0 = arith.constant 0 : i32
    return %arg0, %c0_i32 : i32, i32
  }
}

module attributes {stable_mosaic.version = 14 : i64} {
  func.func @body(%arg0: i32, %arg1: memref<2000x128xf32, #tpu.memory_space<vmem>>, %arg2: memref<8x128xf32, #tpu.memory_space<vmem>>, %arg3: memref<1x128xf32, #tpu.memory_space<vmem>>, %arg4: memref<1x128xf32, #tpu.memory_space<vmem>>, %arg5: memref<2000x128xf32, #tpu.memory_space<vmem>>, %arg6: memref<2000x128xf32, #tpu.memory_space<vmem>>) attributes {dimension_semantics = [#tpu.dimension_semantics<arbitrary>], iteration_bounds = array<i64: 5>, scalar_prefetch = 0 : i64, scratch_operands = 0 : i64, tpu.core_type = #tpu.core_type<tc>, window_params = [{transform_indices = @transform_0, window_bounds = array<i64: 2000, 128>}, {pipeline_mode = #tpu.pipeline_mode<synchronous>, transform_indices = @transform_1, window_bounds = array<i64: 8, 128>}, {pipeline_mode = #tpu.pipeline_mode<synchronous>, transform_indices = @transform_2, window_bounds = array<i64: 1, 128>}, {pipeline_mode = #tpu.pipeline_mode<synchronous>, transform_indices = @transform_3, window_bounds = array<i64: 1, 128>}, {transform_indices = @transform_4, window_bounds = array<i64: 2000, 128>}, {transform_indices = @transform_5, window_bounds = array<i64: 2000, 128>}]} {
    %get3A = arith.constant 0 : index
    %get3A_0 = arith.constant 0 : index
    %get3A_1 = vector.load %arg1[%get3A, %get3A_0] : memref<2000x128xf32, #tpu.memory_space<vmem>>, vector<2000x128xf32>
    %get3A_2 = arith.constant 0 : index
    %get3A_3 = arith.constant 0 : index
    %get3A_4 = vector.load %arg2[%get3A_2, %get3A_3] : memref<8x128xf32, #tpu.memory_space<vmem>>, vector<8x128xf32>
    %get3A_5 = arith.constant 0 : index
    %get3A_6 = arith.constant 0 : index
    %get3A_7 = vector.load %arg3[%get3A_5, %get3A_6] : memref<1x128xf32, #tpu.memory_space<vmem>>, vector<1x128xf32>
    %get3A_8 = arith.constant 0 : index
    %get3A_9 = arith.constant 0 : index
    %get3A_10 = vector.load %arg4[%get3A_8, %get3A_9] : memref<1x128xf32, #tpu.memory_space<vmem>>, vector<1x128xf32>
    %slice3A = vector.extract_strided_slice %get3A_4 {offsets = [0, 0], sizes = [1, 128], strides = [1, 1]} : vector<8x128xf32> to vector<1x128xf32>
    %mul3A = arith.constant 9.99999974E-5 : f32
    %mul3A_11 = vector.broadcast %mul3A : f32 to vector<1x128xf32>
    %mul3A_12 = arith.mulf %slice3A, %mul3A_11 : vector<1x128xf32>
    %slice3A_13 = vector.extract_strided_slice %get3A_4 {offsets = [1, 0], sizes = [1, 128], strides = [1, 1]} : vector<8x128xf32> to vector<1x128xf32>
    %mul3A_14 = arith.constant 9.99999974E-5 : f32
    %mul3A_15 = vector.broadcast %mul3A_14 : f32 to vector<1x128xf32>
    %mul3A_16 = arith.mulf %slice3A_13, %mul3A_15 : vector<1x128xf32>
    %mul3A_17 = arith.mulf %mul3A_12, %mul3A_12 : vector<1x128xf32>
    %sub3A = arith.subf %mul3A_16, %mul3A_17 : vector<1x128xf32>
    %sub3A_18 = vector.broadcast %mul3A_12 : vector<1x128xf32> to vector<2000x128xf32>
    %sub3A_19 = arith.subf %get3A_1, %sub3A_18 : vector<2000x128xf32>
    %add3A = arith.constant 9.99999974E-6 : f32
    %add3A_20 = vector.broadcast %add3A : f32 to vector<1x128xf32>
    %add3A_21 = arith.addf %sub3A, %add3A_20 : vector<1x128xf32>
    %rsqrt3A = math.rsqrt %add3A_21 : vector<1x128xf32>
    %mul3A_22 = vector.broadcast %rsqrt3A : vector<1x128xf32> to vector<2000x128xf32>
    %mul3A_23 = arith.mulf %sub3A_19, %mul3A_22 : vector<2000x128xf32>
    %mul3A_24 = vector.broadcast %get3A_7 : vector<1x128xf32> to vector<2000x128xf32>
    %mul3A_25 = arith.mulf %mul3A_23, %mul3A_24 : vector<2000x128xf32>
    %add3A_26 = vector.broadcast %get3A_10 : vector<1x128xf32> to vector<2000x128xf32>
    %add3A_27 = arith.addf %mul3A_25, %add3A_26 : vector<2000x128xf32>
    %max3A = arith.constant 0.000000e+00 : f32
    %max3A_28 = vector.broadcast %max3A : f32 to vector<2000x128xf32>
    %max3A_29 = arith.maximumf %add3A_27, %max3A_28 : vector<2000x128xf32>
    %get3A_30 = arith.constant 0 : index
    %get3A_31 = arith.constant 0 : index
    %get3A_32 = vector.load %arg5[%get3A_30, %get3A_31] : memref<2000x128xf32, #tpu.memory_space<vmem>>, vector<2000x128xf32>
    %add3A_33 = arith.addf %max3A_29, %get3A_32 : vector<2000x128xf32>
    %swap3A = arith.constant 0 : index
    %swap3A_34 = arith.constant 0 : index
    %swap3A_35 = vector.load %arg6[%swap3A, %swap3A_34] : memref<2000x128xf32, #tpu.memory_space<vmem>>, vector<2000x128xf32>
    tpu.vector_store %arg6[%swap3A, %swap3A_34], %add3A_33 {strides = array<i32>} : memref<2000x128xf32, #tpu.memory_space<vmem>>, vector<2000x128xf32>,
    return
  }
  func.func @transform_0(%arg0: i32) -> (i32, i32) {
    %c0_i32 = arith.constant 0 : i32
    %c0_i32_0 = arith.constant 0 : i32
    return %arg0, %c0_i32 : i32, i32
  }
  func.func @transform_1(%arg0: i32) -> (i32, i32) {
    %c0_i32 = arith.constant 0 : i32
    %c0_i32_0 = arith.constant 0 : i32
    %c0_i32_1 = arith.constant 0 : i32
    return %c0_i32, %c0_i32_0 : i32, i32
  }
  func.func @transform_2(%arg0: i32) -> (i32, i32) {
    %c0_i32 = arith.constant 0 : i32
    %c0_i32_0 = arith.constant 0 : i32
    %c0_i32_1 = arith.constant 0 : i32
    return %c0_i32, %c0_i32_0 : i32, i32
  }
  func.func @transform_3(%arg0: i32) -> (i32, i32) {
    %c0_i32 = arith.constant 0 : i32
    %c0_i32_0 = arith.constant 0 : i32
    %c0_i32_1 = arith.constant 0 : i32
    return %c0_i32, %c0_i32_0 : i32, i32
  }
  func.func @transform_4(%arg0: i32) -> (i32, i32) {
    %c0_i32 = arith.constant 0 : i32
    %c0_i32_0 = arith.constant 0 : i32
    return %arg0, %c0_i32 : i32, i32
  }
  func.func @transform_5(%arg0: i32) -> (i32, i32) {
    %c0_i32 = arith.constant 0 : i32
    %c0_i32_0 = arith.constant 0 : i32
    return %arg0, %c0_i32 : i32, i32
  }
}

</mosaic_0001>

<sc_bundles>
// kernel: kernel.11.cloned.1.call-start
scs
__scs_entry_jumppad:
0x0: {  	(pc) =	sbr.rel $0x88, $3  }
0x1: {  	(tag) =	ssettag $0x0;
	lr =	simm.s32 $0x1  }
0x2: {  	[smem:$0x3F93] =	sst lr;
	_ =	strace $0xD0000000  }
0x3: {  	_ = 	snop  }
0x4: {  	_ = 	snop  }
0x5: {  	_ = 	snop  }
0x6: {  	_ = 	snop  }
0x7: {  	_ = 	snop  }
__scs_overlays_trampoline_lowered:
0x8: {  	[smem:$0x3FA2] =	sst s0  }
0x9: {  	[smem:$0x3FA3] =	sst s1  }
0xa: {  	[smem:$0x3FA4] =	sst s2  }
0xb: {  	[smem:$0x3FA5] =	sst s3  }
0xc: {  	[smem:$0x3FA6] =	sst s4  }
0xd: {  	[smem:$0x3FA7] =	sst s5  }
0xe: {  	[smem:$0x3FA8] =	sst s6  }
0xf: {  	[smem:$0x3FA9] =	sst s7  }
0x10: {  	[smem:$0x3FAA] =	sst s8  }
0x11: {  	[smem:$0x3FAB] =	sst s9;
	s0 =	simm.s32 @!p0 $0x0  }
0x12: {  	s1 =	sld [smem:$0x3F91];
	s0 =	simm.s32 @p0 $0x1  }
0x13: {  	[smem:$0x3FAC] =	sst s0;
	s0 =	simm.s32 @!p1 $0x0  }
0x14: {  	s2 =	sld [smem:$0x3F90];
	s0 =	simm.s32 @p1 $0x1  }
0x15: {  	[smem:$0x3FAD] =	sst s0;
	s0 =	simm.s32 @!p2 $0x0  }
0x16: {  	s3 =	sld [smem:$0x3FDB];
	s0 =	simm.s32 @p2 $0x1  }
0x17: {  	s4 =	simm.s32 $0x1BF5;
	[smem:$0x3FAF] =	sst s0  }
0x18: {  	s0 =	sld [smem:$0x3F92];
	_ =	swait.ge [sflag:s4], $0x0  }
0x19: {  	s7 =	sld [smem:$0x3F93]  }
0x1a: {  	s8 =	sadd.s32 $0xFFFFE003, lr  }
0x1b: {  	s9 =	sadd.s32 $0xFFFFFEF7, lr;
	s5 =	simm.s32 $0xFFFFFFFF;
	p2 =	slt.u32 s8, $0xFFFFF086  }
0x1c: {  	p1 =	slt.u32 s9, $0xF7A;
	s5 =	simm.s32 @!p2 $0x0  }
0x1d: {  	s5 =	simm.s32 @p1 $0x1;
	p0 =	seq.s32 s7, s2  }
0x1e: {  	s7 =	smul.u32 @!p0 $0xF7A, s2;
	p2 =	seq.s32 @!p0 s5, $0x0  }
0x1f: {  	s9 =	smul.u32 $0xF7A, s1;
	s8 =	simm.s32 @!p0 $0x1BF5;
	p2 =	por !p2, p0  }
0x20: {  	[sflag:s8] =	ssyncset.s32 @!p0 $0xFFFFF086;
	s6 =	sadd.s32 @!p0 s3, s7;
	s7 =	simm.s32 @!p0 $0x108  }
0x21: {  	s3 =	sadd.s32 s3, s9;
	s6 =	sadd.s32 @!p0 $0x88, s6;
	s7 =	simm.s32 @p2 $0x1082  }
0x22: {  	[simem:s7], [sflag:s8] =	dma.local @!p0 [hbm:s6], $0xF7A  }
0x23: {  	s9 =	sor.u32 $0xD0000000, s2;
	s6 =	simm.s32 $0x108;
	_ =	swait.ge @!p0 [sflag:s8], $0x0  }
0x24: {  	s3 =	sadd.s32 $0x88, s3;
	s6 =	simm.s32 @!p1 $0x1082;
	[sflag:s4] =	ssyncset.s32 $0xFFFFF086  }
0x25: {  	[simem:s6], [sflag:s4] =	dma.local [hbm:s3], $0xF7A  }
0x26: {  	[smem:$0x3F93] =	sst s1;
	(tag) =	ssettag s2;
	_ =	strace s9  }
0x27: {  	s1 =	sld [smem:$0x3FA3]  }
0x28: {  	s2 =	sld [smem:$0x3FA4]  }
0x29: {  	s4 =	sld [smem:$0x3FA6]  }
0x2a: {  	p0 =	seq.s32 s5, $0x0;
	s5 =	sld [smem:$0x3FA7]  }
0x2b: {  	s6 =	sld [smem:$0x3FA8]  }
0x2c: {  	s7 =	sld [smem:$0x3FA9]  }
0x2d: {  	s3 =	simm.s32 $0x108;
	s8 =	sld [smem:$0x3FAA]  }
0x2e: {  	s3 =	simm.s32 @!p0 $0x1082;
	s9 =	sld [smem:$0x3FAB]  }
0x2f: {  	lr =	sadd.s32 s0, s3;
	s0 =	sld [smem:$0x3FA2]  }
0x30: {  	s3 =	sld [smem:$0x3FA5]  }
0x31: {  	[smem:$0x3FAE] =	sst s10  }
0x32: {  	s10 =	sld [smem:$0x3FAC];
	_ =	sdelay $0x3  }
0x33: {  	p0 =	seq.s32 s10, $0x1;
	s10 =	sld [smem:$0x3FAE];
	_ =	sdelay $0x3  }
0x34: {  	[smem:$0x3FAE] =	sst s10  }
0x35: {  	s10 =	sld [smem:$0x3FAD];
	_ =	sdelay $0x3  }
0x36: {  	p1 =	seq.s32 s10, $0x1;
	s10 =	sld [smem:$0x3FAE];
	_ =	sdelay $0x3  }
0x37: {  	[smem:$0x3FAE] =	sst s10  }
0x38: {  	s10 =	sld [smem:$0x3FAF]  }
0x39: {  	_ = 	snop;
	(pc) =	sbr.ind lr, $3  }
0x3a: {  	_ = 	snop  }
0x3b: {  	_ = 	snop  }
0x3c: {  	p2 =	seq.s32 s10, $0x1;
	s10 =	sld [smem:$0x3FAE]  }
0x3d: {  	_ =	shalt  }
0x3e: {  	_ =	shalt  }
0x3f: {  	_ =	shalt  }
0x40: {  	_ =	shalt  }
0x41: {  	_ =	shalt  }
0x42: {  	_ =	shalt  }
0x43: {  	_ =	shalt  }
0x44: {  	_ =	shalt  }
0x45: {  	_ =	shalt  }
0x46: {  	_ =	shalt  }
0x47: {  	_ =	shalt  }
0x48: {  	_ =	shalt  }
0x49: {  	_ =	shalt  }
0x4a: {  	_ =	shalt  }
0x4b: {  	_ =	shalt  }
0x4c: {  	_ =	shalt  }
0x4d: {  	_ =	shalt  }
0x4e: {  	_ =	shalt  }
0x4f: {  	_ =	shalt  }
0x50: {  	_ =	shalt  }
0x51: {  	_ =	shalt  }
0x52: {  	_ =	shalt  }
0x53: {  	_ =	shalt  }
0x54: {  	_ =	shalt  }
0x55: {  	_ =	shalt  }
0x56: {  	_ =	shalt  }
0x57: {  	_ =	shalt  }
0x58: {  	_ =	shalt  }
0x59: {  	_ =	shalt  }
0x5a: {  	_ =	shalt  }
0x5b: {  	_ =	shalt  }
0x5c: {  	_ =	shalt  }
0x5d: {  	_ =	shalt  }
0x5e: {  	_ =	shalt  }
0x5f: {  	_ =	shalt  }
0x60: {  	_ =	shalt  }
0x61: {  	_ =	shalt  }
0x62: {  	_ =	shalt  }
0x63: {  	_ =	shalt  }
0x64: {  	_ =	shalt  }
0x65: {  	_ =	shalt  }
0x66: {  	_ =	shalt  }
0x67: {  	_ =	shalt  }
0x68: {  	_ =	shalt  }
0x69: {  	_ =	shalt  }
0x6a: {  	_ =	shalt  }
0x6b: {  	_ =	shalt  }
0x6c: {  	_ =	shalt  }
0x6d: {  	_ =	shalt  }
0x6e: {  	_ =	shalt  }
0x6f: {  	_ =	shalt  }
0x70: {  	_ =	shalt  }
0x71: {  	_ =	shalt  }
0x72: {  	_ =	shalt  }
0x73: {  	_ =	shalt  }
0x74: {  	_ =	shalt  }
0x75: {  	_ =	shalt  }
0x76: {  	_ =	shalt  }
0x77: {  	_ =	shalt  }
0x78: {  	_ =	shalt  }
0x79: {  	_ =	shalt  }
0x7a: {  	_ =	shalt  }
0x7b: {  	_ =	shalt  }
0x7c: {  	_ =	shalt  }
0x7d: {  	_ =	shalt  }
0x7e: {  	_ =	shalt  }
0x7f: {  	_ =	shalt  }
0x80: {  	_ =	shalt  }
0x81: {  	_ =	shalt  }
0x82: {  	_ =	shalt  }
0x83: {  	_ =	shalt  }
0x84: {  	_ =	shalt  }
0x85: {  	_ =	shalt  }
0x86: {  	_ =	shalt  }
0x87: {  	_ =	shalt  }
.Lfunc_end0:
.L_simem_size_0:
called_computation_lowered:
.L_overlay_start_0:
0x88: {  	s2 =	sld [smem:$0x3FD9]  }
0x89: {  	s3 =	sld [smem:$0x3FFE];
	_ =	sdelay $0x1  }
0x8a: {  	s1 =	srdreg.scid  }
0x8b: {  	s0 =	sand.u32 $0x1, s1  }
0x8c: {  	s17 =	sshll.u32 s0, $0xA;
	s2 =	sadd.s32 s3, s2  }
0x8d: {  	s2 =	sadd.s32 s2, s17  }
0x8e: {  	[smem:$0x3FBA] =	sst s2  }
0x8f: {  	_ = 	snop  }
0x90: {  	s2 =	sld [smem:$0x3FD0];
	(tm) =	ssettm $0x1  }
0x91: {  	s18 =	sld [smem:$0x3FFB];
	_ =	sdelay $0x3  }
0x92: {  	_ =	strace s18  }
0x93: {  	s3 =	sld [smem:$0x3FFC];
	_ =	sdelay $0x3  }
0x94: {  	_ =	strace s3  }
0x95: {  	s3 =	sld [smem:$0x3FFD];
	_ =	sdelay $0x3  }
0x96: {  	_ =	strace s3  }
0x97: {  	_ =	strace $0x8FFFFFFF  }
0x98: {  	s19 =	sld [smem:$0x3FDB];
	_ =	sdelay $0x1  }
0x99: {  	s4 =	simm.s32 $_scs_section_size  }
0x9a: {  	s5 =	simm.s32 $_size__tile_overlayer_lowered;
	s6 =	simm.s32 $_tile_overlayer_lowered  }
0x9b: {  	s22 =	simm.s32 $0x1BFF;
	s21 =	sshll.u32 s6, $0x1;
	s3 =	sadd.s32 s4, s19  }
0x9c: {  	s7 =	simm.s32 $0x0;
	s20 =	sshll.u32 s5, $0x1;
	s5 =	sadd.s32 s21, s3  }
0x9d: {  	[timem:s7], [sflag:s22] =	dma.local [hbm:s5], s20  }
0x9e: {  	_ =	swait.ge [sflag:s22], s20  }
0x9f: {  	s4 =	ssub.s32 $0x0, s20;
	[sflag:s22] =	ssyncset.done $0x0  }
0xa0: {  	[sflag:s22] =	ssyncadd.s32 s4;
	_ =	sdelay $0x1  }
0xa1: {  	s23 =	simm.s32 $0x1B8B  }
0xa2: {  	_ =	swait.ge [sflag:s23], $0x1  }
0xa3: {  	[sflag:s23] =	ssyncset.done $0x0  }
0xa4: {  	s25 =	simm.s32 $0x1B8E;
	s24 =	sld [smem:$0x3FFE];
	[sflag:s23] =	ssyncadd.s32 $0xFFFFFFFF  }
0xa5: {  	s26 =	simm.s32 $execute0_lowered;
	[smem:$0x3FD2] =	sst s25  }
0xa6: {  	s5 =	sshll.u32 s26, $0x1;
	_ =	strace $0x80000046;
	[dreg:$0x1] =	wrdreg $0xFFFFFFFF  }
0xa7: {  	s28 =	simm.s32 $_size_execute0_lowered;
	s3 =	sadd.s32 s3, s5;
	[dreg:$0x0] =	wrdreg $0x0  }
0xa8: {  	s5 =	sshll.u32 s28, $0x1;
	[dreg:$0x2] =	wrdreg s3  }
0xa9: {  	[dreg:$0x3] =	wrdreg s5  }
0xaa: {  	[dreg:$0x4] =	wrdreg $0xC0  }
0xab: {  	_ =	task [dreg:s7], $0x5FFFF  }
0xac: {  	[dreg:$0x1] =	wrdreg $0xFFFFFFFF  }
0xad: {  	[dreg:$0x0] =	wrdreg $0x60  }
0xae: {  	[dreg:$0x2] =	wrdreg s2  }
0xaf: {  	[dreg:$0x3] =	wrdreg s24  }
0xb0: {  	[dreg:$0x4] =	wrdreg $0xA8000  }
0xb1: {  	[dreg:$0x5] =	wrdreg $0x9  }
0xb2: {  	_ =	task.clear_ibuf [dreg:s7], $0x6FFFF;
	_ =	strace $0x90000046  }
0xb3: {  	s29 =	simm.s32 $0x9;
	_ =	strace $0x80000048  }
0xb4: {  	_ =	swait.ge [sflag:s29], $0x1  }
0xb5: {  	[sflag:s29] =	ssyncadd.s32 $0xFFFFFFFF  }
0xb6: {  	_ =	strace $0x90000048  }
0xb7: {  	_ =	sfence  }
0xb8: {  	s30 =	sld [smem:$0x0];
	_ =	sdelay $0x2  }
0xb9: {  	s31 =	sshll.u32 s1, $0xD;
	s1 =	sshrl.u32 s1, $0x2  }
0xba: {  	s3 =	sand.u32 $0x4000, s31;
	s1 =	sadd.s32 s1, s30  }
0xbb: {  	s0 =	sor.u32 s3, s0;
	s1 =	sshll.u32 s1, $0x11  }
0xbc: {  	s0 =	sor.u32 s1, s0  }
0xbd: {  	s0 =	sadd.s32 $0x8F2B, s0  }
0xbe: {  	[sflag:s0] =	ssyncadd.remote.s32 $0x1  }
0xbf: {  	_ =	sfence.sel $0xFFFF  }
0xc0: {  	[dreg:$0x0] =	wrdreg $0xFFFFFFFF;
	(pc) =	sbr.abs _section_cstart, $3  }
0xc1: {  	[dreg:$0x1] =	wrdreg $0xFFFFFFFF  }
0xc2: {  	_ =	task.clear_ibuf [dreg:s7], $0x2FFFF;
	_ =	strace $0x9FFFFFFF  }
0xc3: {  	(tm) =	ssettm $0x7FFFFFFF  }
tec
execute0_lowered:
.L_overlay_start_1:
0x0: {  	(tag) =	ssettag $0x1  }
0x1: {  	s9 =	rddreg [dreg:$0x0]  }
0x2: {  	s4 =	rddreg [dreg:$0x1]  }
0x3: {  	s0 =	srdreg.scid;
	s1 =	stileid.u32  }
0x4: {  	s2 =	rddreg [dreg:$0x2];
	s3 =	simm.s32 $0x0;
	s7 =	smul.u32 $0x280, s1  }
0x5: {  	s6 =	sand.u32 $0x1, s0;
	s0 =	rddreg [dreg:$0x3];
	s10 =	smul.u32 $0x50000, s1  }
0x6: {  	[smem:$0x7FF] =	sst s3;
	s14 =	sshll.u32 s1, $0x1;
	s31 =	smul.u32 $0x2800, s1  }
0x7: {  	s5 =	smul.u32 $0x28000, s6;
	s8 =	ssub.s32 $0x2, s6;
	_ =	strace $0x80000047  }
0x8: {  	s6 =	sor.u32 s6, s14;
	s14 =	simm.s32 $0x2800;
	s23 =	sshrl.u32 s8, $0x1  }
0x9: {  	s24 =	sshrl.u32 s10, $0x2;
	s25 =	sadd.s32 $0x80, s7;
	s13 =	sadd.s32 $0x100, s7  }
0xa: {  	s15 =	sadd.s32 $0x180, s7;
	s16 =	sadd.s32 $0x200, s7;
	s17 =	smul.u32 $0x500, s6  }
0xb: {  	s11 =	sadd.s32 s5, s4;
	s12 =	ssub.s32 s8, s23;
	s4 =	sadd.s32 s24, s2  }
0xc: {  	s26 =	sshll.u32 s25, $0x7;
	s28 =	sshll.u32 s13, $0x7;
	s29 =	sshll.u32 s15, $0x7  }
0xd: {  	s30 =	sshll.u32 s16, $0x7;
	s18 =	sshll.u32 s25, $0x4;
	s20 =	sshll.u32 s13, $0x4  }
0xe: {  	s21 =	sshll.u32 s15, $0x4;
	s22 =	sshll.u32 s16, $0x4;
	s13 =	simm.s32 $0x80  }
0xf: {  	s5 =	sadd.s32 s26, s2;
	s6 =	sadd.s32 s28, s2;
	s7 =	sadd.s32 s29, s2  }
0x10: {  	s8 =	sadd.s32 s30, s2;
	s9 =	sadd.s32 s9, s17;
	s19 =	sadd.s32 $0x5E00, s11  }
0x11: {  	s10 =	smax.u32 s12, $0x1;
	s11 =	simm.s32 $0x6800;
	s12 =	simm.s32 $0x1  }
0x12: {  	s15 =	sadd.s32 s31, s19;
	s16 =	sadd.s32 s18, s19;
	s17 =	sadd.s32 s20, s19  }
0x13: {  	s18 =	sadd.s32 s21, s19;
	s19 =	sadd.s32 s22, s19;
	s20 =	simm.s32 $0x0  }
.LBB2_1:
0x14: {  	[spmem:s4] =	stream.linear.scatter [tilespmem:s11], [sflag:$0x1], $0x4000, $0x38;
	[tilespmem:$0xBC00] =	vst v63  }
0x15: {  	_ =	swait.ge [sflag:s12], $0x4000  }
0x16: {  	[sflag:s12] =	ssyncset.done $0x0  }
0x17: {  	[sflag:s12] =	ssyncadd.s32 $0xFFFFC000  }
0x18: {  	[spmem:s5] =	stream.linear.scatter [tilespmem:s11], [sflag:$0x1], $0x4000, $0x38;
	[tilespmem:$0xBC00] =	vst v63  }
0x19: {  	_ =	swait.ge [sflag:s12], $0x4000  }
0x1a: {  	[sflag:s12] =	ssyncset.done $0x0  }
0x1b: {  	[sflag:s12] =	ssyncadd.s32 $0xFFFFC000  }
0x1c: {  	[spmem:s6] =	stream.linear.scatter [tilespmem:s11], [sflag:$0x1], $0x4000, $0x38;
	[tilespmem:$0xBC00] =	vst v63  }
0x1d: {  	_ =	swait.ge [sflag:s12], $0x4000  }
0x1e: {  	[sflag:s12] =	ssyncset.done $0x0  }
0x1f: {  	[sflag:s12] =	ssyncadd.s32 $0xFFFFC000  }
0x20: {  	[spmem:s7] =	stream.linear.scatter [tilespmem:s11], [sflag:$0x1], $0x4000, $0x38;
	[tilespmem:$0xBC00] =	vst v63  }
0x21: {  	_ =	swait.ge [sflag:s12], $0x4000  }
0x22: {  	[sflag:s12] =	ssyncset.done $0x0  }
0x23: {  	[sflag:s12] =	ssyncadd.s32 $0xFFFFC000  }
0x24: {  	[spmem:s8] =	stream.linear.scatter [tilespmem:s11], [sflag:$0x1], $0x4000, $0x38;
	[tilespmem:$0xBC00] =	vst v63  }
0x25: {  	_ =	swait.ge [sflag:s12], $0x4000  }
0x26: {  	[sflag:s12] =	ssyncset.done $0x0  }
0x27: {  	[sflag:s12] =	ssyncadd.s32 $0xFFFFC000  }
0x28: {  	[bflag:$0x0] =	sbarrier.arrive $0xFFFF  }
0x29: {  	[tilespmem:s3], [sflag:$0x1] =	stream.linear.gather [hbm4b:s9+s3], $0x2780, $0x38;
	[tilespmem:$0xBC00] =	vst v63  }
0x2a: {  	_ =	swait.ge [sflag:s12], $0x2780  }
0x2b: {  	[sflag:s12] =	ssyncset.done $0x0  }
0x2c: {  	s21 =	simm.s32 $0x0;
	[sflag:s12] =	ssyncadd.s32 $0xFFFFD880  }
0x2d: {  	[spmem:s2] =	stream.indirect.scatter.add.f32 [tilespmem:s14], [sflag:$0x1], $0x8, s21, s13, $0xb8;
	[tilespmem:$0xBC00] =	vst v63  }
0x2e: {  	_ =	swait.ge [sflag:s12], $0x400  }
0x2f: {  	s21 =	simm.s32 $0x200;
	[sflag:s12] =	ssyncset.done $0x0  }
.LBB2_2:
0x30: {  	s22 =	sshra.s32 s21, $0x2;
	[sflag:s12] =	ssyncadd.s32 $0xFFFFFC00;
	p0 =	sne.s32 s21, $0x9C00  }
0x31: {  	[spmem:s2] =	stream.indirect.scatter.add.f32 [tilespmem:s14], [sflag:$0x1], $0x8, s22, s13, $0xb8;
	[tilespmem:$0xBC00] =	vst v63  }
.Ltmp0:
0x32: {  	_ = 	snop;
	(pc) =	sbr.rel @p0 .LBB2_2-.Ltmp0, $4  }
0x33: {  	_ = 	snop  }
0x34: {  	s21 =	sadd.s32 $0x200, s21  }
0x35: {  	_ =	swait.ge [sflag:s12], $0x400  }
0x36: {  	[sflag:s12] =	ssyncset.done $0x0  }
0x37: {  	[sflag:s12] =	ssyncadd.s32 $0xFFFFFC00  }
0x38: {  	[bflag:$0x0] =	sbarrier.arrive $0xFFFF  }
0x39: {  	[tilespmem:s11], [sflag:$0x1] =	stream.linear.gather [spmem:s4], $0x4000, $0x38;
	[tilespmem:$0xBC00] =	vst v63  }
0x3a: {  	_ =	swait.ge [sflag:s12], $0x4000  }
0x3b: {  	[sflag:s12] =	ssyncset.done $0x0  }
0x3c: {  	[sflag:s12] =	ssyncadd.s32 $0xFFFFC000  }
0x3d: {  	[hbm4b:s15+s3] =	stream.linear.scatter [tilespmem:s11], [sflag:$0x1], $0x4000, $0x38;
	[tilespmem:$0xBC00] =	vst v63  }
0x3e: {  	_ =	swait.ge [sflag:s12], $0x4000  }
0x3f: {  	[sflag:s12] =	ssyncset.done $0x0  }
0x40: {  	[sflag:s12] =	ssyncadd.s32 $0xFFFFC000  }
0x41: {  	[tilespmem:s11], [sflag:$0x1] =	stream.linear.gather [spmem:s5], $0x4000, $0x38;
	[tilespmem:$0xBC00] =	vst v63  }
0x42: {  	_ =	swait.ge [sflag:s12], $0x4000  }
0x43: {  	[sflag:s12] =	ssyncset.done $0x0  }
0x44: {  	[sflag:s12] =	ssyncadd.s32 $0xFFFFC000  }
0x45: {  	[hbm4b:s16+s3] =	stream.linear.scatter [tilespmem:s11], [sflag:$0x1], $0x4000, $0x38;
	[tilespmem:$0xBC00] =	vst v63  }
0x46: {  	_ =	swait.ge [sflag:s12], $0x4000  }
0x47: {  	[sflag:s12] =	ssyncset.done $0x0  }
0x48: {  	[sflag:s12] =	ssyncadd.s32 $0xFFFFC000  }
0x49: {  	[tilespmem:s11], [sflag:$0x1] =	stream.linear.gather [spmem:s6], $0x4000, $0x38;
	[tilespmem:$0xBC00] =	vst v63  }
0x4a: {  	_ =	swait.ge [sflag:s12], $0x4000  }
0x4b: {  	[sflag:s12] =	ssyncset.done $0x0  }
0x4c: {  	[sflag:s12] =	ssyncadd.s32 $0xFFFFC000  }
0x4d: {  	[hbm4b:s17+s3] =	stream.linear.scatter [tilespmem:s11], [sflag:$0x1], $0x4000, $0x38;
	[tilespmem:$0xBC00] =	vst v63  }
0x4e: {  	_ =	swait.ge [sflag:s12], $0x4000  }
0x4f: {  	[sflag:s12] =	ssyncset.done $0x0  }
0x50: {  	[sflag:s12] =	ssyncadd.s32 $0xFFFFC000  }
0x51: {  	[tilespmem:s11], [sflag:$0x1] =	stream.linear.gather [spmem:s7], $0x4000, $0x38;
	[tilespmem:$0xBC00] =	vst v63  }
0x52: {  	_ =	swait.ge [sflag:s12], $0x4000  }
0x53: {  	[sflag:s12] =	ssyncset.done $0x0  }
0x54: {  	[sflag:s12] =	ssyncadd.s32 $0xFFFFC000  }
0x55: {  	[hbm4b:s18+s3] =	stream.linear.scatter [tilespmem:s11], [sflag:$0x1], $0x4000, $0x38;
	[tilespmem:$0xBC00] =	vst v63  }
0x56: {  	_ =	swait.ge [sflag:s12], $0x4000  }
0x57: {  	[sflag:s12] =	ssyncset.done $0x0  }
0x58: {  	[sflag:s12] =	ssyncadd.s32 $0xFFFFC000  }
0x59: {  	[tilespmem:s11], [sflag:$0x1] =	stream.linear.gather [spmem:s8], $0x4000, $0x38;
	[tilespmem:$0xBC00] =	vst v63  }
0x5a: {  	s20 =	sadd.s32 $0x1, s20;
	_ =	swait.ge [sflag:s12], $0x4000  }
0x5b: {  	p0 =	sne.s32 s20, s10;
	[sflag:s12] =	ssyncset.done $0x0  }
.Ltmp1:
0x5c: {  	[sflag:s12] =	ssyncadd.s32 $0xFFFFC000;
	(pc) =	sbr.rel @p0 .LBB2_1-.Ltmp1, $4  }
0x5d: {  	[hbm4b:s19+s3] =	stream.linear.scatter [tilespmem:s11], [sflag:$0x1], $0x4000, $0x38;
	[tilespmem:$0xBC00] =	vst v63  }
0x5e: {  	_ =	swait.ge [sflag:s12], $0x4000  }
0x5f: {  	[sflag:s12] =	ssyncset.done $0x0  }
0x60: {  	[sflag:s12] =	ssyncadd.s32 $0xFFFFC000  }
0x61: {  	_ =	sfence.sel $0x180000  }
0x62: {  	[bflag:$0x0] =	sbarrier.arrive $0xFFFF  }
0x63: {  	p0 =	sne.s32 s1, $0x0;
	_ =	strace $0x90000047  }
0x64: {  	s0 =	sadd.s32 @!p0 $0x100000, s0;
	[bflag:$0x2] =	sbarrier.arrive $0xFFFF  }
0x65: {  	[sflag:s0] =	ssyncadd.tile.s32 @!p0 $0x1;
	_ =	shalt  }
.Lfunc_end2:
_tile_overlayer_lowered:
.L_overlay_start_2:
0x66: {  	(tag) =	ssettag $0x2  }
0x67: {  	s0 =	rddreg [dreg:$0x0];
	s2 =	stileid.u32  }
0x68: {  	s1 =	rddreg [dreg:$0x1];
	p0 =	sne.s32 s2, $0x0  }
0x69: {  	s3 =	rddreg [dreg:$0x2];
	[bflag:$0x3] =	sbarrier.arrive $0xFFFF;
	s2 =	simm.s32 @!p0 $0x1C01  }
0x6a: {  	[timem:s3], [sflag:s2] =	dma.local @!p0 [hbm:s0], s1  }
0x6b: {  	s0 =	simm.s32 @!p0 $0x1  }
0x6c: {  	_ =	swait.ge @!p0 [sflag:s0], s1  }
0x6d: {  	s1 =	ssub.s32 @!p0 $0x0, s1;
	[sflag:s0] =	ssyncset.done @!p0 $0x0  }
0x6e: {  	[sflag:s0] =	ssyncadd.s32 @!p0 s1  }
0x6f: {  	[bflag:$0x3] =	sbarrier.arrive $0xFFFF  }
0x70: {  	_ =	shalt  }

// kernel: kernel.14.cloned.1.call-start
scs
__scs_entry_jumppad:
0x0: {  	(pc) =	sbr.rel $0x88, $3  }
0x1: {  	(tag) =	ssettag $0x0;
	lr =	simm.s32 $0x1  }
0x2: {  	[smem:$0x3F93] =	sst lr;
	_ =	strace $0xD0000000  }
0x3: {  	_ = 	snop  }
0x4: {  	_ = 	snop  }
0x5: {  	_ = 	snop  }
0x6: {  	_ = 	snop  }
0x7: {  	_ = 	snop  }
__scs_overlays_trampoline_lowered:
0x8: {  	[smem:$0x3FA2] =	sst s0  }
0x9: {  	[smem:$0x3FA3] =	sst s1  }
0xa: {  	[smem:$0x3FA4] =	sst s2  }
0xb: {  	[smem:$0x3FA5] =	sst s3  }
0xc: {  	[smem:$0x3FA6] =	sst s4  }
0xd: {  	[smem:$0x3FA7] =	sst s5  }
0xe: {  	[smem:$0x3FA8] =	sst s6  }
0xf: {  	[smem:$0x3FA9] =	sst s7  }
0x10: {  	[smem:$0x3FAA] =	sst s8  }
0x11: {  	[smem:$0x3FAB] =	sst s9;
	s0 =	simm.s32 @!p0 $0x0  }
0x12: {  	s1 =	sld [smem:$0x3F91];
	s0 =	simm.s32 @p0 $0x1  }
0x13: {  	[smem:$0x3FAC] =	sst s0;
	s0 =	simm.s32 @!p1 $0x0  }
0x14: {  	s2 =	sld [smem:$0x3F90];
	s0 =	simm.s32 @p1 $0x1  }
0x15: {  	[smem:$0x3FAD] =	sst s0;
	s0 =	simm.s32 @!p2 $0x0  }
0x16: {  	s3 =	sld [smem:$0x3FDB];
	s0 =	simm.s32 @p2 $0x1  }
0x17: {  	s4 =	simm.s32 $0x1BF5;
	[smem:$0x3FAF] =	sst s0  }
0x18: {  	s0 =	sld [smem:$0x3F92];
	_ =	swait.ge [sflag:s4], $0x0  }
0x19: {  	s7 =	sld [smem:$0x3F93]  }
0x1a: {  	s8 =	sadd.s32 $0xFFFFE003, lr  }
0x1b: {  	s9 =	sadd.s32 $0xFFFFFEF7, lr;
	s5 =	simm.s32 $0xFFFFFFFF;
	p2 =	slt.u32 s8, $0xFFFFF086  }
0x1c: {  	p1 =	slt.u32 s9, $0xF7A;
	s5 =	simm.s32 @!p2 $0x0  }
0x1d: {  	s5 =	simm.s32 @p1 $0x1;
	p0 =	seq.s32 s7, s2  }
0x1e: {  	s7 =	smul.u32 @!p0 $0xF7A, s2;
	p2 =	seq.s32 @!p0 s5, $0x0  }
0x1f: {  	s9 =	smul.u32 $0xF7A, s1;
	s8 =	simm.s32 @!p0 $0x1BF5;
	p2 =	por !p2, p0  }
0x20: {  	[sflag:s8] =	ssyncset.s32 @!p0 $0xFFFFF086;
	s6 =	sadd.s32 @!p0 s3, s7;
	s7 =	simm.s32 @!p0 $0x108  }
0x21: {  	s3 =	sadd.s32 s3, s9;
	s6 =	sadd.s32 @!p0 $0x88, s6;
	s7 =	simm.s32 @p2 $0x1082  }
0x22: {  	[simem:s7], [sflag:s8] =	dma.local @!p0 [hbm:s6], $0xF7A  }
0x23: {  	s9 =	sor.u32 $0xD0000000, s2;
	s6 =	simm.s32 $0x108;
	_ =	swait.ge @!p0 [sflag:s8], $0x0  }
0x24: {  	s3 =	sadd.s32 $0x88, s3;
	s6 =	simm.s32 @!p1 $0x1082;
	[sflag:s4] =	ssyncset.s32 $0xFFFFF086  }
0x25: {  	[simem:s6], [sflag:s4] =	dma.local [hbm:s3], $0xF7A  }
0x26: {  	[smem:$0x3F93] =	sst s1;
	(tag) =	ssettag s2;
	_ =	strace s9  }
0x27: {  	s1 =	sld [smem:$0x3FA3]  }
0x28: {  	s2 =	sld [smem:$0x3FA4]  }
0x29: {  	s4 =	sld [smem:$0x3FA6]  }
0x2a: {  	p0 =	seq.s32 s5, $0x0;
	s5 =	sld [smem:$0x3FA7]  }
0x2b: {  	s6 =	sld [smem:$0x3FA8]  }
0x2c: {  	s7 =	sld [smem:$0x3FA9]  }
0x2d: {  	s3 =	simm.s32 $0x108;
	s8 =	sld [smem:$0x3FAA]  }
0x2e: {  	s3 =	simm.s32 @!p0 $0x1082;
	s9 =	sld [smem:$0x3FAB]  }
0x2f: {  	lr =	sadd.s32 s0, s3;
	s0 =	sld [smem:$0x3FA2]  }
0x30: {  	s3 =	sld [smem:$0x3FA5]  }
0x31: {  	[smem:$0x3FAE] =	sst s10  }
0x32: {  	s10 =	sld [smem:$0x3FAC];
	_ =	sdelay $0x3  }
0x33: {  	p0 =	seq.s32 s10, $0x1;
	s10 =	sld [smem:$0x3FAE];
	_ =	sdelay $0x3  }
0x34: {  	[smem:$0x3FAE] =	sst s10  }
0x35: {  	s10 =	sld [smem:$0x3FAD];
	_ =	sdelay $0x3  }
0x36: {  	p1 =	seq.s32 s10, $0x1;
	s10 =	sld [smem:$0x3FAE];
	_ =	sdelay $0x3  }
0x37: {  	[smem:$0x3FAE] =	sst s10  }
0x38: {  	s10 =	sld [smem:$0x3FAF]  }
0x39: {  	_ = 	snop;
	(pc) =	sbr.ind lr, $3  }
0x3a: {  	_ = 	snop  }
0x3b: {  	_ = 	snop  }
0x3c: {  	p2 =	seq.s32 s10, $0x1;
	s10 =	sld [smem:$0x3FAE]  }
0x3d: {  	_ =	shalt  }
0x3e: {  	_ =	shalt  }
0x3f: {  	_ =	shalt  }
0x40: {  	_ =	shalt  }
0x41: {  	_ =	shalt  }
0x42: {  	_ =	shalt  }
0x43: {  	_ =	shalt  }
0x44: {  	_ =	shalt  }
0x45: {  	_ =	shalt  }
0x46: {  	_ =	shalt  }
0x47: {  	_ =	shalt  }
0x48: {  	_ =	shalt  }
0x49: {  	_ =	shalt  }
0x4a: {  	_ =	shalt  }
0x4b: {  	_ =	shalt  }
0x4c: {  	_ =	shalt  }
0x4d: {  	_ =	shalt  }
0x4e: {  	_ =	shalt  }
0x4f: {  	_ =	shalt  }
0x50: {  	_ =	shalt  }
0x51: {  	_ =	shalt  }
0x52: {  	_ =	shalt  }
0x53: {  	_ =	shalt  }
0x54: {  	_ =	shalt  }
0x55: {  	_ =	shalt  }
0x56: {  	_ =	shalt  }
0x57: {  	_ =	shalt  }
0x58: {  	_ =	shalt  }
0x59: {  	_ =	shalt  }
0x5a: {  	_ =	shalt  }
0x5b: {  	_ =	shalt  }
0x5c: {  	_ =	shalt  }
0x5d: {  	_ =	shalt  }
0x5e: {  	_ =	shalt  }
0x5f: {  	_ =	shalt  }
0x60: {  	_ =	shalt  }
0x61: {  	_ =	shalt  }
0x62: {  	_ =	shalt  }
0x63: {  	_ =	shalt  }
0x64: {  	_ =	shalt  }
0x65: {  	_ =	shalt  }
0x66: {  	_ =	shalt  }
0x67: {  	_ =	shalt  }
0x68: {  	_ =	shalt  }
0x69: {  	_ =	shalt  }
0x6a: {  	_ =	shalt  }
0x6b: {  	_ =	shalt  }
0x6c: {  	_ =	shalt  }
0x6d: {  	_ =	shalt  }
0x6e: {  	_ =	shalt  }
0x6f: {  	_ =	shalt  }
0x70: {  	_ =	shalt  }
0x71: {  	_ =	shalt  }
0x72: {  	_ =	shalt  }
0x73: {  	_ =	shalt  }
0x74: {  	_ =	shalt  }
0x75: {  	_ =	shalt  }
0x76: {  	_ =	shalt  }
0x77: {  	_ =	shalt  }
0x78: {  	_ =	shalt  }
0x79: {  	_ =	shalt  }
0x7a: {  	_ =	shalt  }
0x7b: {  	_ =	shalt  }
0x7c: {  	_ =	shalt  }
0x7d: {  	_ =	shalt  }
0x7e: {  	_ =	shalt  }
0x7f: {  	_ =	shalt  }
0x80: {  	_ =	shalt  }
0x81: {  	_ =	shalt  }
0x82: {  	_ =	shalt  }
0x83: {  	_ =	shalt  }
0x84: {  	_ =	shalt  }
0x85: {  	_ =	shalt  }
0x86: {  	_ =	shalt  }
0x87: {  	_ =	shalt  }
.Lfunc_end0:
.L_simem_size_0:
called_computation.1_lowered:
.L_overlay_start_0:
0x88: {  	s2 =	sld [smem:$0x3FD9]  }
0x89: {  	s3 =	sld [smem:$0x3FFE];
	_ =	sdelay $0x1  }
0x8a: {  	s1 =	srdreg.scid  }
0x8b: {  	s0 =	sand.u32 $0x1, s1  }
0x8c: {  	s17 =	sshll.u32 s0, $0xA;
	s2 =	sadd.s32 s3, s2  }
0x8d: {  	s2 =	sadd.s32 s2, s17  }
0x8e: {  	[smem:$0x3FBA] =	sst s2  }
0x8f: {  	_ = 	snop  }
0x90: {  	s2 =	sld [smem:$0x3FD0];
	(tm) =	ssettm $0x1  }
0x91: {  	s18 =	sld [smem:$0x3FFB];
	_ =	sdelay $0x3  }
0x92: {  	_ =	strace s18  }
0x93: {  	s3 =	sld [smem:$0x3FFC];
	_ =	sdelay $0x3  }
0x94: {  	_ =	strace s3  }
0x95: {  	s3 =	sld [smem:$0x3FFD];
	_ =	sdelay $0x3  }
0x96: {  	_ =	strace s3  }
0x97: {  	_ =	strace $0x8FFFFFFF  }
0x98: {  	s19 =	sld [smem:$0x3FDB];
	_ =	sdelay $0x1  }
0x99: {  	s4 =	simm.s32 $_scs_section_size  }
0x9a: {  	s5 =	simm.s32 $_size__tile_overlayer_lowered;
	s6 =	simm.s32 $_tile_overlayer_lowered  }
0x9b: {  	s22 =	simm.s32 $0x1BFF;
	s21 =	sshll.u32 s6, $0x1;
	s3 =	sadd.s32 s4, s19  }
0x9c: {  	s7 =	simm.s32 $0x0;
	s20 =	sshll.u32 s5, $0x1;
	s5 =	sadd.s32 s21, s3  }
0x9d: {  	[timem:s7], [sflag:s22] =	dma.local [hbm:s5], s20  }
0x9e: {  	_ =	swait.ge [sflag:s22], s20  }
0x9f: {  	s4 =	ssub.s32 $0x0, s20;
	[sflag:s22] =	ssyncset.done $0x0  }
0xa0: {  	[sflag:s22] =	ssyncadd.s32 s4;
	_ =	sdelay $0x1  }
0xa1: {  	s23 =	simm.s32 $0x1B8B  }
0xa2: {  	_ =	swait.ge [sflag:s23], $0x1  }
0xa3: {  	[sflag:s23] =	ssyncset.done $0x0  }
0xa4: {  	s25 =	simm.s32 $0x1B8E;
	s24 =	sld [smem:$0x3FFE];
	[sflag:s23] =	ssyncadd.s32 $0xFFFFFFFF  }
0xa5: {  	s26 =	simm.s32 $execute0_lowered;
	[smem:$0x3FD2] =	sst s25  }
0xa6: {  	s5 =	sshll.u32 s26, $0x1;
	_ =	strace $0x80000049;
	[dreg:$0x1] =	wrdreg $0xFFFFFFFF  }
0xa7: {  	s28 =	simm.s32 $_size_execute0_lowered;
	s3 =	sadd.s32 s3, s5;
	[dreg:$0x0] =	wrdreg $0x0  }
0xa8: {  	s5 =	sshll.u32 s28, $0x1;
	[dreg:$0x2] =	wrdreg s3  }
0xa9: {  	[dreg:$0x3] =	wrdreg s5  }
0xaa: {  	[dreg:$0x4] =	wrdreg $0xC0  }
0xab: {  	_ =	task [dreg:s7], $0x5FFFF  }
0xac: {  	[dreg:$0x1] =	wrdreg $0xFFFFFFFF  }
0xad: {  	[dreg:$0x0] =	wrdreg $0x60  }
0xae: {  	[dreg:$0x2] =	wrdreg s2  }
0xaf: {  	[dreg:$0x3] =	wrdreg s24  }
0xb0: {  	[dreg:$0x4] =	wrdreg $0x90000  }
0xb1: {  	[dreg:$0x5] =	wrdreg $0x9  }
0xb2: {  	_ =	task.clear_ibuf [dreg:s7], $0x6FFFF;
	_ =	strace $0x90000049  }
0xb3: {  	s29 =	simm.s32 $0x9;
	_ =	strace $0x8000004B  }
0xb4: {  	_ =	swait.ge [sflag:s29], $0x1  }
0xb5: {  	[sflag:s29] =	ssyncadd.s32 $0xFFFFFFFF  }
0xb6: {  	_ =	strace $0x9000004B  }
0xb7: {  	_ =	sfence  }
0xb8: {  	s30 =	sld [smem:$0x0];
	_ =	sdelay $0x2  }
0xb9: {  	s31 =	sshll.u32 s1, $0xD;
	s1 =	sshrl.u32 s1, $0x2  }
0xba: {  	s3 =	sand.u32 $0x4000, s31;
	s1 =	sadd.s32 s1, s30  }
0xbb: {  	s0 =	sor.u32 s3, s0;
	s1 =	sshll.u32 s1, $0x11  }
0xbc: {  	s0 =	sor.u32 s1, s0  }
0xbd: {  	s0 =	sadd.s32 $0x8F2B, s0  }
0xbe: {  	[sflag:s0] =	ssyncadd.remote.s32 $0x1  }
0xbf: {  	_ =	sfence.sel $0xFFFF  }
0xc0: {  	[dreg:$0x0] =	wrdreg $0xFFFFFFFF;
	(pc) =	sbr.abs _section_cstart, $3  }
0xc1: {  	[dreg:$0x1] =	wrdreg $0xFFFFFFFF  }
0xc2: {  	_ =	task.clear_ibuf [dreg:s7], $0x2FFFF;
	_ =	strace $0x9FFFFFFF  }
0xc3: {  	(tm) =	ssettm $0x7FFFFFFF  }
tec
execute0_lowered:
.L_overlay_start_1:
0x0: {  	(tag) =	ssettag $0x1  }
0x1: {  	s2 =	srdreg.scid  }
0x2: {  	s0 =	stileid.u32;
	s1 =	rddreg [dreg:$0x0]  }
0x3: {  	s6 =	rddreg [dreg:$0x1];
	s9 =	smul.u32 $0x280, s0  }
0x4: {  	s3 =	rddreg [dreg:$0x2];
	s10 =	smul.u32 $0x50000, s0  }
0x5: {  	s5 =	sand.u32 $0x1, s2;
	s25 =	sshll.u32 s0, $0x1;
	s18 =	smul.u32 $0x2800, s0  }
0x6: {  	s4 =	simm.s32 $0x0;
	s2 =	sor.u32 s5, s25;
	s8 =	smul.u32 $0x28000, s5  }
0x7: {  	[smem:$0x7FF] =	sst s4;
	s5 =	ssub.s32 $0x2, s5;
	s7 =	smul.u32 $0x500, s2  }
0x8: {  	s2 =	rddreg [dreg:$0x3];
	_ =	strace $0x8000004A;
	s26 =	sshrl.u32 s5, $0x1  }
0x9: {  	s28 =	sshrl.u32 s10, $0x2;
	s13 =	sadd.s32 $0x80, s9;
	s15 =	sadd.s32 $0x100, s9  }
0xa: {  	s16 =	sadd.s32 $0x180, s9;
	s17 =	sadd.s32 $0x200, s9;
	s12 =	sadd.s32 s8, s6  }
0xb: {  	s14 =	ssub.s32 s5, s26;
	s5 =	sadd.s32 s28, s3;
	s29 =	sshll.u32 s13, $0x7  }
0xc: {  	s30 =	sshll.u32 s15, $0x7;
	s31 =	sshll.u32 s16, $0x7;
	s9 =	sshll.u32 s17, $0x7  }
0xd: {  	s19 =	sshll.u32 s13, $0x4;
	s20 =	sshll.u32 s15, $0x4;
	s21 =	sshll.u32 s16, $0x4  }
0xe: {  	s23 =	sshll.u32 s17, $0x4;
	s13 =	simm.s32 $0x5000;
	s15 =	simm.s32 $0x2800  }
0xf: {  	s16 =	simm.s32 $0x80;
	s17 =	simm.s32 $0x1;
	s11 =	sadd.s32 s7, s6  }
0x10: {  	s6 =	sadd.s32 s29, s3;
	s7 =	sadd.s32 s30, s3;
	s8 =	sadd.s32 s31, s3  }
0x11: {  	s9 =	sadd.s32 s9, s3;
	s22 =	sadd.s32 $0x5E00, s12;
	s12 =	smax.u32 s14, $0x1  }
0x12: {  	s14 =	simm.s32 $0x2;
	s10 =	sadd.s32 $0x55E00, s11;
	s11 =	sadd.s32 $0x5FE00, s11  }
0x13: {  	s18 =	sadd.s32 s18, s22;
	s19 =	sadd.s32 s19, s22;
	s20 =	sadd.s32 s20, s22  }
0x14: {  	v0 =	vimm.f32 $0.0e+00;
	s21 =	sadd.s32 s21, s22;
	s22 =	sadd.s32 s23, s22;
	s23 =	simm.s32 $0x0  }
.LBB2_1:
0x15: {  	s24 =	simm.s32 $0x0;
	s25 =	simm.s32 $0x200  }
.LBB2_2:
0x16: {  	p0 =	sne.s32 s25, $0xFE00;
	[tilespmem:s24+$0x5070] =	vst v0  }
0x17: {  	[tilespmem:s24+$0x5000] =	vst v0  }
0x18: {  	[tilespmem:s24+$0x5010] =	vst v0  }
.Ltmp0:
0x19: {  	[tilespmem:s24+$0x5020] =	vst v0;
	(pc) =	sbr.rel @p0 .LBB2_2-.Ltmp0, $4  }
0x1a: {  	[tilespmem:s24+$0x5030] =	vst v0  }
0x1b: {  	[tilespmem:s24+$0x5040] =	vst v0  }
0x1c: {  	[tilespmem:s24+$0x5050] =	vst v0  }
0x1d: {  	[tilespmem:s24+$0x5060] =	vst v0;
	s24 =	sshra.s32 s25, $0x2;
	s25 =	sadd.s32 $0x200, s25  }
0x1e: {  	[tilespmem:s24+$0x5070] =	vst v0  }
0x1f: {  	[tilespmem:s24+$0x5000] =	vst v0  }
0x20: {  	[tilespmem:s24+$0x5010] =	vst v0  }
0x21: {  	[tilespmem:s24+$0x5020] =	vst v0  }
0x22: {  	[tilespmem:s24+$0x5030] =	vst v0  }
0x23: {  	[tilespmem:s24+$0x5040] =	vst v0  }
0x24: {  	[tilespmem:s24+$0x5050] =	vst v0  }
0x25: {  	[tilespmem:s24+$0x5060] =	vst v0  }
0x26: {  	[spmem:s5] =	stream.linear.scatter [tilespmem:s13], [sflag:$0x2], $0x4000, $0x38;
	[tilespmem:$0x1D000] =	vst v63  }
0x27: {  	_ =	swait.ge [sflag:s14], $0x4000  }
0x28: {  	[sflag:s14] =	ssyncset.done $0x0  }
0x29: {  	[sflag:s14] =	ssyncadd.s32 $0xFFFFC000  }
0x2a: {  	[spmem:s6] =	stream.linear.scatter [tilespmem:s13], [sflag:$0x2], $0x4000, $0x38;
	[tilespmem:$0x1D000] =	vst v63  }
0x2b: {  	_ =	swait.ge [sflag:s14], $0x4000  }
0x2c: {  	[sflag:s14] =	ssyncset.done $0x0  }
0x2d: {  	[sflag:s14] =	ssyncadd.s32 $0xFFFFC000  }
0x2e: {  	[spmem:s7] =	stream.linear.scatter [tilespmem:s13], [sflag:$0x2], $0x4000, $0x38;
	[tilespmem:$0x1D000] =	vst v63  }
0x2f: {  	_ =	swait.ge [sflag:s14], $0x4000  }
0x30: {  	[sflag:s14] =	ssyncset.done $0x0  }
0x31: {  	[sflag:s14] =	ssyncadd.s32 $0xFFFFC000  }
0x32: {  	[spmem:s8] =	stream.linear.scatter [tilespmem:s13], [sflag:$0x2], $0x4000, $0x38;
	[tilespmem:$0x1D000] =	vst v63  }
0x33: {  	_ =	swait.ge [sflag:s14], $0x4000  }
0x34: {  	[sflag:s14] =	ssyncset.done $0x0  }
0x35: {  	[sflag:s14] =	ssyncadd.s32 $0xFFFFC000  }
0x36: {  	[spmem:s9] =	stream.linear.scatter [tilespmem:s13], [sflag:$0x2], $0x4000, $0x38;
	[tilespmem:$0x1D000] =	vst v63  }
0x37: {  	_ =	swait.ge [sflag:s14], $0x4000  }
0x38: {  	[sflag:s14] =	ssyncset.done $0x0  }
0x39: {  	[sflag:s14] =	ssyncadd.s32 $0xFFFFC000  }
0x3a: {  	s29 =	simm.s32 $0x0;
	[bflag:$0x0] =	sbarrier.arrive $0xFFFF  }
0x3b: {  	[tilespmem:s29], [sflag:$0x2] =	stream.linear.gather [hbm4b:s10+s29], $0x2800, $0x38;
	[tilespmem:$0x1D000] =	vst v63  }
0x3c: {  	_ =	swait.ge [sflag:s14], $0x2800  }
0x3d: {  	[sflag:s14] =	ssyncset.done $0x0  }
0x3e: {  	[sflag:s14] =	ssyncadd.s32 $0xFFFFD800  }
0x3f: {  	[tilespmem:s15], [sflag:$0x2] =	stream.linear.gather [hbm4b:s11+s29], $0x2800, $0x38;
	[tilespmem:$0x1D000] =	vst v63  }
0x40: {  	_ =	swait.ge [sflag:s14], $0x2800  }
0x41: {  	[sflag:s14] =	ssyncset.done $0x0  }
0x42: {  	s30 =	simm.s32 $0x0;
	[sflag:s14] =	ssyncadd.s32 $0xFFFFD800  }
0x43: {  	[tilespmem:s13], [sflag:$0x1] =	stream.indirect.gather [hbm4b:s1+s16], $0x80, s30, s16, $0xb8;
	[tilespmem:$0x1D000] =	vst v63  }
0x44: {  	_ =	swait.ge [sflag:s17], $0x4000  }
0x45: {  	[sflag:s17] =	ssyncset.done $0x0  }
0x46: {  	s31 =	simm.s32 $0x2800;
	[sflag:s17] =	ssyncadd.s32 $0xFFFFC000  }
0x47: {  	[spmem:s3] =	stream.indirect.scatter.add.f32 [tilespmem:s13], [sflag:$0x2], $0x80, s31, s16, $0xb8;
	[tilespmem:$0x1D000] =	vst v63  }
0x48: {  	_ =	swait.ge [sflag:s14], $0x4000  }
0x49: {  	s24 =	simm.s32 $0x200;
	s25 =	simm.s32 $0x400;
	[sflag:s14] =	ssyncset.done $0x0  }
.LBB2_4:
0x4a: {  	s26 =	sshra.s32 s24, $0x2  }
0x4b: {  	[sflag:s14] =	ssyncadd.s32 $0xFFFFC000;
	s24 =	smov.u32 s25;
	s28 =	sadd.s32 $0x200, s25  }
0x4c: {  	[tilespmem:s13], [sflag:$0x1] =	stream.indirect.gather [hbm4b:s1+s16], $0x80, s26, s16, $0xb8;
	[tilespmem:$0x1D000] =	vst v63  }
0x4d: {  	p0 =	sne.s32 s25, $0x9E00;
	_ =	swait.ge [sflag:s17], $0x4000  }
.Ltmp1:
0x4e: {  	[sflag:s17] =	ssyncset.done $0x0;
	(pc) =	sbr.rel @p0 .LBB2_4-.Ltmp1, $4  }
0x4f: {  	s25 =	sadd.s32 $0x2800, s26;
	[sflag:s17] =	ssyncadd.s32 $0xFFFFC000  }
0x50: {  	[spmem:s3] =	stream.indirect.scatter.add.f32 [tilespmem:s13], [sflag:$0x2], $0x80, s25, s16, $0xb8;
	[tilespmem:$0x1D000] =	vst v63  }
0x51: {  	_ =	swait.ge [sflag:s14], $0x4000  }
0x52: {  	s25 =	smov.u32 s28;
	[sflag:s14] =	ssyncset.done $0x0  }
0x53: {  	s24 =	sshra.s32 s24, $0x2;
	[sflag:s14] =	ssyncadd.s32 $0xFFFFC000  }
0x54: {  	[tilespmem:s13], [sflag:$0x1] =	stream.indirect.gather [hbm4b:s1+s16], $0x80, s24, s16, $0xb8;
	[tilespmem:$0x1D000] =	vst v63  }
0x55: {  	_ =	swait.ge [sflag:s17], $0x4000  }
0x56: {  	[sflag:s17] =	ssyncset.done $0x0  }
0x57: {  	s24 =	sadd.s32 $0x2800, s24;
	[sflag:s17] =	ssyncadd.s32 $0xFFFFC000  }
0x58: {  	[spmem:s3] =	stream.indirect.scatter.add.f32 [tilespmem:s13], [sflag:$0x2], $0x80, s24, s16, $0xb8;
	[tilespmem:$0x1D000] =	vst v63  }
0x59: {  	_ =	swait.ge [sflag:s14], $0x4000  }
0x5a: {  	[sflag:s14] =	ssyncset.done $0x0  }
0x5b: {  	[sflag:s14] =	ssyncadd.s32 $0xFFFFC000  }
0x5c: {  	[bflag:$0x0] =	sbarrier.arrive $0xFFFF  }
0x5d: {  	[tilespmem:s13], [sflag:$0x2] =	stream.linear.gather [spmem:s5], $0x4000, $0x38;
	[tilespmem:$0x1D000] =	vst v63  }
0x5e: {  	_ =	swait.ge [sflag:s14], $0x4000  }
0x5f: {  	[sflag:s14] =	ssyncset.done $0x0  }
0x60: {  	[sflag:s14] =	ssyncadd.s32 $0xFFFFC000  }
0x61: {  	[hbm4b:s18+s4] =	stream.linear.scatter [tilespmem:s13], [sflag:$0x2], $0x4000, $0x38;
	[tilespmem:$0x1D000] =	vst v63  }
0x62: {  	_ =	swait.ge [sflag:s14], $0x4000  }
0x63: {  	[sflag:s14] =	ssyncset.done $0x0  }
0x64: {  	[sflag:s14] =	ssyncadd.s32 $0xFFFFC000  }
0x65: {  	[tilespmem:s13], [sflag:$0x2] =	stream.linear.gather [spmem:s6], $0x4000, $0x38;
	[tilespmem:$0x1D000] =	vst v63  }
0x66: {  	_ =	swait.ge [sflag:s14], $0x4000  }
0x67: {  	[sflag:s14] =	ssyncset.done $0x0  }
0x68: {  	[sflag:s14] =	ssyncadd.s32 $0xFFFFC000  }
0x69: {  	[hbm4b:s19+s4] =	stream.linear.scatter [tilespmem:s13], [sflag:$0x2], $0x4000, $0x38;
	[tilespmem:$0x1D000] =	vst v63  }
0x6a: {  	_ =	swait.ge [sflag:s14], $0x4000  }
0x6b: {  	[sflag:s14] =	ssyncset.done $0x0  }
0x6c: {  	[sflag:s14] =	ssyncadd.s32 $0xFFFFC000  }
0x6d: {  	[tilespmem:s13], [sflag:$0x2] =	stream.linear.gather [spmem:s7], $0x4000, $0x38;
	[tilespmem:$0x1D000] =	vst v63  }
0x6e: {  	_ =	swait.ge [sflag:s14], $0x4000  }
0x6f: {  	[sflag:s14] =	ssyncset.done $0x0  }
0x70: {  	[sflag:s14] =	ssyncadd.s32 $0xFFFFC000  }
0x71: {  	[hbm4b:s20+s4] =	stream.linear.scatter [tilespmem:s13], [sflag:$0x2], $0x4000, $0x38;
	[tilespmem:$0x1D000] =	vst v63  }
0x72: {  	_ =	swait.ge [sflag:s14], $0x4000  }
0x73: {  	[sflag:s14] =	ssyncset.done $0x0  }
0x74: {  	[sflag:s14] =	ssyncadd.s32 $0xFFFFC000  }
0x75: {  	[tilespmem:s13], [sflag:$0x2] =	stream.linear.gather [spmem:s8], $0x4000, $0x38;
	[tilespmem:$0x1D000] =	vst v63  }
0x76: {  	_ =	swait.ge [sflag:s14], $0x4000  }
0x77: {  	[sflag:s14] =	ssyncset.done $0x0  }
0x78: {  	[sflag:s14] =	ssyncadd.s32 $0xFFFFC000  }
0x79: {  	[hbm4b:s21+s4] =	stream.linear.scatter [tilespmem:s13], [sflag:$0x2], $0x4000, $0x38;
	[tilespmem:$0x1D000] =	vst v63  }
0x7a: {  	_ =	swait.ge [sflag:s14], $0x4000  }
0x7b: {  	[sflag:s14] =	ssyncset.done $0x0  }
0x7c: {  	[sflag:s14] =	ssyncadd.s32 $0xFFFFC000  }
0x7d: {  	[tilespmem:s13], [sflag:$0x2] =	stream.linear.gather [spmem:s9], $0x4000, $0x38;
	[tilespmem:$0x1D000] =	vst v63  }
0x7e: {  	s23 =	sadd.s32 $0x1, s23;
	_ =	swait.ge [sflag:s14], $0x4000  }
0x7f: {  	p0 =	sne.s32 s23, s12;
	[sflag:s14] =	ssyncset.done $0x0  }
.Ltmp2:
0x80: {  	[sflag:s14] =	ssyncadd.s32 $0xFFFFC000;
	(pc) =	sbr.rel @p0 .LBB2_1-.Ltmp2, $4  }
0x81: {  	[hbm4b:s22+s4] =	stream.linear.scatter [tilespmem:s13], [sflag:$0x2], $0x4000, $0x38;
	[tilespmem:$0x1D000] =	vst v63  }
0x82: {  	_ =	swait.ge [sflag:s14], $0x4000  }
0x83: {  	[sflag:s14] =	ssyncset.done $0x0  }
0x84: {  	[sflag:s14] =	ssyncadd.s32 $0xFFFFC000  }
0x85: {  	_ =	sfence.sel $0x180000  }
0x86: {  	[bflag:$0x0] =	sbarrier.arrive $0xFFFF  }
0x87: {  	p0 =	sne.s32 s0, $0x0;
	_ =	strace $0x9000004A  }
0x88: {  	s0 =	sadd.s32 @!p0 $0x100000, s2;
	[bflag:$0x2] =	sbarrier.arrive $0xFFFF  }
0x89: {  	[sflag:s0] =	ssyncadd.tile.s32 @!p0 $0x1;
	_ =	shalt  }
.Lfunc_end2:
_tile_overlayer_lowered:
.L_overlay_start_2:
0x8a: {  	(tag) =	ssettag $0x2  }
0x8b: {  	s0 =	rddreg [dreg:$0x0];
	s2 =	stileid.u32  }
0x8c: {  	s1 =	rddreg [dreg:$0x1];
	p0 =	sne.s32 s2, $0x0  }
0x8d: {  	s3 =	rddreg [dreg:$0x2];
	[bflag:$0x3] =	sbarrier.arrive $0xFFFF;
	s2 =	simm.s32 @!p0 $0x1C02  }
0x8e: {  	[timem:s3], [sflag:s2] =	dma.local @!p0 [hbm:s0], s1  }
0x8f: {  	s0 =	simm.s32 @!p0 $0x2  }
0x90: {  	_ =	swait.ge @!p0 [sflag:s0], s1  }
0x91: {  	s1 =	ssub.s32 @!p0 $0x0, s1;
	[sflag:s0] =	ssyncset.done @!p0 $0x0  }
0x92: {  	[sflag:s0] =	ssyncadd.s32 @!p0 s1  }
0x93: {  	[bflag:$0x3] =	sbarrier.arrive $0xFFFF  }
0x94: {  	_ =	shalt  }

// kernel: kernel.17.cloned.1.call-start
scs
__scs_entry_jumppad:
0x0: {  	(pc) =	sbr.rel $0x88, $3  }
0x1: {  	(tag) =	ssettag $0x0;
	lr =	simm.s32 $0x1  }
0x2: {  	[smem:$0x3F93] =	sst lr;
	_ =	strace $0xD0000000  }
0x3: {  	_ = 	snop  }
0x4: {  	_ = 	snop  }
0x5: {  	_ = 	snop  }
0x6: {  	_ = 	snop  }
0x7: {  	_ = 	snop  }
__scs_overlays_trampoline_lowered:
0x8: {  	[smem:$0x3FA2] =	sst s0  }
0x9: {  	[smem:$0x3FA3] =	sst s1  }
0xa: {  	[smem:$0x3FA4] =	sst s2  }
0xb: {  	[smem:$0x3FA5] =	sst s3  }
0xc: {  	[smem:$0x3FA6] =	sst s4  }
0xd: {  	[smem:$0x3FA7] =	sst s5  }
0xe: {  	[smem:$0x3FA8] =	sst s6  }
0xf: {  	[smem:$0x3FA9] =	sst s7  }
0x10: {  	[smem:$0x3FAA] =	sst s8  }
0x11: {  	[smem:$0x3FAB] =	sst s9;
	s0 =	simm.s32 @!p0 $0x0  }
0x12: {  	s1 =	sld [smem:$0x3F91];
	s0 =	simm.s32 @p0 $0x1  }
0x13: {  	[smem:$0x3FAC] =	sst s0;
	s0 =	simm.s32 @!p1 $0x0  }
0x14: {  	s2 =	sld [smem:$0x3F90];
	s0 =	simm.s32 @p1 $0x1  }
0x15: {  	[smem:$0x3FAD] =	sst s0;
	s0 =	simm.s32 @!p2 $0x0  }
0x16: {  	s3 =	sld [smem:$0x3FDB];
	s0 =	simm.s32 @p2 $0x1  }
0x17: {  	s4 =	simm.s32 $0x1BF5;
	[smem:$0x3FAF] =	sst s0  }
0x18: {  	s0 =	sld [smem:$0x3F92];
	_ =	swait.ge [sflag:s4], $0x0  }
0x19: {  	s7 =	sld [smem:$0x3F93]  }
0x1a: {  	s8 =	sadd.s32 $0xFFFFE003, lr  }
0x1b: {  	s9 =	sadd.s32 $0xFFFFFEF7, lr;
	s5 =	simm.s32 $0xFFFFFFFF;
	p2 =	slt.u32 s8, $0xFFFFF086  }
0x1c: {  	p1 =	slt.u32 s9, $0xF7A;
	s5 =	simm.s32 @!p2 $0x0  }
0x1d: {  	s5 =	simm.s32 @p1 $0x1;
	p0 =	seq.s32 s7, s2  }
0x1e: {  	s7 =	smul.u32 @!p0 $0xF7A, s2;
	p2 =	seq.s32 @!p0 s5, $0x0  }
0x1f: {  	s9 =	smul.u32 $0xF7A, s1;
	s8 =	simm.s32 @!p0 $0x1BF5;
	p2 =	por !p2, p0  }
0x20: {  	[sflag:s8] =	ssyncset.s32 @!p0 $0xFFFFF086;
	s6 =	sadd.s32 @!p0 s3, s7;
	s7 =	simm.s32 @!p0 $0x108  }
0x21: {  	s3 =	sadd.s32 s3, s9;
	s6 =	sadd.s32 @!p0 $0x88, s6;
	s7 =	simm.s32 @p2 $0x1082  }
0x22: {  	[simem:s7], [sflag:s8] =	dma.local @!p0 [hbm:s6], $0xF7A  }
0x23: {  	s9 =	sor.u32 $0xD0000000, s2;
	s6 =	simm.s32 $0x108;
	_ =	swait.ge @!p0 [sflag:s8], $0x0  }
0x24: {  	s3 =	sadd.s32 $0x88, s3;
	s6 =	simm.s32 @!p1 $0x1082;
	[sflag:s4] =	ssyncset.s32 $0xFFFFF086  }
0x25: {  	[simem:s6], [sflag:s4] =	dma.local [hbm:s3], $0xF7A  }
0x26: {  	[smem:$0x3F93] =	sst s1;
	(tag) =	ssettag s2;
	_ =	strace s9  }
0x27: {  	s1 =	sld [smem:$0x3FA3]  }
0x28: {  	s2 =	sld [smem:$0x3FA4]  }
0x29: {  	s4 =	sld [smem:$0x3FA6]  }
0x2a: {  	p0 =	seq.s32 s5, $0x0;
	s5 =	sld [smem:$0x3FA7]  }
0x2b: {  	s6 =	sld [smem:$0x3FA8]  }
0x2c: {  	s7 =	sld [smem:$0x3FA9]  }
0x2d: {  	s3 =	simm.s32 $0x108;
	s8 =	sld [smem:$0x3FAA]  }
0x2e: {  	s3 =	simm.s32 @!p0 $0x1082;
	s9 =	sld [smem:$0x3FAB]  }
0x2f: {  	lr =	sadd.s32 s0, s3;
	s0 =	sld [smem:$0x3FA2]  }
0x30: {  	s3 =	sld [smem:$0x3FA5]  }
0x31: {  	[smem:$0x3FAE] =	sst s10  }
0x32: {  	s10 =	sld [smem:$0x3FAC];
	_ =	sdelay $0x3  }
0x33: {  	p0 =	seq.s32 s10, $0x1;
	s10 =	sld [smem:$0x3FAE];
	_ =	sdelay $0x3  }
0x34: {  	[smem:$0x3FAE] =	sst s10  }
0x35: {  	s10 =	sld [smem:$0x3FAD];
	_ =	sdelay $0x3  }
0x36: {  	p1 =	seq.s32 s10, $0x1;
	s10 =	sld [smem:$0x3FAE];
	_ =	sdelay $0x3  }
0x37: {  	[smem:$0x3FAE] =	sst s10  }
0x38: {  	s10 =	sld [smem:$0x3FAF]  }
0x39: {  	_ = 	snop;
	(pc) =	sbr.ind lr, $3  }
0x3a: {  	_ = 	snop  }
0x3b: {  	_ = 	snop  }
0x3c: {  	p2 =	seq.s32 s10, $0x1;
	s10 =	sld [smem:$0x3FAE]  }
0x3d: {  	_ =	shalt  }
0x3e: {  	_ =	shalt  }
0x3f: {  	_ =	shalt  }
0x40: {  	_ =	shalt  }
0x41: {  	_ =	shalt  }
0x42: {  	_ =	shalt  }
0x43: {  	_ =	shalt  }
0x44: {  	_ =	shalt  }
0x45: {  	_ =	shalt  }
0x46: {  	_ =	shalt  }
0x47: {  	_ =	shalt  }
0x48: {  	_ =	shalt  }
0x49: {  	_ =	shalt  }
0x4a: {  	_ =	shalt  }
0x4b: {  	_ =	shalt  }
0x4c: {  	_ =	shalt  }
0x4d: {  	_ =	shalt  }
0x4e: {  	_ =	shalt  }
0x4f: {  	_ =	shalt  }
0x50: {  	_ =	shalt  }
0x51: {  	_ =	shalt  }
0x52: {  	_ =	shalt  }
0x53: {  	_ =	shalt  }
0x54: {  	_ =	shalt  }
0x55: {  	_ =	shalt  }
0x56: {  	_ =	shalt  }
0x57: {  	_ =	shalt  }
0x58: {  	_ =	shalt  }
0x59: {  	_ =	shalt  }
0x5a: {  	_ =	shalt  }
0x5b: {  	_ =	shalt  }
0x5c: {  	_ =	shalt  }
0x5d: {  	_ =	shalt  }
0x5e: {  	_ =	shalt  }
0x5f: {  	_ =	shalt  }
0x60: {  	_ =	shalt  }
0x61: {  	_ =	shalt  }
0x62: {  	_ =	shalt  }
0x63: {  	_ =	shalt  }
0x64: {  	_ =	shalt  }
0x65: {  	_ =	shalt  }
0x66: {  	_ =	shalt  }
0x67: {  	_ =	shalt  }
0x68: {  	_ =	shalt  }
0x69: {  	_ =	shalt  }
0x6a: {  	_ =	shalt  }
0x6b: {  	_ =	shalt  }
0x6c: {  	_ =	shalt  }
0x6d: {  	_ =	shalt  }
0x6e: {  	_ =	shalt  }
0x6f: {  	_ =	shalt  }
0x70: {  	_ =	shalt  }
0x71: {  	_ =	shalt  }
0x72: {  	_ =	shalt  }
0x73: {  	_ =	shalt  }
0x74: {  	_ =	shalt  }
0x75: {  	_ =	shalt  }
0x76: {  	_ =	shalt  }
0x77: {  	_ =	shalt  }
0x78: {  	_ =	shalt  }
0x79: {  	_ =	shalt  }
0x7a: {  	_ =	shalt  }
0x7b: {  	_ =	shalt  }
0x7c: {  	_ =	shalt  }
0x7d: {  	_ =	shalt  }
0x7e: {  	_ =	shalt  }
0x7f: {  	_ =	shalt  }
0x80: {  	_ =	shalt  }
0x81: {  	_ =	shalt  }
0x82: {  	_ =	shalt  }
0x83: {  	_ =	shalt  }
0x84: {  	_ =	shalt  }
0x85: {  	_ =	shalt  }
0x86: {  	_ =	shalt  }
0x87: {  	_ =	shalt  }
.Lfunc_end0:
.L_simem_size_0:
called_computation.2_lowered:
.L_overlay_start_0:
0x88: {  	s2 =	sld [smem:$0x3FD9]  }
0x89: {  	s3 =	sld [smem:$0x3FFE];
	_ =	sdelay $0x1  }
0x8a: {  	s1 =	srdreg.scid  }
0x8b: {  	s0 =	sand.u32 $0x1, s1  }
0x8c: {  	s17 =	sshll.u32 s0, $0xA;
	s2 =	sadd.s32 s3, s2  }
0x8d: {  	s2 =	sadd.s32 s2, s17  }
0x8e: {  	[smem:$0x3FBA] =	sst s2  }
0x8f: {  	_ = 	snop  }
0x90: {  	s2 =	sld [smem:$0x3FD0];
	(tm) =	ssettm $0x1  }
0x91: {  	s18 =	sld [smem:$0x3FFB];
	_ =	sdelay $0x3  }
0x92: {  	_ =	strace s18  }
0x93: {  	s3 =	sld [smem:$0x3FFC];
	_ =	sdelay $0x3  }
0x94: {  	_ =	strace s3  }
0x95: {  	s3 =	sld [smem:$0x3FFD];
	_ =	sdelay $0x3  }
0x96: {  	_ =	strace s3  }
0x97: {  	_ =	strace $0x8FFFFFFF  }
0x98: {  	s19 =	sld [smem:$0x3FDB];
	_ =	sdelay $0x1  }
0x99: {  	s4 =	simm.s32 $_scs_section_size  }
0x9a: {  	s5 =	simm.s32 $_size__tile_overlayer_lowered;
	s6 =	simm.s32 $_tile_overlayer_lowered  }
0x9b: {  	s22 =	simm.s32 $0x1BFF;
	s21 =	sshll.u32 s6, $0x1;
	s3 =	sadd.s32 s4, s19  }
0x9c: {  	s7 =	simm.s32 $0x0;
	s20 =	sshll.u32 s5, $0x1;
	s5 =	sadd.s32 s21, s3  }
0x9d: {  	[timem:s7], [sflag:s22] =	dma.local [hbm:s5], s20  }
0x9e: {  	_ =	swait.ge [sflag:s22], s20  }
0x9f: {  	s4 =	ssub.s32 $0x0, s20;
	[sflag:s22] =	ssyncset.done $0x0  }
0xa0: {  	[sflag:s22] =	ssyncadd.s32 s4;
	_ =	sdelay $0x1  }
0xa1: {  	s23 =	simm.s32 $0x1B8B  }
0xa2: {  	_ =	swait.ge [sflag:s23], $0x1  }
0xa3: {  	[sflag:s23] =	ssyncset.done $0x0  }
0xa4: {  	s25 =	simm.s32 $0x1B8E;
	s24 =	sld [smem:$0x3FFE];
	[sflag:s23] =	ssyncadd.s32 $0xFFFFFFFF  }
0xa5: {  	s26 =	simm.s32 $execute0_lowered;
	[smem:$0x3FD2] =	sst s25  }
0xa6: {  	s5 =	sshll.u32 s26, $0x1;
	_ =	strace $0x8000004C;
	[dreg:$0x1] =	wrdreg $0xFFFFFFFF  }
0xa7: {  	s28 =	simm.s32 $_size_execute0_lowered;
	s3 =	sadd.s32 s3, s5;
	[dreg:$0x0] =	wrdreg $0x0  }
0xa8: {  	s5 =	sshll.u32 s28, $0x1;
	[dreg:$0x2] =	wrdreg s3  }
0xa9: {  	[dreg:$0x3] =	wrdreg s5  }
0xaa: {  	[dreg:$0x4] =	wrdreg $0xC0  }
0xab: {  	_ =	task [dreg:s7], $0x5FFFF  }
0xac: {  	[dreg:$0x1] =	wrdreg $0xFFFFFFFF  }
0xad: {  	[dreg:$0x0] =	wrdreg $0x60  }
0xae: {  	[dreg:$0x2] =	wrdreg s2  }
0xaf: {  	[dreg:$0x3] =	wrdreg s24  }
0xb0: {  	[dreg:$0x4] =	wrdreg $0x90000  }
0xb1: {  	[dreg:$0x5] =	wrdreg $0x9  }
0xb2: {  	_ =	task.clear_ibuf [dreg:s7], $0x6FFFF;
	_ =	strace $0x9000004C  }
0xb3: {  	s29 =	simm.s32 $0x9;
	_ =	strace $0x8000004E  }
0xb4: {  	_ =	swait.ge [sflag:s29], $0x1  }
0xb5: {  	[sflag:s29] =	ssyncadd.s32 $0xFFFFFFFF  }
0xb6: {  	_ =	strace $0x9000004E  }
0xb7: {  	_ =	sfence  }
0xb8: {  	s30 =	sld [smem:$0x0];
	_ =	sdelay $0x2  }
0xb9: {  	s31 =	sshll.u32 s1, $0xD;
	s1 =	sshrl.u32 s1, $0x2  }
0xba: {  	s3 =	sand.u32 $0x4000, s31;
	s1 =	sadd.s32 s1, s30  }
0xbb: {  	s0 =	sor.u32 s3, s0;
	s1 =	sshll.u32 s1, $0x11  }
0xbc: {  	s0 =	sor.u32 s1, s0  }
0xbd: {  	s0 =	sadd.s32 $0x8F2B, s0  }
0xbe: {  	[sflag:s0] =	ssyncadd.remote.s32 $0x1  }
0xbf: {  	_ =	sfence.sel $0xFFFF  }
0xc0: {  	[dreg:$0x0] =	wrdreg $0xFFFFFFFF;
	(pc) =	sbr.abs _section_cstart, $3  }
0xc1: {  	[dreg:$0x1] =	wrdreg $0xFFFFFFFF  }
0xc2: {  	_ =	task.clear_ibuf [dreg:s7], $0x2FFFF;
	_ =	strace $0x9FFFFFFF  }
0xc3: {  	(tm) =	ssettm $0x7FFFFFFF  }
tec
execute0_lowered:
.L_overlay_start_1:
0x0: {  	(tag) =	ssettag $0x1  }
0x1: {  	s2 =	srdreg.scid  }
0x2: {  	s0 =	stileid.u32;
	s1 =	rddreg [dreg:$0x0]  }
0x3: {  	s6 =	rddreg [dreg:$0x1];
	s9 =	smul.u32 $0x280, s0  }
0x4: {  	s3 =	rddreg [dreg:$0x2];
	s10 =	smul.u32 $0x50000, s0  }
0x5: {  	s5 =	sand.u32 $0x1, s2;
	s25 =	sshll.u32 s0, $0x1;
	s18 =	smul.u32 $0x2800, s0  }
0x6: {  	s4 =	simm.s32 $0x0;
	s2 =	sor.u32 s5, s25;
	s8 =	smul.u32 $0x28000, s5  }
0x7: {  	[smem:$0x7FF] =	sst s4;
	s5 =	ssub.s32 $0x2, s5;
	s7 =	smul.u32 $0x500, s2  }
0x8: {  	s2 =	rddreg [dreg:$0x3];
	_ =	strace $0x8000004D;
	s26 =	sshrl.u32 s5, $0x1  }
0x9: {  	s28 =	sshrl.u32 s10, $0x2;
	s13 =	sadd.s32 $0x80, s9;
	s15 =	sadd.s32 $0x100, s9  }
0xa: {  	s16 =	sadd.s32 $0x180, s9;
	s17 =	sadd.s32 $0x200, s9;
	s12 =	sadd.s32 s8, s6  }
0xb: {  	s14 =	ssub.s32 s5, s26;
	s5 =	sadd.s32 s28, s3;
	s29 =	sshll.u32 s13, $0x7  }
0xc: {  	s30 =	sshll.u32 s15, $0x7;
	s31 =	sshll.u32 s16, $0x7;
	s9 =	sshll.u32 s17, $0x7  }
0xd: {  	s19 =	sshll.u32 s13, $0x4;
	s20 =	sshll.u32 s15, $0x4;
	s21 =	sshll.u32 s16, $0x4  }
0xe: {  	s23 =	sshll.u32 s17, $0x4;
	s13 =	simm.s32 $0x5000;
	s15 =	simm.s32 $0x2800  }
0xf: {  	s16 =	simm.s32 $0x80;
	s17 =	simm.s32 $0x1;
	s11 =	sadd.s32 s7, s6  }
0x10: {  	s6 =	sadd.s32 s29, s3;
	s7 =	sadd.s32 s30, s3;
	s8 =	sadd.s32 s31, s3  }
0x11: {  	s9 =	sadd.s32 s9, s3;
	s22 =	sadd.s32 $0x5E00, s12;
	s12 =	smax.u32 s14, $0x1  }
0x12: {  	s14 =	simm.s32 $0x2;
	s10 =	sadd.s32 $0x55E00, s11;
	s11 =	sadd.s32 $0x5FE00, s11  }
0x13: {  	s18 =	sadd.s32 s18, s22;
	s19 =	sadd.s32 s19, s22;
	s20 =	sadd.s32 s20, s22  }
0x14: {  	v0 =	vimm.f32 $0.0e+00;
	s21 =	sadd.s32 s21, s22;
	s22 =	sadd.s32 s23, s22;
	s23 =	simm.s32 $0x0  }
.LBB2_1:
0x15: {  	s24 =	simm.s32 $0x0;
	s25 =	simm.s32 $0x200  }
.LBB2_2:
0x16: {  	p0 =	sne.s32 s25, $0xFE00;
	[tilespmem:s24+$0x5070] =	vst v0  }
0x17: {  	[tilespmem:s24+$0x5000] =	vst v0  }
0x18: {  	[tilespmem:s24+$0x5010] =	vst v0  }
.Ltmp0:
0x19: {  	[tilespmem:s24+$0x5020] =	vst v0;
	(pc) =	sbr.rel @p0 .LBB2_2-.Ltmp0, $4  }
0x1a: {  	[tilespmem:s24+$0x5030] =	vst v0  }
0x1b: {  	[tilespmem:s24+$0x5040] =	vst v0  }
0x1c: {  	[tilespmem:s24+$0x5050] =	vst v0  }
0x1d: {  	[tilespmem:s24+$0x5060] =	vst v0;
	s24 =	sshra.s32 s25, $0x2;
	s25 =	sadd.s32 $0x200, s25  }
0x1e: {  	[tilespmem:s24+$0x5070] =	vst v0  }
0x1f: {  	[tilespmem:s24+$0x5000] =	vst v0  }
0x20: {  	[tilespmem:s24+$0x5010] =	vst v0  }
0x21: {  	[tilespmem:s24+$0x5020] =	vst v0  }
0x22: {  	[tilespmem:s24+$0x5030] =	vst v0  }
0x23: {  	[tilespmem:s24+$0x5040] =	vst v0  }
0x24: {  	[tilespmem:s24+$0x5050] =	vst v0  }
0x25: {  	[tilespmem:s24+$0x5060] =	vst v0  }
0x26: {  	[spmem:s5] =	stream.linear.scatter [tilespmem:s13], [sflag:$0x2], $0x4000, $0x38;
	[tilespmem:$0x1D000] =	vst v63  }
0x27: {  	_ =	swait.ge [sflag:s14], $0x4000  }
0x28: {  	[sflag:s14] =	ssyncset.done $0x0  }
0x29: {  	[sflag:s14] =	ssyncadd.s32 $0xFFFFC000  }
0x2a: {  	[spmem:s6] =	stream.linear.scatter [tilespmem:s13], [sflag:$0x2], $0x4000, $0x38;
	[tilespmem:$0x1D000] =	vst v63  }
0x2b: {  	_ =	swait.ge [sflag:s14], $0x4000  }
0x2c: {  	[sflag:s14] =	ssyncset.done $0x0  }
0x2d: {  	[sflag:s14] =	ssyncadd.s32 $0xFFFFC000  }
0x2e: {  	[spmem:s7] =	stream.linear.scatter [tilespmem:s13], [sflag:$0x2], $0x4000, $0x38;
	[tilespmem:$0x1D000] =	vst v63  }
0x2f: {  	_ =	swait.ge [sflag:s14], $0x4000  }
0x30: {  	[sflag:s14] =	ssyncset.done $0x0  }
0x31: {  	[sflag:s14] =	ssyncadd.s32 $0xFFFFC000  }
0x32: {  	[spmem:s8] =	stream.linear.scatter [tilespmem:s13], [sflag:$0x2], $0x4000, $0x38;
	[tilespmem:$0x1D000] =	vst v63  }
0x33: {  	_ =	swait.ge [sflag:s14], $0x4000  }
0x34: {  	[sflag:s14] =	ssyncset.done $0x0  }
0x35: {  	[sflag:s14] =	ssyncadd.s32 $0xFFFFC000  }
0x36: {  	[spmem:s9] =	stream.linear.scatter [tilespmem:s13], [sflag:$0x2], $0x4000, $0x38;
	[tilespmem:$0x1D000] =	vst v63  }
0x37: {  	_ =	swait.ge [sflag:s14], $0x4000  }
0x38: {  	[sflag:s14] =	ssyncset.done $0x0  }
0x39: {  	[sflag:s14] =	ssyncadd.s32 $0xFFFFC000  }
0x3a: {  	s29 =	simm.s32 $0x0;
	[bflag:$0x0] =	sbarrier.arrive $0xFFFF  }
0x3b: {  	[tilespmem:s29], [sflag:$0x2] =	stream.linear.gather [hbm4b:s10+s29], $0x2800, $0x38;
	[tilespmem:$0x1D000] =	vst v63  }
0x3c: {  	_ =	swait.ge [sflag:s14], $0x2800  }
0x3d: {  	[sflag:s14] =	ssyncset.done $0x0  }
0x3e: {  	[sflag:s14] =	ssyncadd.s32 $0xFFFFD800  }
0x3f: {  	[tilespmem:s15], [sflag:$0x2] =	stream.linear.gather [hbm4b:s11+s29], $0x2800, $0x38;
	[tilespmem:$0x1D000] =	vst v63  }
0x40: {  	_ =	swait.ge [sflag:s14], $0x2800  }
0x41: {  	[sflag:s14] =	ssyncset.done $0x0  }
0x42: {  	s30 =	simm.s32 $0x0;
	[sflag:s14] =	ssyncadd.s32 $0xFFFFD800  }
0x43: {  	[tilespmem:s13], [sflag:$0x1] =	stream.indirect.gather [hbm4b:s1+s16], $0x80, s30, s16, $0xb8;
	[tilespmem:$0x1D000] =	vst v63  }
0x44: {  	_ =	swait.ge [sflag:s17], $0x4000  }
0x45: {  	[sflag:s17] =	ssyncset.done $0x0  }
0x46: {  	s31 =	simm.s32 $0x2800;
	[sflag:s17] =	ssyncadd.s32 $0xFFFFC000  }
0x47: {  	[spmem:s3] =	stream.indirect.scatter.add.f32 [tilespmem:s13], [sflag:$0x2], $0x80, s31, s16, $0xb8;
	[tilespmem:$0x1D000] =	vst v63  }
0x48: {  	_ =	swait.ge [sflag:s14], $0x4000  }
0x49: {  	s24 =	simm.s32 $0x200;
	s25 =	simm.s32 $0x400;
	[sflag:s14] =	ssyncset.done $0x0  }
.LBB2_4:
0x4a: {  	s26 =	sshra.s32 s24, $0x2  }
0x4b: {  	[sflag:s14] =	ssyncadd.s32 $0xFFFFC000;
	s24 =	smov.u32 s25;
	s28 =	sadd.s32 $0x200, s25  }
0x4c: {  	[tilespmem:s13], [sflag:$0x1] =	stream.indirect.gather [hbm4b:s1+s16], $0x80, s26, s16, $0xb8;
	[tilespmem:$0x1D000] =	vst v63  }
0x4d: {  	p0 =	sne.s32 s25, $0x9E00;
	_ =	swait.ge [sflag:s17], $0x4000  }
.Ltmp1:
0x4e: {  	[sflag:s17] =	ssyncset.done $0x0;
	(pc) =	sbr.rel @p0 .LBB2_4-.Ltmp1, $4  }
0x4f: {  	s25 =	sadd.s32 $0x2800, s26;
	[sflag:s17] =	ssyncadd.s32 $0xFFFFC000  }
0x50: {  	[spmem:s3] =	stream.indirect.scatter.add.f32 [tilespmem:s13], [sflag:$0x2], $0x80, s25, s16, $0xb8;
	[tilespmem:$0x1D000] =	vst v63  }
0x51: {  	_ =	swait.ge [sflag:s14], $0x4000  }
0x52: {  	s25 =	smov.u32 s28;
	[sflag:s14] =	ssyncset.done $0x0  }
0x53: {  	s24 =	sshra.s32 s24, $0x2;
	[sflag:s14] =	ssyncadd.s32 $0xFFFFC000  }
0x54: {  	[tilespmem:s13], [sflag:$0x1] =	stream.indirect.gather [hbm4b:s1+s16], $0x80, s24, s16, $0xb8;
	[tilespmem:$0x1D000] =	vst v63  }
0x55: {  	_ =	swait.ge [sflag:s17], $0x4000  }
0x56: {  	[sflag:s17] =	ssyncset.done $0x0  }
0x57: {  	s24 =	sadd.s32 $0x2800, s24;
	[sflag:s17] =	ssyncadd.s32 $0xFFFFC000  }
0x58: {  	[spmem:s3] =	stream.indirect.scatter.add.f32 [tilespmem:s13], [sflag:$0x2], $0x80, s24, s16, $0xb8;
	[tilespmem:$0x1D000] =	vst v63  }
0x59: {  	_ =	swait.ge [sflag:s14], $0x4000  }
0x5a: {  	[sflag:s14] =	ssyncset.done $0x0  }
0x5b: {  	[sflag:s14] =	ssyncadd.s32 $0xFFFFC000  }
0x5c: {  	[bflag:$0x0] =	sbarrier.arrive $0xFFFF  }
0x5d: {  	[tilespmem:s13], [sflag:$0x2] =	stream.linear.gather [spmem:s5], $0x4000, $0x38;
	[tilespmem:$0x1D000] =	vst v63  }
0x5e: {  	_ =	swait.ge [sflag:s14], $0x4000  }
0x5f: {  	[sflag:s14] =	ssyncset.done $0x0  }
0x60: {  	[sflag:s14] =	ssyncadd.s32 $0xFFFFC000  }
0x61: {  	[hbm4b:s18+s4] =	stream.linear.scatter [tilespmem:s13], [sflag:$0x2], $0x4000, $0x38;
	[tilespmem:$0x1D000] =	vst v63  }
0x62: {  	_ =	swait.ge [sflag:s14], $0x4000  }
0x63: {  	[sflag:s14] =	ssyncset.done $0x0  }
0x64: {  	[sflag:s14] =	ssyncadd.s32 $0xFFFFC000  }
0x65: {  	[tilespmem:s13], [sflag:$0x2] =	stream.linear.gather [spmem:s6], $0x4000, $0x38;
	[tilespmem:$0x1D000] =	vst v63  }
0x66: {  	_ =	swait.ge [sflag:s14], $0x4000  }
0x67: {  	[sflag:s14] =	ssyncset.done $0x0  }
0x68: {  	[sflag:s14] =	ssyncadd.s32 $0xFFFFC000  }
0x69: {  	[hbm4b:s19+s4] =	stream.linear.scatter [tilespmem:s13], [sflag:$0x2], $0x4000, $0x38;
	[tilespmem:$0x1D000] =	vst v63  }
0x6a: {  	_ =	swait.ge [sflag:s14], $0x4000  }
0x6b: {  	[sflag:s14] =	ssyncset.done $0x0  }
0x6c: {  	[sflag:s14] =	ssyncadd.s32 $0xFFFFC000  }
0x6d: {  	[tilespmem:s13], [sflag:$0x2] =	stream.linear.gather [spmem:s7], $0x4000, $0x38;
	[tilespmem:$0x1D000] =	vst v63  }
0x6e: {  	_ =	swait.ge [sflag:s14], $0x4000  }
0x6f: {  	[sflag:s14] =	ssyncset.done $0x0  }
0x70: {  	[sflag:s14] =	ssyncadd.s32 $0xFFFFC000  }
0x71: {  	[hbm4b:s20+s4] =	stream.linear.scatter [tilespmem:s13], [sflag:$0x2], $0x4000, $0x38;
	[tilespmem:$0x1D000] =	vst v63  }
0x72: {  	_ =	swait.ge [sflag:s14], $0x4000  }
0x73: {  	[sflag:s14] =	ssyncset.done $0x0  }
0x74: {  	[sflag:s14] =	ssyncadd.s32 $0xFFFFC000  }
0x75: {  	[tilespmem:s13], [sflag:$0x2] =	stream.linear.gather [spmem:s8], $0x4000, $0x38;
	[tilespmem:$0x1D000] =	vst v63  }
0x76: {  	_ =	swait.ge [sflag:s14], $0x4000  }
0x77: {  	[sflag:s14] =	ssyncset.done $0x0  }
0x78: {  	[sflag:s14] =	ssyncadd.s32 $0xFFFFC000  }
0x79: {  	[hbm4b:s21+s4] =	stream.linear.scatter [tilespmem:s13], [sflag:$0x2], $0x4000, $0x38;
	[tilespmem:$0x1D000] =	vst v63  }
0x7a: {  	_ =	swait.ge [sflag:s14], $0x4000  }
0x7b: {  	[sflag:s14] =	ssyncset.done $0x0  }
0x7c: {  	[sflag:s14] =	ssyncadd.s32 $0xFFFFC000  }
0x7d: {  	[tilespmem:s13], [sflag:$0x2] =	stream.linear.gather [spmem:s9], $0x4000, $0x38;
	[tilespmem:$0x1D000] =	vst v63  }
0x7e: {  	s23 =	sadd.s32 $0x1, s23;
	_ =	swait.ge [sflag:s14], $0x4000  }
0x7f: {  	p0 =	sne.s32 s23, s12;
	[sflag:s14] =	ssyncset.done $0x0  }
.Ltmp2:
0x80: {  	[sflag:s14] =	ssyncadd.s32 $0xFFFFC000;
	(pc) =	sbr.rel @p0 .LBB2_1-.Ltmp2, $4  }
0x81: {  	[hbm4b:s22+s4] =	stream.linear.scatter [tilespmem:s13], [sflag:$0x2], $0x4000, $0x38;
	[tilespmem:$0x1D000] =	vst v63  }
0x82: {  	_ =	swait.ge [sflag:s14], $0x4000  }
0x83: {  	[sflag:s14] =	ssyncset.done $0x0  }
0x84: {  	[sflag:s14] =	ssyncadd.s32 $0xFFFFC000  }
0x85: {  	_ =	sfence.sel $0x180000  }
0x86: {  	[bflag:$0x0] =	sbarrier.arrive $0xFFFF  }
0x87: {  	p0 =	sne.s32 s0, $0x0;
	_ =	strace $0x9000004D  }
0x88: {  	s0 =	sadd.s32 @!p0 $0x100000, s2;
	[bflag:$0x2] =	sbarrier.arrive $0xFFFF  }
0x89: {  	[sflag:s0] =	ssyncadd.tile.s32 @!p0 $0x1;
	_ =	shalt  }
.Lfunc_end2:
_tile_overlayer_lowered:
.L_overlay_start_2:
0x8a: {  	(tag) =	ssettag $0x2  }
0x8b: {  	s0 =	rddreg [dreg:$0x0];
	s2 =	stileid.u32  }
0x8c: {  	s1 =	rddreg [dreg:$0x1];
	p0 =	sne.s32 s2, $0x0  }
0x8d: {  	s3 =	rddreg [dreg:$0x2];
	[bflag:$0x3] =	sbarrier.arrive $0xFFFF;
	s2 =	simm.s32 @!p0 $0x1C02  }
0x8e: {  	[timem:s3], [sflag:s2] =	dma.local @!p0 [hbm:s0], s1  }
0x8f: {  	s0 =	simm.s32 @!p0 $0x2  }
0x90: {  	_ =	swait.ge @!p0 [sflag:s0], s1  }
0x91: {  	s1 =	ssub.s32 @!p0 $0x0, s1;
	[sflag:s0] =	ssyncset.done @!p0 $0x0  }
0x92: {  	[sflag:s0] =	ssyncadd.s32 @!p0 s1  }
0x93: {  	[bflag:$0x3] =	sbarrier.arrive $0xFFFF  }
0x94: {  	_ =	shalt  }

</sc_bundles>
